<compile_context>
chip_gen: v7x
topology: tpu7x:2x2x1
jax: 0.10.2.dev20260603
libtpu: 0.0.44.dev20260713+nightly
codegen_flags: <defaults>
</compile_context>

<pallas_src>
import functools

import jax
import jax.numpy as jnp
from jax import lax
from jax.experimental import pallas as pl
from jax.experimental.pallas import tpu as pltpu
from jax.experimental.pallas import tpu_sc as plsc

SEQ = 200
BATCH = 4096
DIM = 64

NC = 2
NS = 16
NW = NC * NS
BT = 128
NBT = BATCH // BT
NCHUNK = SEQ * NBT
CPW = NCHUNK // NW
TP = 129

_MESH = plsc.VectorSubcoreMesh(
    core_axis_name="c", subcore_axis_name="s", num_cores=NC, num_subcores=NS
)


@functools.partial(
    pl.kernel,
    out_type=jax.ShapeDtypeStruct((SEQ, DIM // 8, NBT, 8, BT), jnp.float32),
    mesh=_MESH,
    compiler_params=pltpu.CompilerParams(
        use_tc_tiling_on_sc=False, needs_layout_passes=False
    ),
    scratch_types=[
        pltpu.VMEM((CPW, BT), jnp.int32),
    ] + [pltpu.VMEM((BT, DIM), jnp.float32) for _ in range(5)]
      + [pltpu.VMEM((8, 8, TP), jnp.float32) for _ in range(5)]
      + [pltpu.SemaphoreType.DMA for _ in range(10)],
)
def _gather_kernel(table_hbm, idx_hbm, out_hbm, idx_v,
                   rows0, rows1, rows2, rows3, rows4, t0, t1, t2, t3, t4,
                   g0, g1, g2, g3, g4, w0, w1, w2, w3, w4):
    wid = lax.axis_index("s") * NC + lax.axis_index("c")
    base = wid * CPW

    pltpu.sync_copy(idx_hbm.at[pl.ds(base, CPW)], idx_v)

    bufs = ((rows0, t0, g0, w0), (rows1, t1, g1, w1),
            (rows2, t2, g2, w2), (rows3, t3, g3, w3),
            (rows4, t4, g4, w4))
    NBUF = len(bufs)

    lane = lax.iota(jnp.int32, 16)
    dtv = [(lane + 16 * gg) // 8 for gg in range(4)]
    drv = [(lane + 16 * gg) % 8 for gg in range(4)]

    def fire_gather(i, rows, sem):
        pltpu.async_copy(table_hbm.at[idx_v.at[i]], rows, sem)

    def out_block(i):
        c = base + i
        return out_hbm.at[c // NBT, :, c % NBT]

    def transpose(rows, tbuf):
        @plsc.parallel_loop(0, BT, unroll=4)
        def _bc(bc):
            bcv = lane * 0 + bc
            for gg in range(4):
                v = rows[bc, pl.ds(16 * gg, 16)]
                plsc.store_scatter(tbuf, [dtv[gg], drv[gg], bcv], v)

    for p, (rows, _, gsem, _) in enumerate(bufs):
        fire_gather(p, rows, gsem)

    @pl.loop(0, CPW, step=5)
    def _chunks(i):
        for p, (rows, tbuf, gsem, wsem) in enumerate(bufs):
            g = i + p
            pltpu.make_async_copy(table_hbm.at[idx_v.at[g]], rows, gsem).wait()

            @pl.when(g >= NBUF)
            def _():
                pltpu.make_async_copy(
                    tbuf.at[:, :, pl.ds(0, BT)], out_block(g - NBUF), wsem
                ).wait()

            transpose(rows, tbuf)
            pltpu.async_copy(tbuf.at[:, :, pl.ds(0, BT)], out_block(g), wsem)

            @pl.when(g + NBUF < CPW)
            def _():
                fire_gather(g + NBUF, rows, gsem)

    for p, (_, tbuf, _, wsem) in enumerate(bufs):
        pltpu.make_async_copy(
            tbuf.at[:, :, pl.ds(0, BT)], out_block(CPW - NBUF + p), wsem
        ).wait()


def kernel(input, table):
    idx = input.reshape(NCHUNK, BT)
    out5 = _gather_kernel(table, idx)
    return out5.transpose(0, 2, 4, 1, 3).reshape(SEQ, BATCH, DIM)

# --- scband reference (transcript-rebuilt; emitter-appended) ---
"""Pipeline reference for scband-embeddings-49778670961168 (READ-ONLY COPY).

The authoritative reference and input builder live on the scoring server;
editing this copy changes nothing except your own understanding.
"""

import jax, jax.numpy as jnp
import numpy as np

VOCAB = 1000000
DIM = 64
SEQ = 200
BATCH = 4096
PAD_IDX = 0


def setup_inputs(seed: int = 0) -> dict:
    key = jax.random.key(seed)
    k1, k2 = jax.random.split(key)
    # input: [len, batch, nfeat=1] word indices
    inp = jax.random.randint(k1, (SEQ, BATCH, 1), 0, VOCAB, dtype=jnp.int32)
    # word embedding table (nn.Embedding weight); padding_idx row zeroed like torch init
    table = jax.random.normal(k2, (VOCAB, DIM), dtype=jnp.float32)
    table = table.at[PAD_IDX].set(0.0)
    return {"input": inp, "table": table}


def reference(input, table):
    # Embeddings.forward: single word lut, feat_merge='concat' with no extra
    # features -> just embedding lookup; no positional encoding, dropout=0.
    idx = input[..., 0]  # [len, batch]
    emb = jnp.take(table, idx, axis=0)  # [len, batch, dim]
    return emb

if __name__ == "__main__":
    import jax
    _d = setup_inputs()
    print(jax.jit(kernel)(*tuple(_d.values())))

</pallas_src>

<mosaic_0001>
#map = affine_map<(d0, d1) -> (0, 0)>
#map1 = affine_map<(d0, d1) -> (0, 0, 0, 0, 0)>
module attributes {stable_mosaic.version = 14 : i64} {
  func.func @_gather_kernel(%arg0: i32, %arg1: i32, %arg2: memref<1000000x64xf32, #tpu.memory_space<hbm>>, %arg3: memref<6400x128xi32, #tpu.memory_space<hbm>>, %arg4: memref<200x8x32x8x128xf32, #tpu.memory_space<hbm>>, %arg5: memref<200x128xi32, #tpu.memory_space<vmem>>, %arg6: memref<128x64xf32, #tpu.memory_space<vmem>>, %arg7: memref<128x64xf32, #tpu.memory_space<vmem>>, %arg8: memref<128x64xf32, #tpu.memory_space<vmem>>, %arg9: memref<128x64xf32, #tpu.memory_space<vmem>>, %arg10: memref<128x64xf32, #tpu.memory_space<vmem>>, %arg11: memref<8x8x129xf32, #tpu.memory_space<vmem>>, %arg12: memref<8x8x129xf32, #tpu.memory_space<vmem>>, %arg13: memref<8x8x129xf32, #tpu.memory_space<vmem>>, %arg14: memref<8x8x129xf32, #tpu.memory_space<vmem>>, %arg15: memref<8x8x129xf32, #tpu.memory_space<vmem>>, %arg16: memref<!tpu.dma_semaphore, #tpu.memory_space<semaphore_mem>>, %arg17: memref<!tpu.dma_semaphore, #tpu.memory_space<semaphore_mem>>, %arg18: memref<!tpu.dma_semaphore, #tpu.memory_space<semaphore_mem>>, %arg19: memref<!tpu.dma_semaphore, #tpu.memory_space<semaphore_mem>>, %arg20: memref<!tpu.dma_semaphore, #tpu.memory_space<semaphore_mem>>, %arg21: memref<!tpu.dma_semaphore, #tpu.memory_space<semaphore_mem>>, %arg22: memref<!tpu.dma_semaphore, #tpu.memory_space<semaphore_mem>>, %arg23: memref<!tpu.dma_semaphore, #tpu.memory_space<semaphore_mem>>, %arg24: memref<!tpu.dma_semaphore, #tpu.memory_space<semaphore_mem>>, %arg25: memref<!tpu.dma_semaphore, #tpu.memory_space<semaphore_mem>>) attributes {dimension_semantics = [#tpu.dimension_semantics<core_parallel>, #tpu.dimension_semantics<subcore_parallel>], iteration_bounds = array<i64: 2, 16>, scalar_prefetch = 0 : i64, scratch_operands = 21 : i64, tpu.core_type = #tpu.core_type<sc_vector_subcore>, window_params = [{transform_indices = #map}, {transform_indices = #map}, {transform_indices = #map1}]} {
    %mul3A = arith.constant 2 : i32
    %mul3A_0 = arith.muli %arg1, %mul3A : i32
    %add3A = arith.addi %mul3A_0, %arg0 : i32
    %mul3A_1 = arith.constant 200 : i32
    %mul3A_2 = arith.muli %add3A, %mul3A_1 : i32
    "tpu.region"() ({
      %run_scoped3A = tpu.sem_alloc : memref<!tpu.dma_semaphore, #tpu.memory_space<semaphore_mem>>
      %dma_start3A_566 = arith.constant 0 : i32
      %dma_start3A_567 = tpu.memref_slice %arg3[%mul3A_2, %dma_start3A_566] : memref<6400x128xi32, #tpu.memory_space<hbm>> -> memref<200x128xi32, #tpu.memory_space<hbm>>
      %dma_start3A_568 = arith.constant 0 : i32
      %dma_start3A_569 = tpu.memref_slice %arg3[%mul3A_2, %dma_start3A_568] : memref<6400x128xi32, #tpu.memory_space<hbm>> -> memref<200x128xi32, #tpu.memory_space<hbm>>
      tpu.enqueue_dma source(%dma_start3A_569 : memref<200x128xi32, #tpu.memory_space<hbm>>) target(%arg5 : memref<200x128xi32, #tpu.memory_space<vmem>>) target_semaphore(%run_scoped3A : memref<!tpu.dma_semaphore, #tpu.memory_space<semaphore_mem>>)
      %dma_wait3A_570 = arith.constant 0 : i32
      %dma_wait3A_571 = tpu.memref_slice %arg3[%mul3A_2, %dma_wait3A_570] : memref<6400x128xi32, #tpu.memory_space<hbm>> -> memref<200x128xi32, #tpu.memory_space<hbm>>
      %dma_wait3A_572 = arith.constant 0 : i32
      %dma_wait3A_573 = tpu.memref_slice %arg3[%mul3A_2, %dma_wait3A_572] : memref<6400x128xi32, #tpu.memory_space<hbm>> -> memref<200x128xi32, #tpu.memory_space<hbm>>
      tpu.wait_dma2 semaphore(%run_scoped3A : memref<!tpu.dma_semaphore, #tpu.memory_space<semaphore_mem>>) src(%dma_wait3A_573 : memref<200x128xi32, #tpu.memory_space<hbm>>) dst(%arg5 : memref<200x128xi32, #tpu.memory_space<vmem>>)
      tpu.yield
    }) : () -> ()
    %iota3A = tpu.iota {dimensions = array<i32: 0>} : vector<16xi32>
    %add3A_3 = arith.constant 0 : i32
    %add3A_4 = vector.broadcast %add3A_3 : i32 to vector<16xi32>
    %add3A_5 = arith.addi %iota3A, %add3A_4 : vector<16xi32>
    %jit3A = arith.constant 8 : i32
    %div3A = vector.broadcast %jit3A : i32 to vector<16xi32>
    %div3A_6 = arith.divsi %add3A_5, %div3A : vector<16xi32>
    %sign3A = arith.constant 0 : i32
    %sign3A_7 = vector.broadcast %sign3A : i32 to vector<16xi32>
    %sign3A_8 = arith.cmpi sgt, %add3A_5, %sign3A_7 : vector<16xi32>
    %sign3A_9 = arith.extui %sign3A_8 : vector<16xi1> to vector<16xi32>
    %sign3A_10 = arith.constant 0 : i32
    %sign3A_11 = vector.broadcast %sign3A_10 : i32 to vector<16xi32>
    %sign3A_12 = arith.cmpi slt, %add3A_5, %sign3A_11 : vector<16xi32>
    %sign3A_13 = arith.extui %sign3A_12 : vector<16xi1> to vector<16xi32>
    %sign3A_14 = arith.subi %sign3A_9, %sign3A_13 : vector<16xi32>
    %sign3A_15 = arith.constant 0 : i32
    %sign3A_16 = arith.cmpi sgt, %jit3A, %sign3A_15 : i32
    %sign3A_17 = arith.extui %sign3A_16 : i1 to i32
    %sign3A_18 = arith.constant 0 : i32
    %sign3A_19 = arith.cmpi slt, %jit3A, %sign3A_18 : i32
    %sign3A_20 = arith.extui %sign3A_19 : i1 to i32
    %sign3A_21 = arith.subi %sign3A_17, %sign3A_20 : i32
    %ne3A = vector.broadcast %sign3A_21 : i32 to vector<16xi32>
    %ne3A_22 = arith.cmpi ne, %sign3A_14, %ne3A : vector<16xi32>
    %rem3A = vector.broadcast %jit3A : i32 to vector<16xi32>
    %rem3A_23 = arith.remsi %add3A_5, %rem3A : vector<16xi32>
    %ne3A_24 = arith.constant 0 : i32
    %ne3A_25 = vector.broadcast %ne3A_24 : i32 to vector<16xi32>
    %ne3A_26 = arith.cmpi ne, %rem3A_23, %ne3A_25 : vector<16xi32>
    %and3A = arith.andi %ne3A_22, %ne3A_26 : vector<16xi1>
    %sub3A = arith.constant 1 : i32
    %sub3A_27 = vector.broadcast %sub3A : i32 to vector<16xi32>
    %sub3A_28 = arith.subi %div3A_6, %sub3A_27 : vector<16xi32>
    %select_n3A = arith.select %and3A, %sub3A_28, %div3A_6 : vector<16xi1>, vector<16xi32>
    %add3A_29 = arith.constant 16 : i32
    %add3A_30 = vector.broadcast %add3A_29 : i32 to vector<16xi32>
    %add3A_31 = arith.addi %iota3A, %add3A_30 : vector<16xi32>
    %jit3A_32 = arith.constant 8 : i32
    %div3A_33 = vector.broadcast %jit3A_32 : i32 to vector<16xi32>
    %div3A_34 = arith.divsi %add3A_31, %div3A_33 : vector<16xi32>
    %sign3A_35 = arith.constant 0 : i32
    %sign3A_36 = vector.broadcast %sign3A_35 : i32 to vector<16xi32>
    %sign3A_37 = arith.cmpi sgt, %add3A_31, %sign3A_36 : vector<16xi32>
    %sign3A_38 = arith.extui %sign3A_37 : vector<16xi1> to vector<16xi32>
    %sign3A_39 = arith.constant 0 : i32
    %sign3A_40 = vector.broadcast %sign3A_39 : i32 to vector<16xi32>
    %sign3A_41 = arith.cmpi slt, %add3A_31, %sign3A_40 : vector<16xi32>
    %sign3A_42 = arith.extui %sign3A_41 : vector<16xi1> to vector<16xi32>
    %sign3A_43 = arith.subi %sign3A_38, %sign3A_42 : vector<16xi32>
    %sign3A_44 = arith.constant 0 : i32
    %sign3A_45 = arith.cmpi sgt, %jit3A_32, %sign3A_44 : i32
    %sign3A_46 = arith.extui %sign3A_45 : i1 to i32
    %sign3A_47 = arith.constant 0 : i32
    %sign3A_48 = arith.cmpi slt, %jit3A_32, %sign3A_47 : i32
    %sign3A_49 = arith.extui %sign3A_48 : i1 to i32
    %sign3A_50 = arith.subi %sign3A_46, %sign3A_49 : i32
    %ne3A_51 = vector.broadcast %sign3A_50 : i32 to vector<16xi32>
    %ne3A_52 = arith.cmpi ne, %sign3A_43, %ne3A_51 : vector<16xi32>
    %rem3A_53 = vector.broadcast %jit3A_32 : i32 to vector<16xi32>
    %rem3A_54 = arith.remsi %add3A_31, %rem3A_53 : vector<16xi32>
    %ne3A_55 = arith.constant 0 : i32
    %ne3A_56 = vector.broadcast %ne3A_55 : i32 to vector<16xi32>
    %ne3A_57 = arith.cmpi ne, %rem3A_54, %ne3A_56 : vector<16xi32>
    %and3A_58 = arith.andi %ne3A_52, %ne3A_57 : vector<16xi1>
    %sub3A_59 = arith.constant 1 : i32
    %sub3A_60 = vector.broadcast %sub3A_59 : i32 to vector<16xi32>
    %sub3A_61 = arith.subi %div3A_34, %sub3A_60 : vector<16xi32>
    %select_n3A_62 = arith.select %and3A_58, %sub3A_61, %div3A_34 : vector<16xi1>, vector<16xi32>
    %add3A_63 = arith.constant 32 : i32
    %add3A_64 = vector.broadcast %add3A_63 : i32 to vector<16xi32>
    %add3A_65 = arith.addi %iota3A, %add3A_64 : vector<16xi32>
    %jit3A_66 = arith.constant 8 : i32
    %div3A_67 = vector.broadcast %jit3A_66 : i32 to vector<16xi32>
    %div3A_68 = arith.divsi %add3A_65, %div3A_67 : vector<16xi32>
    %sign3A_69 = arith.constant 0 : i32
    %sign3A_70 = vector.broadcast %sign3A_69 : i32 to vector<16xi32>
    %sign3A_71 = arith.cmpi sgt, %add3A_65, %sign3A_70 : vector<16xi32>
    %sign3A_72 = arith.extui %sign3A_71 : vector<16xi1> to vector<16xi32>
    %sign3A_73 = arith.constant 0 : i32
    %sign3A_74 = vector.broadcast %sign3A_73 : i32 to vector<16xi32>
    %sign3A_75 = arith.cmpi slt, %add3A_65, %sign3A_74 : vector<16xi32>
    %sign3A_76 = arith.extui %sign3A_75 : vector<16xi1> to vector<16xi32>
    %sign3A_77 = arith.subi %sign3A_72, %sign3A_76 : vector<16xi32>
    %sign3A_78 = arith.constant 0 : i32
    %sign3A_79 = arith.cmpi sgt, %jit3A_66, %sign3A_78 : i32
    %sign3A_80 = arith.extui %sign3A_79 : i1 to i32
    %sign3A_81 = arith.constant 0 : i32
    %sign3A_82 = arith.cmpi slt, %jit3A_66, %sign3A_81 : i32
    %sign3A_83 = arith.extui %sign3A_82 : i1 to i32
    %sign3A_84 = arith.subi %sign3A_80, %sign3A_83 : i32
    %ne3A_85 = vector.broadcast %sign3A_84 : i32 to vector<16xi32>
    %ne3A_86 = arith.cmpi ne, %sign3A_77, %ne3A_85 : vector<16xi32>
    %rem3A_87 = vector.broadcast %jit3A_66 : i32 to vector<16xi32>
    %rem3A_88 = arith.remsi %add3A_65, %rem3A_87 : vector<16xi32>
    %ne3A_89 = arith.constant 0 : i32
    %ne3A_90 = vector.broadcast %ne3A_89 : i32 to vector<16xi32>
    %ne3A_91 = arith.cmpi ne, %rem3A_88, %ne3A_90 : vector<16xi32>
    %and3A_92 = arith.andi %ne3A_86, %ne3A_91 : vector<16xi1>
    %sub3A_93 = arith.constant 1 : i32
    %sub3A_94 = vector.broadcast %sub3A_93 : i32 to vector<16xi32>
    %sub3A_95 = arith.subi %div3A_68, %sub3A_94 : vector<16xi32>
    %select_n3A_96 = arith.select %and3A_92, %sub3A_95, %div3A_68 : vector<16xi1>, vector<16xi32>
    %add3A_97 = arith.constant 48 : i32
    %add3A_98 = vector.broadcast %add3A_97 : i32 to vector<16xi32>
    %add3A_99 = arith.addi %iota3A, %add3A_98 : vector<16xi32>
    %jit3A_100 = arith.constant 8 : i32
    %div3A_101 = vector.broadcast %jit3A_100 : i32 to vector<16xi32>
    %div3A_102 = arith.divsi %add3A_99, %div3A_101 : vector<16xi32>
    %sign3A_103 = arith.constant 0 : i32
    %sign3A_104 = vector.broadcast %sign3A_103 : i32 to vector<16xi32>
    %sign3A_105 = arith.cmpi sgt, %add3A_99, %sign3A_104 : vector<16xi32>
    %sign3A_106 = arith.extui %sign3A_105 : vector<16xi1> to vector<16xi32>
    %sign3A_107 = arith.constant 0 : i32
    %sign3A_108 = vector.broadcast %sign3A_107 : i32 to vector<16xi32>
    %sign3A_109 = arith.cmpi slt, %add3A_99, %sign3A_108 : vector<16xi32>
    %sign3A_110 = arith.extui %sign3A_109 : vector<16xi1> to vector<16xi32>
    %sign3A_111 = arith.subi %sign3A_106, %sign3A_110 : vector<16xi32>
    %sign3A_112 = arith.constant 0 : i32
    %sign3A_113 = arith.cmpi sgt, %jit3A_100, %sign3A_112 : i32
    %sign3A_114 = arith.extui %sign3A_113 : i1 to i32
    %sign3A_115 = arith.constant 0 : i32
    %sign3A_116 = arith.cmpi slt, %jit3A_100, %sign3A_115 : i32
    %sign3A_117 = arith.extui %sign3A_116 : i1 to i32
    %sign3A_118 = arith.subi %sign3A_114, %sign3A_117 : i32
    %ne3A_119 = vector.broadcast %sign3A_118 : i32 to vector<16xi32>
    %ne3A_120 = arith.cmpi ne, %sign3A_111, %ne3A_119 : vector<16xi32>
    %rem3A_121 = vector.broadcast %jit3A_100 : i32 to vector<16xi32>
    %rem3A_122 = arith.remsi %add3A_99, %rem3A_121 : vector<16xi32>
    %ne3A_123 = arith.constant 0 : i32
    %ne3A_124 = vector.broadcast %ne3A_123 : i32 to vector<16xi32>
    %ne3A_125 = arith.cmpi ne, %rem3A_122, %ne3A_124 : vector<16xi32>
    %and3A_126 = arith.andi %ne3A_120, %ne3A_125 : vector<16xi1>
    %sub3A_127 = arith.constant 1 : i32
    %sub3A_128 = vector.broadcast %sub3A_127 : i32 to vector<16xi32>
    %sub3A_129 = arith.subi %div3A_102, %sub3A_128 : vector<16xi32>
    %select_n3A_130 = arith.select %and3A_126, %sub3A_129, %div3A_102 : vector<16xi1>, vector<16xi32>
    %add3A_131 = arith.constant 0 : i32
    %add3A_132 = vector.broadcast %add3A_131 : i32 to vector<16xi32>
    %add3A_133 = arith.addi %iota3A, %add3A_132 : vector<16xi32>
    %jit3A_134 = arith.constant 8 : i32
    %eq3A = arith.constant 0 : i32
    %eq3A_135 = arith.cmpi eq, %jit3A_134, %eq3A : i32
    %jit3A_136 = arith.constant 1 : i32
    %select_n3A_137 = arith.select %eq3A_135, %jit3A_136, %jit3A_134 : i32
    %rem3A_138 = vector.broadcast %select_n3A_137 : i32 to vector<16xi32>
    %rem3A_139 = arith.remsi %add3A_133, %rem3A_138 : vector<16xi32>
    %ne3A_140 = arith.constant 0 : i32
    %ne3A_141 = vector.broadcast %ne3A_140 : i32 to vector<16xi32>
    %ne3A_142 = arith.cmpi ne, %rem3A_139, %ne3A_141 : vector<16xi32>
    %lt3A = arith.constant 0 : i32
    %lt3A_143 = vector.broadcast %lt3A : i32 to vector<16xi32>
    %lt3A_144 = arith.cmpi slt, %rem3A_139, %lt3A_143 : vector<16xi32>
    %lt3A_145 = arith.constant 0 : i32
    %lt3A_146 = arith.cmpi slt, %select_n3A_137, %lt3A_145 : i32
    %ne3A_147 = vector.broadcast %lt3A_146 : i1 to vector<16xi1>
    %ne3A_148 = vector.broadcast %ne3A_147 : vector<16xi1> to vector<16xi1>
    %ne3A_149 = arith.xori %lt3A_144, %ne3A_148 : vector<16xi1>
    %and3A_150 = arith.andi %ne3A_149, %ne3A_142 : vector<16xi1>
    %add3A_151 = vector.broadcast %select_n3A_137 : i32 to vector<16xi32>
    %add3A_152 = arith.addi %rem3A_139, %add3A_151 : vector<16xi32>
    %select_n3A_153 = arith.select %and3A_150, %add3A_152, %rem3A_139 : vector<16xi1>, vector<16xi32>
    %add3A_154 = arith.constant 16 : i32
    %add3A_155 = vector.broadcast %add3A_154 : i32 to vector<16xi32>
    %add3A_156 = arith.addi %iota3A, %add3A_155 : vector<16xi32>
    %jit3A_157 = arith.constant 8 : i32
    %eq3A_158 = arith.constant 0 : i32
    %eq3A_159 = arith.cmpi eq, %jit3A_157, %eq3A_158 : i32
    %jit3A_160 = arith.constant 1 : i32
    %select_n3A_161 = arith.select %eq3A_159, %jit3A_160, %jit3A_157 : i32
    %rem3A_162 = vector.broadcast %select_n3A_161 : i32 to vector<16xi32>
    %rem3A_163 = arith.remsi %add3A_156, %rem3A_162 : vector<16xi32>
    %ne3A_164 = arith.constant 0 : i32
    %ne3A_165 = vector.broadcast %ne3A_164 : i32 to vector<16xi32>
    %ne3A_166 = arith.cmpi ne, %rem3A_163, %ne3A_165 : vector<16xi32>
    %lt3A_167 = arith.constant 0 : i32
    %lt3A_168 = vector.broadcast %lt3A_167 : i32 to vector<16xi32>
    %lt3A_169 = arith.cmpi slt, %rem3A_163, %lt3A_168 : vector<16xi32>
    %lt3A_170 = arith.constant 0 : i32
    %lt3A_171 = arith.cmpi slt, %select_n3A_161, %lt3A_170 : i32
    %ne3A_172 = vector.broadcast %lt3A_171 : i1 to vector<16xi1>
    %ne3A_173 = vector.broadcast %ne3A_172 : vector<16xi1> to vector<16xi1>
    %ne3A_174 = arith.xori %lt3A_169, %ne3A_173 : vector<16xi1>
    %and3A_175 = arith.andi %ne3A_174, %ne3A_166 : vector<16xi1>
    %add3A_176 = vector.broadcast %select_n3A_161 : i32 to vector<16xi32>
    %add3A_177 = arith.addi %rem3A_163, %add3A_176 : vector<16xi32>
    %select_n3A_178 = arith.select %and3A_175, %add3A_177, %rem3A_163 : vector<16xi1>, vector<16xi32>
    %add3A_179 = arith.constant 32 : i32
    %add3A_180 = vector.broadcast %add3A_179 : i32 to vector<16xi32>
    %add3A_181 = arith.addi %iota3A, %add3A_180 : vector<16xi32>
    %jit3A_182 = arith.constant 8 : i32
    %eq3A_183 = arith.constant 0 : i32
    %eq3A_184 = arith.cmpi eq, %jit3A_182, %eq3A_183 : i32
    %jit3A_185 = arith.constant 1 : i32
    %select_n3A_186 = arith.select %eq3A_184, %jit3A_185, %jit3A_182 : i32
    %rem3A_187 = vector.broadcast %select_n3A_186 : i32 to vector<16xi32>
    %rem3A_188 = arith.remsi %add3A_181, %rem3A_187 : vector<16xi32>
    %ne3A_189 = arith.constant 0 : i32
    %ne3A_190 = vector.broadcast %ne3A_189 : i32 to vector<16xi32>
    %ne3A_191 = arith.cmpi ne, %rem3A_188, %ne3A_190 : vector<16xi32>
    %lt3A_192 = arith.constant 0 : i32
    %lt3A_193 = vector.broadcast %lt3A_192 : i32 to vector<16xi32>
    %lt3A_194 = arith.cmpi slt, %rem3A_188, %lt3A_193 : vector<16xi32>
    %lt3A_195 = arith.constant 0 : i32
    %lt3A_196 = arith.cmpi slt, %select_n3A_186, %lt3A_195 : i32
    %ne3A_197 = vector.broadcast %lt3A_196 : i1 to vector<16xi1>
    %ne3A_198 = vector.broadcast %ne3A_197 : vector<16xi1> to vector<16xi1>
    %ne3A_199 = arith.xori %lt3A_194, %ne3A_198 : vector<16xi1>
    %and3A_200 = arith.andi %ne3A_199, %ne3A_191 : vector<16xi1>
    %add3A_201 = vector.broadcast %select_n3A_186 : i32 to vector<16xi32>
    %add3A_202 = arith.addi %rem3A_188, %add3A_201 : vector<16xi32>
    %select_n3A_203 = arith.select %and3A_200, %add3A_202, %rem3A_188 : vector<16xi1>, vector<16xi32>
    %add3A_204 = arith.constant 48 : i32
    %add3A_205 = vector.broadcast %add3A_204 : i32 to vector<16xi32>
    %add3A_206 = arith.addi %iota3A, %add3A_205 : vector<16xi32>
    %jit3A_207 = arith.constant 8 : i32
    %eq3A_208 = arith.constant 0 : i32
    %eq3A_209 = arith.cmpi eq, %jit3A_207, %eq3A_208 : i32
    %jit3A_210 = arith.constant 1 : i32
    %select_n3A_211 = arith.select %eq3A_209, %jit3A_210, %jit3A_207 : i32
    %rem3A_212 = vector.broadcast %select_n3A_211 : i32 to vector<16xi32>
    %rem3A_213 = arith.remsi %add3A_206, %rem3A_212 : vector<16xi32>
    %ne3A_214 = arith.constant 0 : i32
    %ne3A_215 = vector.broadcast %ne3A_214 : i32 to vector<16xi32>
    %ne3A_216 = arith.cmpi ne, %rem3A_213, %ne3A_215 : vector<16xi32>
    %lt3A_217 = arith.constant 0 : i32
    %lt3A_218 = vector.broadcast %lt3A_217 : i32 to vector<16xi32>
    %lt3A_219 = arith.cmpi slt, %rem3A_213, %lt3A_218 : vector<16xi32>
    %lt3A_220 = arith.constant 0 : i32
    %lt3A_221 = arith.cmpi slt, %select_n3A_211, %lt3A_220 : i32
    %ne3A_222 = vector.broadcast %lt3A_221 : i1 to vector<16xi1>
    %ne3A_223 = vector.broadcast %ne3A_222 : vector<16xi1> to vector<16xi1>
    %ne3A_224 = arith.xori %lt3A_219, %ne3A_223 : vector<16xi1>
    %and3A_225 = arith.andi %ne3A_224, %ne3A_216 : vector<16xi1>
    %add3A_226 = vector.broadcast %select_n3A_211 : i32 to vector<16xi32>
    %add3A_227 = arith.addi %rem3A_213, %add3A_226 : vector<16xi32>
    %select_n3A_228 = arith.select %and3A_225, %add3A_227, %rem3A_213 : vector<16xi1>, vector<16xi32>
    %dma_start3A = arith.constant 0 : i32
    %dma_start3A_229 = arith.constant 0 : i32
    %dma_start3A_230 = tpu.memref_slice %arg5[%dma_start3A, %dma_start3A_229] : memref<200x128xi32, #tpu.memory_space<vmem>> -> memref<1x128xi32, #tpu.memory_space<vmem>>
    %dma_start3A_231 = tpu.memref_squeeze %dma_start3A_230 : memref<1x128xi32, #tpu.memory_space<vmem>> -> memref<128xi32, #tpu.memory_space<vmem>>
    %dma_start3A_232 = arith.constant 0 : i32
    %dma_start3A_233 = arith.constant 0 : i32
    %dma_start3A_234 = tpu.memref_slice %arg2[%dma_start3A_232, %dma_start3A_233] : memref<1000000x64xf32, #tpu.memory_space<hbm>> -> memref<1000000x64xf32, #tpu.memory_space<hbm>>
    tpu.enqueue_indirect_dma source(%dma_start3A_234 : memref<1000000x64xf32, #tpu.memory_space<hbm>>) target(%arg6 : memref<128x64xf32, #tpu.memory_space<vmem>>) offsets(%dma_start3A_231 : memref<128xi32, #tpu.memory_space<vmem>>) semaphore(%arg16 : memref<!tpu.dma_semaphore, #tpu.memory_space<semaphore_mem>>)
    %dma_start3A_235 = arith.constant 1 : i32
    %dma_start3A_236 = arith.constant 0 : i32
    %dma_start3A_237 = tpu.memref_slice %arg5[%dma_start3A_235, %dma_start3A_236] : memref<200x128xi32, #tpu.memory_space<vmem>> -> memref<1x128xi32, #tpu.memory_space<vmem>>
    %dma_start3A_238 = tpu.memref_squeeze %dma_start3A_237 : memref<1x128xi32, #tpu.memory_space<vmem>> -> memref<128xi32, #tpu.memory_space<vmem>>
    %dma_start3A_239 = arith.constant 0 : i32
    %dma_start3A_240 = arith.constant 0 : i32
    %dma_start3A_241 = tpu.memref_slice %arg2[%dma_start3A_239, %dma_start3A_240] : memref<1000000x64xf32, #tpu.memory_space<hbm>> -> memref<1000000x64xf32, #tpu.memory_space<hbm>>
    tpu.enqueue_indirect_dma source(%dma_start3A_241 : memref<1000000x64xf32, #tpu.memory_space<hbm>>) target(%arg7 : memref<128x64xf32, #tpu.memory_space<vmem>>) offsets(%dma_start3A_238 : memref<128xi32, #tpu.memory_space<vmem>>) semaphore(%arg17 : memref<!tpu.dma_semaphore, #tpu.memory_space<semaphore_mem>>)
    %dma_start3A_242 = arith.constant 2 : i32
    %dma_start3A_243 = arith.constant 0 : i32
    %dma_start3A_244 = tpu.memref_slice %arg5[%dma_start3A_242, %dma_start3A_243] : memref<200x128xi32, #tpu.memory_space<vmem>> -> memref<1x128xi32, #tpu.memory_space<vmem>>
    %dma_start3A_245 = tpu.memref_squeeze %dma_start3A_244 : memref<1x128xi32, #tpu.memory_space<vmem>> -> memref<128xi32, #tpu.memory_space<vmem>>
    %dma_start3A_246 = arith.constant 0 : i32
    %dma_start3A_247 = arith.constant 0 : i32
    %dma_start3A_248 = tpu.memref_slice %arg2[%dma_start3A_246, %dma_start3A_247] : memref<1000000x64xf32, #tpu.memory_space<hbm>> -> memref<1000000x64xf32, #tpu.memory_space<hbm>>
    tpu.enqueue_indirect_dma source(%dma_start3A_248 : memref<1000000x64xf32, #tpu.memory_space<hbm>>) target(%arg8 : memref<128x64xf32, #tpu.memory_space<vmem>>) offsets(%dma_start3A_245 : memref<128xi32, #tpu.memory_space<vmem>>) semaphore(%arg18 : memref<!tpu.dma_semaphore, #tpu.memory_space<semaphore_mem>>)
    %dma_start3A_249 = arith.constant 3 : i32
    %dma_start3A_250 = arith.constant 0 : i32
    %dma_start3A_251 = tpu.memref_slice %arg5[%dma_start3A_249, %dma_start3A_250] : memref<200x128xi32, #tpu.memory_space<vmem>> -> memref<1x128xi32, #tpu.memory_space<vmem>>
    %dma_start3A_252 = tpu.memref_squeeze %dma_start3A_251 : memref<1x128xi32, #tpu.memory_space<vmem>> -> memref<128xi32, #tpu.memory_space<vmem>>
    %dma_start3A_253 = arith.constant 0 : i32
    %dma_start3A_254 = arith.constant 0 : i32
    %dma_start3A_255 = tpu.memref_slice %arg2[%dma_start3A_253, %dma_start3A_254] : memref<1000000x64xf32, #tpu.memory_space<hbm>> -> memref<1000000x64xf32, #tpu.memory_space<hbm>>
    tpu.enqueue_indirect_dma source(%dma_start3A_255 : memref<1000000x64xf32, #tpu.memory_space<hbm>>) target(%arg9 : memref<128x64xf32, #tpu.memory_space<vmem>>) offsets(%dma_start3A_252 : memref<128xi32, #tpu.memory_space<vmem>>) semaphore(%arg19 : memref<!tpu.dma_semaphore, #tpu.memory_space<semaphore_mem>>)
    %dma_start3A_256 = arith.constant 4 : i32
    %dma_start3A_257 = arith.constant 0 : i32
    %dma_start3A_258 = tpu.memref_slice %arg5[%dma_start3A_256, %dma_start3A_257] : memref<200x128xi32, #tpu.memory_space<vmem>> -> memref<1x128xi32, #tpu.memory_space<vmem>>
    %dma_start3A_259 = tpu.memref_squeeze %dma_start3A_258 : memref<1x128xi32, #tpu.memory_space<vmem>> -> memref<128xi32, #tpu.memory_space<vmem>>
    %dma_start3A_260 = arith.constant 0 : i32
    %dma_start3A_261 = arith.constant 0 : i32
    %dma_start3A_262 = tpu.memref_slice %arg2[%dma_start3A_260, %dma_start3A_261] : memref<1000000x64xf32, #tpu.memory_space<hbm>> -> memref<1000000x64xf32, #tpu.memory_space<hbm>>
    tpu.enqueue_indirect_dma source(%dma_start3A_262 : memref<1000000x64xf32, #tpu.memory_space<hbm>>) target(%arg10 : memref<128x64xf32, #tpu.memory_space<vmem>>) offsets(%dma_start3A_259 : memref<128xi32, #tpu.memory_space<vmem>>) semaphore(%arg20 : memref<!tpu.dma_semaphore, #tpu.memory_space<semaphore_mem>>)
    %scan3A = arith.constant 0 : i32
    %scan3A_263 = arith.constant 40 : i32
    %scan3A_264 = arith.addi %scan3A, %scan3A_263 : i32
    %scan3A_265 = arith.constant 1 : i32
    scf.for %scan3A_566 = %scan3A to %scan3A_264 step %scan3A_265  : i32 {
      %mul3A_567 = arith.constant 5 : i32
      %mul3A_568 = arith.muli %scan3A_566, %mul3A_567 : i32
      %add3A_569 = arith.constant 0 : i32
      %add3A_570 = arith.addi %add3A_569, %mul3A_568 : i32
      %add3A_571 = arith.constant 0 : i32
      %add3A_572 = arith.addi %add3A_570, %add3A_571 : i32
      %dma_wait3A_573 = arith.constant 0 : i32
      %dma_wait3A_574 = tpu.memref_slice %arg5[%add3A_572, %dma_wait3A_573] : memref<200x128xi32, #tpu.memory_space<vmem>> -> memref<1x128xi32, #tpu.memory_space<vmem>>
      %dma_wait3A_575 = tpu.memref_squeeze %dma_wait3A_574 : memref<1x128xi32, #tpu.memory_space<vmem>> -> memref<128xi32, #tpu.memory_space<vmem>>
      %dma_wait3A_576 = arith.constant 0 : i32
      %dma_wait3A_577 = arith.constant 0 : i32
      %dma_wait3A_578 = tpu.memref_slice %arg2[%dma_wait3A_576, %dma_wait3A_577] : memref<1000000x64xf32, #tpu.memory_space<hbm>> -> memref<1000000x64xf32, #tpu.memory_space<hbm>>
      tpu.wait_indirect_dma semaphore(%arg16 : memref<!tpu.dma_semaphore, #tpu.memory_space<semaphore_mem>>) src(%dma_wait3A_578 : memref<1000000x64xf32, #tpu.memory_space<hbm>>) dst(%arg6 : memref<128x64xf32, #tpu.memory_space<vmem>>)
      %ge3A = arith.constant 5 : i32
      %ge3A_579 = arith.cmpi sge, %add3A_572, %ge3A : i32
      %convert_element_type3A = arith.extui %ge3A_579 : i1 to i32
      %cond3A = arith.constant 0 : i32
      %cond3A_580 = arith.cmpi ne, %convert_element_type3A, %cond3A : i32
      scf.if %cond3A_580 {
        %sub3A_977 = arith.constant 5 : i32
        %sub3A_978 = arith.subi %add3A_572, %sub3A_977 : i32
        %add3A_979 = arith.addi %mul3A_2, %sub3A_978 : i32
        %jit3A_980 = arith.constant 32 : i32
        %div3A_981 = arith.divsi %add3A_979, %jit3A_980 : i32
        %sign3A_982 = arith.constant 0 : i32
        %sign3A_983 = arith.cmpi sgt, %add3A_979, %sign3A_982 : i32
        %sign3A_984 = arith.extui %sign3A_983 : i1 to i32
        %sign3A_985 = arith.constant 0 : i32
        %sign3A_986 = arith.cmpi slt, %add3A_979, %sign3A_985 : i32
        %sign3A_987 = arith.extui %sign3A_986 : i1 to i32
        %sign3A_988 = arith.subi %sign3A_984, %sign3A_987 : i32
        %sign3A_989 = arith.constant 0 : i32
        %sign3A_990 = arith.cmpi sgt, %jit3A_980, %sign3A_989 : i32
        %sign3A_991 = arith.extui %sign3A_990 : i1 to i32
        %sign3A_992 = arith.constant 0 : i32
        %sign3A_993 = arith.cmpi slt, %jit3A_980, %sign3A_992 : i32
        %sign3A_994 = arith.extui %sign3A_993 : i1 to i32
        %sign3A_995 = arith.subi %sign3A_991, %sign3A_994 : i32
        %ne3A_996 = arith.cmpi ne, %sign3A_988, %sign3A_995 : i32
        %rem3A_997 = arith.remsi %add3A_979, %jit3A_980 : i32
        %ne3A_998 = arith.constant 0 : i32
        %ne3A_999 = arith.cmpi ne, %rem3A_997, %ne3A_998 : i32
        %and3A_1000 = arith.andi %ne3A_996, %ne3A_999 : i1
        %sub3A_1001 = arith.constant 1 : i32
        %sub3A_1002 = arith.subi %div3A_981, %sub3A_1001 : i32
        %select_n3A_1003 = arith.select %and3A_1000, %sub3A_1002, %div3A_981 : i32
        %jit3A_1004 = arith.constant 32 : i32
        %eq3A_1005 = arith.constant 0 : i32
        %eq3A_1006 = arith.cmpi eq, %jit3A_1004, %eq3A_1005 : i32
        %jit3A_1007 = arith.constant 1 : i32
        %select_n3A_1008 = arith.select %eq3A_1006, %jit3A_1007, %jit3A_1004 : i32
        %rem3A_1009 = arith.remsi %add3A_979, %select_n3A_1008 : i32
        %ne3A_1010 = arith.constant 0 : i32
        %ne3A_1011 = arith.cmpi ne, %rem3A_1009, %ne3A_1010 : i32
        %lt3A_1012 = arith.constant 0 : i32
        %lt3A_1013 = arith.cmpi slt, %rem3A_1009, %lt3A_1012 : i32
        %lt3A_1014 = arith.constant 0 : i32
        %lt3A_1015 = arith.cmpi slt, %select_n3A_1008, %lt3A_1014 : i32
        %ne3A_1016 = arith.xori %lt3A_1013, %lt3A_1015 : i1
        %and3A_1017 = arith.andi %ne3A_1016, %ne3A_1011 : i1
        %add3A_1018 = arith.addi %rem3A_1009, %select_n3A_1008 : i32
        %select_n3A_1019 = arith.select %and3A_1017, %add3A_1018, %rem3A_1009 : i32
        %dma_wait3A_1020 = arith.constant 0 : i32
        %dma_wait3A_1021 = arith.constant 0 : i32
        %dma_wait3A_1022 = arith.constant 0 : i32
        %dma_wait3A_1023 = tpu.memref_slice %arg11[%dma_wait3A_1020, %dma_wait3A_1021, %dma_wait3A_1022] : memref<8x8x129xf32, #tpu.memory_space<vmem>> -> memref<8x8x128xf32, #tpu.memory_space<vmem>>
        %dma_wait3A_1024 = arith.constant 0 : i32
        %dma_wait3A_1025 = arith.constant 0 : i32
        %dma_wait3A_1026 = arith.constant 0 : i32
        %dma_wait3A_1027 = tpu.memref_slice %arg4[%select_n3A_1003, %dma_wait3A_1024, %select_n3A_1019, %dma_wait3A_1025, %dma_wait3A_1026] : memref<200x8x32x8x128xf32, #tpu.memory_space<hbm>> -> memref<1x8x1x8x128xf32, #tpu.memory_space<hbm>>
        %dma_wait3A_1028 = tpu.memref_squeeze %dma_wait3A_1027 : memref<1x8x1x8x128xf32, #tpu.memory_space<hbm>> -> memref<8x8x128xf32, #tpu.memory_space<hbm>>
        %dma_wait3A_1029 = arith.constant 0 : i32
        %dma_wait3A_1030 = arith.constant 0 : i32
        %dma_wait3A_1031 = arith.constant 0 : i32
        %dma_wait3A_1032 = tpu.memref_slice %arg4[%select_n3A_1003, %dma_wait3A_1029, %select_n3A_1019, %dma_wait3A_1030, %dma_wait3A_1031] : memref<200x8x32x8x128xf32, #tpu.memory_space<hbm>> -> memref<1x8x1x8x128xf32, #tpu.memory_space<hbm>>
        %dma_wait3A_1033 = tpu.memref_squeeze %dma_wait3A_1032 : memref<1x8x1x8x128xf32, #tpu.memory_space<hbm>> -> memref<8x8x128xf32, #tpu.memory_space<hbm>>
        %dma_wait3A_1034 = arith.constant 0 : i32
        %dma_wait3A_1035 = arith.constant 0 : i32
        %dma_wait3A_1036 = arith.constant 0 : i32
        %dma_wait3A_1037 = tpu.memref_slice %arg11[%dma_wait3A_1034, %dma_wait3A_1035, %dma_wait3A_1036] : memref<8x8x129xf32, #tpu.memory_space<vmem>> -> memref<8x8x128xf32, #tpu.memory_space<vmem>>
        tpu.wait_dma2 semaphore(%arg21 : memref<!tpu.dma_semaphore, #tpu.memory_space<semaphore_mem>>) src(%dma_wait3A_1037 : memref<8x8x128xf32, #tpu.memory_space<vmem>>) dst(%dma_wait3A_1033 : memref<8x8x128xf32, #tpu.memory_space<hbm>>)
      } else {
      }
      %parallel_loop3A = arith.constant 0 : i32
      %parallel_loop3A_581 = arith.constant 128 : i32
      %parallel_loop3A_582 = arith.constant 1 : i32
      scf.for %parallel_loop3A_977 = %parallel_loop3A to %parallel_loop3A_581 step %parallel_loop3A_582  : i32 {
        %parallel_loop3A_978 = arith.constant 0 : i32
        %parallel_loop3A_979 = vector.broadcast %parallel_loop3A_978 : i32 to vector<16xi32>
        %parallel_loop3A_980 = arith.muli %iota3A, %parallel_loop3A_979 : vector<16xi32>
        %parallel_loop3A_981 = vector.broadcast %parallel_loop3A_977 : i32 to vector<16xi32>
        %parallel_loop3A_982 = arith.addi %parallel_loop3A_980, %parallel_loop3A_981 : vector<16xi32>
        %parallel_loop3A_983 = arith.index_cast %parallel_loop3A_977 : i32 to index
        %parallel_loop3A_984 = arith.constant 0 : index
        %parallel_loop3A_985 = tpu.vector_load %arg6[%parallel_loop3A_983, %parallel_loop3A_984] {strides = array<i32>} : memref<128x64xf32, #tpu.memory_space<vmem>>, vector<16xf32>,
        tpu.vector_store_idx %arg11[%select_n3A, %select_n3A_153, %parallel_loop3A_982], %parallel_loop3A_985 : memref<8x8x129xf32, #tpu.memory_space<vmem>>[vector<16xi32>, vector<16xi32>, vector<16xi32>], vector<16xf32>,
        %parallel_loop3A_986 = arith.index_cast %parallel_loop3A_977 : i32 to index
        %parallel_loop3A_987 = arith.constant 16 : index
        %parallel_loop3A_988 = tpu.vector_load %arg6[%parallel_loop3A_986, %parallel_loop3A_987] {strides = array<i32>} : memref<128x64xf32, #tpu.memory_space<vmem>>, vector<16xf32>,
        tpu.vector_store_idx %arg11[%select_n3A_62, %select_n3A_178, %parallel_loop3A_982], %parallel_loop3A_988 : memref<8x8x129xf32, #tpu.memory_space<vmem>>[vector<16xi32>, vector<16xi32>, vector<16xi32>], vector<16xf32>,
        %parallel_loop3A_989 = arith.index_cast %parallel_loop3A_977 : i32 to index
        %parallel_loop3A_990 = arith.constant 32 : index
        %parallel_loop3A_991 = tpu.vector_load %arg6[%parallel_loop3A_989, %parallel_loop3A_990] {strides = array<i32>} : memref<128x64xf32, #tpu.memory_space<vmem>>, vector<16xf32>,
        tpu.vector_store_idx %arg11[%select_n3A_96, %select_n3A_203, %parallel_loop3A_982], %parallel_loop3A_991 : memref<8x8x129xf32, #tpu.memory_space<vmem>>[vector<16xi32>, vector<16xi32>, vector<16xi32>], vector<16xf32>,
        %parallel_loop3A_992 = arith.index_cast %parallel_loop3A_977 : i32 to index
        %parallel_loop3A_993 = arith.constant 48 : index
        %parallel_loop3A_994 = tpu.vector_load %arg6[%parallel_loop3A_992, %parallel_loop3A_993] {strides = array<i32>} : memref<128x64xf32, #tpu.memory_space<vmem>>, vector<16xf32>,
        tpu.vector_store_idx %arg11[%select_n3A_130, %select_n3A_228, %parallel_loop3A_982], %parallel_loop3A_994 : memref<8x8x129xf32, #tpu.memory_space<vmem>>[vector<16xi32>, vector<16xi32>, vector<16xi32>], vector<16xf32>,
      } {sc.loop_unroll_factor = 4 : i64, sc.parallel_access}
      %add3A_583 = arith.addi %mul3A_2, %add3A_572 : i32
      %jit3A_584 = arith.constant 32 : i32
      %div3A_585 = arith.divsi %add3A_583, %jit3A_584 : i32
      %sign3A_586 = arith.constant 0 : i32
      %sign3A_587 = arith.cmpi sgt, %add3A_583, %sign3A_586 : i32
      %sign3A_588 = arith.extui %sign3A_587 : i1 to i32
      %sign3A_589 = arith.constant 0 : i32
      %sign3A_590 = arith.cmpi slt, %add3A_583, %sign3A_589 : i32
      %sign3A_591 = arith.extui %sign3A_590 : i1 to i32
      %sign3A_592 = arith.subi %sign3A_588, %sign3A_591 : i32
      %sign3A_593 = arith.constant 0 : i32
      %sign3A_594 = arith.cmpi sgt, %jit3A_584, %sign3A_593 : i32
      %sign3A_595 = arith.extui %sign3A_594 : i1 to i32
      %sign3A_596 = arith.constant 0 : i32
      %sign3A_597 = arith.cmpi slt, %jit3A_584, %sign3A_596 : i32
      %sign3A_598 = arith.extui %sign3A_597 : i1 to i32
      %sign3A_599 = arith.subi %sign3A_595, %sign3A_598 : i32
      %ne3A_600 = arith.cmpi ne, %sign3A_592, %sign3A_599 : i32
      %rem3A_601 = arith.remsi %add3A_583, %jit3A_584 : i32
      %ne3A_602 = arith.constant 0 : i32
      %ne3A_603 = arith.cmpi ne, %rem3A_601, %ne3A_602 : i32
      %and3A_604 = arith.andi %ne3A_600, %ne3A_603 : i1
      %sub3A_605 = arith.constant 1 : i32
      %sub3A_606 = arith.subi %div3A_585, %sub3A_605 : i32
      %select_n3A_607 = arith.select %and3A_604, %sub3A_606, %div3A_585 : i32
      %jit3A_608 = arith.constant 32 : i32
      %eq3A_609 = arith.constant 0 : i32
      %eq3A_610 = arith.cmpi eq, %jit3A_608, %eq3A_609 : i32
      %jit3A_611 = arith.constant 1 : i32
      %select_n3A_612 = arith.select %eq3A_610, %jit3A_611, %jit3A_608 : i32
      %rem3A_613 = arith.remsi %add3A_583, %select_n3A_612 : i32
      %ne3A_614 = arith.constant 0 : i32
      %ne3A_615 = arith.cmpi ne, %rem3A_613, %ne3A_614 : i32
      %lt3A_616 = arith.constant 0 : i32
      %lt3A_617 = arith.cmpi slt, %rem3A_613, %lt3A_616 : i32
      %lt3A_618 = arith.constant 0 : i32
      %lt3A_619 = arith.cmpi slt, %select_n3A_612, %lt3A_618 : i32
      %ne3A_620 = arith.xori %lt3A_617, %lt3A_619 : i1
      %and3A_621 = arith.andi %ne3A_620, %ne3A_615 : i1
      %add3A_622 = arith.addi %rem3A_613, %select_n3A_612 : i32
      %select_n3A_623 = arith.select %and3A_621, %add3A_622, %rem3A_613 : i32
      %dma_start3A_624 = arith.constant 0 : i32
      %dma_start3A_625 = arith.constant 0 : i32
      %dma_start3A_626 = arith.constant 0 : i32
      %dma_start3A_627 = tpu.memref_slice %arg11[%dma_start3A_624, %dma_start3A_625, %dma_start3A_626] : memref<8x8x129xf32, #tpu.memory_space<vmem>> -> memref<8x8x128xf32, #tpu.memory_space<vmem>>
      %dma_start3A_628 = arith.constant 0 : i32
      %dma_start3A_629 = arith.constant 0 : i32
      %dma_start3A_630 = arith.constant 0 : i32
      %dma_start3A_631 = tpu.memref_slice %arg4[%select_n3A_607, %dma_start3A_628, %select_n3A_623, %dma_start3A_629, %dma_start3A_630] : memref<200x8x32x8x128xf32, #tpu.memory_space<hbm>> -> memref<1x8x1x8x128xf32, #tpu.memory_space<hbm>>
      %dma_start3A_632 = tpu.memref_squeeze %dma_start3A_631 : memref<1x8x1x8x128xf32, #tpu.memory_space<hbm>> -> memref<8x8x128xf32, #tpu.memory_space<hbm>>
      %dma_start3A_633 = arith.constant 0 : i32
      %dma_start3A_634 = arith.constant 0 : i32
      %dma_start3A_635 = arith.constant 0 : i32
      %dma_start3A_636 = tpu.memref_slice %arg4[%select_n3A_607, %dma_start3A_633, %select_n3A_623, %dma_start3A_634, %dma_start3A_635] : memref<200x8x32x8x128xf32, #tpu.memory_space<hbm>> -> memref<1x8x1x8x128xf32, #tpu.memory_space<hbm>>
      %dma_start3A_637 = tpu.memref_squeeze %dma_start3A_636 : memref<1x8x1x8x128xf32, #tpu.memory_space<hbm>> -> memref<8x8x128xf32, #tpu.memory_space<hbm>>
      %dma_start3A_638 = arith.constant 0 : i32
      %dma_start3A_639 = arith.constant 0 : i32
      %dma_start3A_640 = arith.constant 0 : i32
      %dma_start3A_641 = tpu.memref_slice %arg11[%dma_start3A_638, %dma_start3A_639, %dma_start3A_640] : memref<8x8x129xf32, #tpu.memory_space<vmem>> -> memref<8x8x128xf32, #tpu.memory_space<vmem>>
      tpu.enqueue_dma source(%dma_start3A_641 : memref<8x8x128xf32, #tpu.memory_space<vmem>>) target(%dma_start3A_637 : memref<8x8x128xf32, #tpu.memory_space<hbm>>) target_semaphore(%arg21 : memref<!tpu.dma_semaphore, #tpu.memory_space<semaphore_mem>>)
      %add3A_642 = arith.constant 5 : i32
      %add3A_643 = arith.addi %add3A_572, %add3A_642 : i32
      %lt3A_644 = arith.constant 200 : i32
      %lt3A_645 = arith.cmpi slt, %add3A_643, %lt3A_644 : i32
      %convert_element_type3A_646 = arith.extui %lt3A_645 : i1 to i32
      %cond3A_647 = arith.constant 0 : i32
      %cond3A_648 = arith.cmpi ne, %convert_element_type3A_646, %cond3A_647 : i32
      scf.if %cond3A_648 {
        %add3A_977 = arith.constant 5 : i32
        %add3A_978 = arith.addi %add3A_572, %add3A_977 : i32
        %dma_start3A_979 = arith.constant 0 : i32
        %dma_start3A_980 = tpu.memref_slice %arg5[%add3A_978, %dma_start3A_979] : memref<200x128xi32, #tpu.memory_space<vmem>> -> memref<1x128xi32, #tpu.memory_space<vmem>>
        %dma_start3A_981 = tpu.memref_squeeze %dma_start3A_980 : memref<1x128xi32, #tpu.memory_space<vmem>> -> memref<128xi32, #tpu.memory_space<vmem>>
        %dma_start3A_982 = arith.constant 0 : i32
        %dma_start3A_983 = arith.constant 0 : i32
        %dma_start3A_984 = tpu.memref_slice %arg2[%dma_start3A_982, %dma_start3A_983] : memref<1000000x64xf32, #tpu.memory_space<hbm>> -> memref<1000000x64xf32, #tpu.memory_space<hbm>>
        tpu.enqueue_indirect_dma source(%dma_start3A_984 : memref<1000000x64xf32, #tpu.memory_space<hbm>>) target(%arg6 : memref<128x64xf32, #tpu.memory_space<vmem>>) offsets(%dma_start3A_981 : memref<128xi32, #tpu.memory_space<vmem>>) semaphore(%arg16 : memref<!tpu.dma_semaphore, #tpu.memory_space<semaphore_mem>>)
      } else {
      }
      %add3A_649 = arith.constant 1 : i32
      %add3A_650 = arith.addi %add3A_570, %add3A_649 : i32
      %dma_wait3A_651 = arith.constant 0 : i32
      %dma_wait3A_652 = tpu.memref_slice %arg5[%add3A_650, %dma_wait3A_651] : memref<200x128xi32, #tpu.memory_space<vmem>> -> memref<1x128xi32, #tpu.memory_space<vmem>>
      %dma_wait3A_653 = tpu.memref_squeeze %dma_wait3A_652 : memref<1x128xi32, #tpu.memory_space<vmem>> -> memref<128xi32, #tpu.memory_space<vmem>>
      %dma_wait3A_654 = arith.constant 0 : i32
      %dma_wait3A_655 = arith.constant 0 : i32
      %dma_wait3A_656 = tpu.memref_slice %arg2[%dma_wait3A_654, %dma_wait3A_655] : memref<1000000x64xf32, #tpu.memory_space<hbm>> -> memref<1000000x64xf32, #tpu.memory_space<hbm>>
      tpu.wait_indirect_dma semaphore(%arg17 : memref<!tpu.dma_semaphore, #tpu.memory_space<semaphore_mem>>) src(%dma_wait3A_656 : memref<1000000x64xf32, #tpu.memory_space<hbm>>) dst(%arg7 : memref<128x64xf32, #tpu.memory_space<vmem>>)
      %ge3A_657 = arith.constant 5 : i32
      %ge3A_658 = arith.cmpi sge, %add3A_650, %ge3A_657 : i32
      %convert_element_type3A_659 = arith.extui %ge3A_658 : i1 to i32
      %cond3A_660 = arith.constant 0 : i32
      %cond3A_661 = arith.cmpi ne, %convert_element_type3A_659, %cond3A_660 : i32
      scf.if %cond3A_661 {
        %sub3A_977 = arith.constant 5 : i32
        %sub3A_978 = arith.subi %add3A_650, %sub3A_977 : i32
        %add3A_979 = arith.addi %mul3A_2, %sub3A_978 : i32
        %jit3A_980 = arith.constant 32 : i32
        %div3A_981 = arith.divsi %add3A_979, %jit3A_980 : i32
        %sign3A_982 = arith.constant 0 : i32
        %sign3A_983 = arith.cmpi sgt, %add3A_979, %sign3A_982 : i32
        %sign3A_984 = arith.extui %sign3A_983 : i1 to i32
        %sign3A_985 = arith.constant 0 : i32
        %sign3A_986 = arith.cmpi slt, %add3A_979, %sign3A_985 : i32
        %sign3A_987 = arith.extui %sign3A_986 : i1 to i32
        %sign3A_988 = arith.subi %sign3A_984, %sign3A_987 : i32
        %sign3A_989 = arith.constant 0 : i32
        %sign3A_990 = arith.cmpi sgt, %jit3A_980, %sign3A_989 : i32
        %sign3A_991 = arith.extui %sign3A_990 : i1 to i32
        %sign3A_992 = arith.constant 0 : i32
        %sign3A_993 = arith.cmpi slt, %jit3A_980, %sign3A_992 : i32
        %sign3A_994 = arith.extui %sign3A_993 : i1 to i32
        %sign3A_995 = arith.subi %sign3A_991, %sign3A_994 : i32
        %ne3A_996 = arith.cmpi ne, %sign3A_988, %sign3A_995 : i32
        %rem3A_997 = arith.remsi %add3A_979, %jit3A_980 : i32
        %ne3A_998 = arith.constant 0 : i32
        %ne3A_999 = arith.cmpi ne, %rem3A_997, %ne3A_998 : i32
        %and3A_1000 = arith.andi %ne3A_996, %ne3A_999 : i1
        %sub3A_1001 = arith.constant 1 : i32
        %sub3A_1002 = arith.subi %div3A_981, %sub3A_1001 : i32
        %select_n3A_1003 = arith.select %and3A_1000, %sub3A_1002, %div3A_981 : i32
        %jit3A_1004 = arith.constant 32 : i32
        %eq3A_1005 = arith.constant 0 : i32
        %eq3A_1006 = arith.cmpi eq, %jit3A_1004, %eq3A_1005 : i32
        %jit3A_1007 = arith.constant 1 : i32
        %select_n3A_1008 = arith.select %eq3A_1006, %jit3A_1007, %jit3A_1004 : i32
        %rem3A_1009 = arith.remsi %add3A_979, %select_n3A_1008 : i32
        %ne3A_1010 = arith.constant 0 : i32
        %ne3A_1011 = arith.cmpi ne, %rem3A_1009, %ne3A_1010 : i32
        %lt3A_1012 = arith.constant 0 : i32
        %lt3A_1013 = arith.cmpi slt, %rem3A_1009, %lt3A_1012 : i32
        %lt3A_1014 = arith.constant 0 : i32
        %lt3A_1015 = arith.cmpi slt, %select_n3A_1008, %lt3A_1014 : i32
        %ne3A_1016 = arith.xori %lt3A_1013, %lt3A_1015 : i1
        %and3A_1017 = arith.andi %ne3A_1016, %ne3A_1011 : i1
        %add3A_1018 = arith.addi %rem3A_1009, %select_n3A_1008 : i32
        %select_n3A_1019 = arith.select %and3A_1017, %add3A_1018, %rem3A_1009 : i32
        %dma_wait3A_1020 = arith.constant 0 : i32
        %dma_wait3A_1021 = arith.constant 0 : i32
        %dma_wait3A_1022 = arith.constant 0 : i32
        %dma_wait3A_1023 = tpu.memref_slice %arg12[%dma_wait3A_1020, %dma_wait3A_1021, %dma_wait3A_1022] : memref<8x8x129xf32, #tpu.memory_space<vmem>> -> memref<8x8x128xf32, #tpu.memory_space<vmem>>
        %dma_wait3A_1024 = arith.constant 0 : i32
        %dma_wait3A_1025 = arith.constant 0 : i32
        %dma_wait3A_1026 = arith.constant 0 : i32
        %dma_wait3A_1027 = tpu.memref_slice %arg4[%select_n3A_1003, %dma_wait3A_1024, %select_n3A_1019, %dma_wait3A_1025, %dma_wait3A_1026] : memref<200x8x32x8x128xf32, #tpu.memory_space<hbm>> -> memref<1x8x1x8x128xf32, #tpu.memory_space<hbm>>
        %dma_wait3A_1028 = tpu.memref_squeeze %dma_wait3A_1027 : memref<1x8x1x8x128xf32, #tpu.memory_space<hbm>> -> memref<8x8x128xf32, #tpu.memory_space<hbm>>
        %dma_wait3A_1029 = arith.constant 0 : i32
        %dma_wait3A_1030 = arith.constant 0 : i32
        %dma_wait3A_1031 = arith.constant 0 : i32
        %dma_wait3A_1032 = tpu.memref_slice %arg4[%select_n3A_1003, %dma_wait3A_1029, %select_n3A_1019, %dma_wait3A_1030, %dma_wait3A_1031] : memref<200x8x32x8x128xf32, #tpu.memory_space<hbm>> -> memref<1x8x1x8x128xf32, #tpu.memory_space<hbm>>
        %dma_wait3A_1033 = tpu.memref_squeeze %dma_wait3A_1032 : memref<1x8x1x8x128xf32, #tpu.memory_space<hbm>> -> memref<8x8x128xf32, #tpu.memory_space<hbm>>
        %dma_wait3A_1034 = arith.constant 0 : i32
        %dma_wait3A_1035 = arith.constant 0 : i32
        %dma_wait3A_1036 = arith.constant 0 : i32
        %dma_wait3A_1037 = tpu.memref_slice %arg12[%dma_wait3A_1034, %dma_wait3A_1035, %dma_wait3A_1036] : memref<8x8x129xf32, #tpu.memory_space<vmem>> -> memref<8x8x128xf32, #tpu.memory_space<vmem>>
        tpu.wait_dma2 semaphore(%arg22 : memref<!tpu.dma_semaphore, #tpu.memory_space<semaphore_mem>>) src(%dma_wait3A_1037 : memref<8x8x128xf32, #tpu.memory_space<vmem>>) dst(%dma_wait3A_1033 : memref<8x8x128xf32, #tpu.memory_space<hbm>>)
      } else {
      }
      %parallel_loop3A_662 = arith.constant 0 : i32
      %parallel_loop3A_663 = arith.constant 128 : i32
      %parallel_loop3A_664 = arith.constant 1 : i32
      scf.for %parallel_loop3A_977 = %parallel_loop3A_662 to %parallel_loop3A_663 step %parallel_loop3A_664  : i32 {
        %parallel_loop3A_978 = arith.constant 0 : i32
        %parallel_loop3A_979 = vector.broadcast %parallel_loop3A_978 : i32 to vector<16xi32>
        %parallel_loop3A_980 = arith.muli %iota3A, %parallel_loop3A_979 : vector<16xi32>
        %parallel_loop3A_981 = vector.broadcast %parallel_loop3A_977 : i32 to vector<16xi32>
        %parallel_loop3A_982 = arith.addi %parallel_loop3A_980, %parallel_loop3A_981 : vector<16xi32>
        %parallel_loop3A_983 = arith.index_cast %parallel_loop3A_977 : i32 to index
        %parallel_loop3A_984 = arith.constant 0 : index
        %parallel_loop3A_985 = tpu.vector_load %arg7[%parallel_loop3A_983, %parallel_loop3A_984] {strides = array<i32>} : memref<128x64xf32, #tpu.memory_space<vmem>>, vector<16xf32>,
        tpu.vector_store_idx %arg12[%select_n3A, %select_n3A_153, %parallel_loop3A_982], %parallel_loop3A_985 : memref<8x8x129xf32, #tpu.memory_space<vmem>>[vector<16xi32>, vector<16xi32>, vector<16xi32>], vector<16xf32>,
        %parallel_loop3A_986 = arith.index_cast %parallel_loop3A_977 : i32 to index
        %parallel_loop3A_987 = arith.constant 16 : index
        %parallel_loop3A_988 = tpu.vector_load %arg7[%parallel_loop3A_986, %parallel_loop3A_987] {strides = array<i32>} : memref<128x64xf32, #tpu.memory_space<vmem>>, vector<16xf32>,
        tpu.vector_store_idx %arg12[%select_n3A_62, %select_n3A_178, %parallel_loop3A_982], %parallel_loop3A_988 : memref<8x8x129xf32, #tpu.memory_space<vmem>>[vector<16xi32>, vector<16xi32>, vector<16xi32>], vector<16xf32>,
        %parallel_loop3A_989 = arith.index_cast %parallel_loop3A_977 : i32 to index
        %parallel_loop3A_990 = arith.constant 32 : index
        %parallel_loop3A_991 = tpu.vector_load %arg7[%parallel_loop3A_989, %parallel_loop3A_990] {strides = array<i32>} : memref<128x64xf32, #tpu.memory_space<vmem>>, vector<16xf32>,
        tpu.vector_store_idx %arg12[%select_n3A_96, %select_n3A_203, %parallel_loop3A_982], %parallel_loop3A_991 : memref<8x8x129xf32, #tpu.memory_space<vmem>>[vector<16xi32>, vector<16xi32>, vector<16xi32>], vector<16xf32>,
        %parallel_loop3A_992 = arith.index_cast %parallel_loop3A_977 : i32 to index
        %parallel_loop3A_993 = arith.constant 48 : index
        %parallel_loop3A_994 = tpu.vector_load %arg7[%parallel_loop3A_992, %parallel_loop3A_993] {strides = array<i32>} : memref<128x64xf32, #tpu.memory_space<vmem>>, vector<16xf32>,
        tpu.vector_store_idx %arg12[%select_n3A_130, %select_n3A_228, %parallel_loop3A_982], %parallel_loop3A_994 : memref<8x8x129xf32, #tpu.memory_space<vmem>>[vector<16xi32>, vector<16xi32>, vector<16xi32>], vector<16xf32>,
      } {sc.loop_unroll_factor = 4 : i64, sc.parallel_access}
      %add3A_665 = arith.addi %mul3A_2, %add3A_650 : i32
      %jit3A_666 = arith.constant 32 : i32
      %div3A_667 = arith.divsi %add3A_665, %jit3A_666 : i32
      %sign3A_668 = arith.constant 0 : i32
      %sign3A_669 = arith.cmpi sgt, %add3A_665, %sign3A_668 : i32
      %sign3A_670 = arith.extui %sign3A_669 : i1 to i32
      %sign3A_671 = arith.constant 0 : i32
      %sign3A_672 = arith.cmpi slt, %add3A_665, %sign3A_671 : i32
      %sign3A_673 = arith.extui %sign3A_672 : i1 to i32
      %sign3A_674 = arith.subi %sign3A_670, %sign3A_673 : i32
      %sign3A_675 = arith.constant 0 : i32
      %sign3A_676 = arith.cmpi sgt, %jit3A_666, %sign3A_675 : i32
      %sign3A_677 = arith.extui %sign3A_676 : i1 to i32
      %sign3A_678 = arith.constant 0 : i32
      %sign3A_679 = arith.cmpi slt, %jit3A_666, %sign3A_678 : i32
      %sign3A_680 = arith.extui %sign3A_679 : i1 to i32
      %sign3A_681 = arith.subi %sign3A_677, %sign3A_680 : i32
      %ne3A_682 = arith.cmpi ne, %sign3A_674, %sign3A_681 : i32
      %rem3A_683 = arith.remsi %add3A_665, %jit3A_666 : i32
      %ne3A_684 = arith.constant 0 : i32
      %ne3A_685 = arith.cmpi ne, %rem3A_683, %ne3A_684 : i32
      %and3A_686 = arith.andi %ne3A_682, %ne3A_685 : i1
      %sub3A_687 = arith.constant 1 : i32
      %sub3A_688 = arith.subi %div3A_667, %sub3A_687 : i32
      %select_n3A_689 = arith.select %and3A_686, %sub3A_688, %div3A_667 : i32
      %jit3A_690 = arith.constant 32 : i32
      %eq3A_691 = arith.constant 0 : i32
      %eq3A_692 = arith.cmpi eq, %jit3A_690, %eq3A_691 : i32
      %jit3A_693 = arith.constant 1 : i32
      %select_n3A_694 = arith.select %eq3A_692, %jit3A_693, %jit3A_690 : i32
      %rem3A_695 = arith.remsi %add3A_665, %select_n3A_694 : i32
      %ne3A_696 = arith.constant 0 : i32
      %ne3A_697 = arith.cmpi ne, %rem3A_695, %ne3A_696 : i32
      %lt3A_698 = arith.constant 0 : i32
      %lt3A_699 = arith.cmpi slt, %rem3A_695, %lt3A_698 : i32
      %lt3A_700 = arith.constant 0 : i32
      %lt3A_701 = arith.cmpi slt, %select_n3A_694, %lt3A_700 : i32
      %ne3A_702 = arith.xori %lt3A_699, %lt3A_701 : i1
      %and3A_703 = arith.andi %ne3A_702, %ne3A_697 : i1
      %add3A_704 = arith.addi %rem3A_695, %select_n3A_694 : i32
      %select_n3A_705 = arith.select %and3A_703, %add3A_704, %rem3A_695 : i32
      %dma_start3A_706 = arith.constant 0 : i32
      %dma_start3A_707 = arith.constant 0 : i32
      %dma_start3A_708 = arith.constant 0 : i32
      %dma_start3A_709 = tpu.memref_slice %arg12[%dma_start3A_706, %dma_start3A_707, %dma_start3A_708] : memref<8x8x129xf32, #tpu.memory_space<vmem>> -> memref<8x8x128xf32, #tpu.memory_space<vmem>>
      %dma_start3A_710 = arith.constant 0 : i32
      %dma_start3A_711 = arith.constant 0 : i32
      %dma_start3A_712 = arith.constant 0 : i32
      %dma_start3A_713 = tpu.memref_slice %arg4[%select_n3A_689, %dma_start3A_710, %select_n3A_705, %dma_start3A_711, %dma_start3A_712] : memref<200x8x32x8x128xf32, #tpu.memory_space<hbm>> -> memref<1x8x1x8x128xf32, #tpu.memory_space<hbm>>
      %dma_start3A_714 = tpu.memref_squeeze %dma_start3A_713 : memref<1x8x1x8x128xf32, #tpu.memory_space<hbm>> -> memref<8x8x128xf32, #tpu.memory_space<hbm>>
      %dma_start3A_715 = arith.constant 0 : i32
      %dma_start3A_716 = arith.constant 0 : i32
      %dma_start3A_717 = arith.constant 0 : i32
      %dma_start3A_718 = tpu.memref_slice %arg4[%select_n3A_689, %dma_start3A_715, %select_n3A_705, %dma_start3A_716, %dma_start3A_717] : memref<200x8x32x8x128xf32, #tpu.memory_space<hbm>> -> memref<1x8x1x8x128xf32, #tpu.memory_space<hbm>>
      %dma_start3A_719 = tpu.memref_squeeze %dma_start3A_718 : memref<1x8x1x8x128xf32, #tpu.memory_space<hbm>> -> memref<8x8x128xf32, #tpu.memory_space<hbm>>
      %dma_start3A_720 = arith.constant 0 : i32
      %dma_start3A_721 = arith.constant 0 : i32
      %dma_start3A_722 = arith.constant 0 : i32
      %dma_start3A_723 = tpu.memref_slice %arg12[%dma_start3A_720, %dma_start3A_721, %dma_start3A_722] : memref<8x8x129xf32, #tpu.memory_space<vmem>> -> memref<8x8x128xf32, #tpu.memory_space<vmem>>
      tpu.enqueue_dma source(%dma_start3A_723 : memref<8x8x128xf32, #tpu.memory_space<vmem>>) target(%dma_start3A_719 : memref<8x8x128xf32, #tpu.memory_space<hbm>>) target_semaphore(%arg22 : memref<!tpu.dma_semaphore, #tpu.memory_space<semaphore_mem>>)
      %add3A_724 = arith.constant 5 : i32
      %add3A_725 = arith.addi %add3A_650, %add3A_724 : i32
      %lt3A_726 = arith.constant 200 : i32
      %lt3A_727 = arith.cmpi slt, %add3A_725, %lt3A_726 : i32
      %convert_element_type3A_728 = arith.extui %lt3A_727 : i1 to i32
      %cond3A_729 = arith.constant 0 : i32
      %cond3A_730 = arith.cmpi ne, %convert_element_type3A_728, %cond3A_729 : i32
      scf.if %cond3A_730 {
        %add3A_977 = arith.constant 5 : i32
        %add3A_978 = arith.addi %add3A_650, %add3A_977 : i32
        %dma_start3A_979 = arith.constant 0 : i32
        %dma_start3A_980 = tpu.memref_slice %arg5[%add3A_978, %dma_start3A_979] : memref<200x128xi32, #tpu.memory_space<vmem>> -> memref<1x128xi32, #tpu.memory_space<vmem>>
        %dma_start3A_981 = tpu.memref_squeeze %dma_start3A_980 : memref<1x128xi32, #tpu.memory_space<vmem>> -> memref<128xi32, #tpu.memory_space<vmem>>
        %dma_start3A_982 = arith.constant 0 : i32
        %dma_start3A_983 = arith.constant 0 : i32
        %dma_start3A_984 = tpu.memref_slice %arg2[%dma_start3A_982, %dma_start3A_983] : memref<1000000x64xf32, #tpu.memory_space<hbm>> -> memref<1000000x64xf32, #tpu.memory_space<hbm>>
        tpu.enqueue_indirect_dma source(%dma_start3A_984 : memref<1000000x64xf32, #tpu.memory_space<hbm>>) target(%arg7 : memref<128x64xf32, #tpu.memory_space<vmem>>) offsets(%dma_start3A_981 : memref<128xi32, #tpu.memory_space<vmem>>) semaphore(%arg17 : memref<!tpu.dma_semaphore, #tpu.memory_space<semaphore_mem>>)
      } else {
      }
      %add3A_731 = arith.constant 2 : i32
      %add3A_732 = arith.addi %add3A_570, %add3A_731 : i32
      %dma_wait3A_733 = arith.constant 0 : i32
      %dma_wait3A_734 = tpu.memref_slice %arg5[%add3A_732, %dma_wait3A_733] : memref<200x128xi32, #tpu.memory_space<vmem>> -> memref<1x128xi32, #tpu.memory_space<vmem>>
      %dma_wait3A_735 = tpu.memref_squeeze %dma_wait3A_734 : memref<1x128xi32, #tpu.memory_space<vmem>> -> memref<128xi32, #tpu.memory_space<vmem>>
      %dma_wait3A_736 = arith.constant 0 : i32
      %dma_wait3A_737 = arith.constant 0 : i32
      %dma_wait3A_738 = tpu.memref_slice %arg2[%dma_wait3A_736, %dma_wait3A_737] : memref<1000000x64xf32, #tpu.memory_space<hbm>> -> memref<1000000x64xf32, #tpu.memory_space<hbm>>
      tpu.wait_indirect_dma semaphore(%arg18 : memref<!tpu.dma_semaphore, #tpu.memory_space<semaphore_mem>>) src(%dma_wait3A_738 : memref<1000000x64xf32, #tpu.memory_space<hbm>>) dst(%arg8 : memref<128x64xf32, #tpu.memory_space<vmem>>)
      %ge3A_739 = arith.constant 5 : i32
      %ge3A_740 = arith.cmpi sge, %add3A_732, %ge3A_739 : i32
      %convert_element_type3A_741 = arith.extui %ge3A_740 : i1 to i32
      %cond3A_742 = arith.constant 0 : i32
      %cond3A_743 = arith.cmpi ne, %convert_element_type3A_741, %cond3A_742 : i32
      scf.if %cond3A_743 {
        %sub3A_977 = arith.constant 5 : i32
        %sub3A_978 = arith.subi %add3A_732, %sub3A_977 : i32
        %add3A_979 = arith.addi %mul3A_2, %sub3A_978 : i32
        %jit3A_980 = arith.constant 32 : i32
        %div3A_981 = arith.divsi %add3A_979, %jit3A_980 : i32
        %sign3A_982 = arith.constant 0 : i32
        %sign3A_983 = arith.cmpi sgt, %add3A_979, %sign3A_982 : i32
        %sign3A_984 = arith.extui %sign3A_983 : i1 to i32
        %sign3A_985 = arith.constant 0 : i32
        %sign3A_986 = arith.cmpi slt, %add3A_979, %sign3A_985 : i32
        %sign3A_987 = arith.extui %sign3A_986 : i1 to i32
        %sign3A_988 = arith.subi %sign3A_984, %sign3A_987 : i32
        %sign3A_989 = arith.constant 0 : i32
        %sign3A_990 = arith.cmpi sgt, %jit3A_980, %sign3A_989 : i32
        %sign3A_991 = arith.extui %sign3A_990 : i1 to i32
        %sign3A_992 = arith.constant 0 : i32
        %sign3A_993 = arith.cmpi slt, %jit3A_980, %sign3A_992 : i32
        %sign3A_994 = arith.extui %sign3A_993 : i1 to i32
        %sign3A_995 = arith.subi %sign3A_991, %sign3A_994 : i32
        %ne3A_996 = arith.cmpi ne, %sign3A_988, %sign3A_995 : i32
        %rem3A_997 = arith.remsi %add3A_979, %jit3A_980 : i32
        %ne3A_998 = arith.constant 0 : i32
        %ne3A_999 = arith.cmpi ne, %rem3A_997, %ne3A_998 : i32
        %and3A_1000 = arith.andi %ne3A_996, %ne3A_999 : i1
        %sub3A_1001 = arith.constant 1 : i32
        %sub3A_1002 = arith.subi %div3A_981, %sub3A_1001 : i32
        %select_n3A_1003 = arith.select %and3A_1000, %sub3A_1002, %div3A_981 : i32
        %jit3A_1004 = arith.constant 32 : i32
        %eq3A_1005 = arith.constant 0 : i32
        %eq3A_1006 = arith.cmpi eq, %jit3A_1004, %eq3A_1005 : i32
        %jit3A_1007 = arith.constant 1 : i32
        %select_n3A_1008 = arith.select %eq3A_1006, %jit3A_1007, %jit3A_1004 : i32
        %rem3A_1009 = arith.remsi %add3A_979, %select_n3A_1008 : i32
        %ne3A_1010 = arith.constant 0 : i32
        %ne3A_1011 = arith.cmpi ne, %rem3A_1009, %ne3A_1010 : i32
        %lt3A_1012 = arith.constant 0 : i32
        %lt3A_1013 = arith.cmpi slt, %rem3A_1009, %lt3A_1012 : i32
        %lt3A_1014 = arith.constant 0 : i32
        %lt3A_1015 = arith.cmpi slt, %select_n3A_1008, %lt3A_1014 : i32
        %ne3A_1016 = arith.xori %lt3A_1013, %lt3A_1015 : i1
        %and3A_1017 = arith.andi %ne3A_1016, %ne3A_1011 : i1
        %add3A_1018 = arith.addi %rem3A_1009, %select_n3A_1008 : i32
        %select_n3A_1019 = arith.select %and3A_1017, %add3A_1018, %rem3A_1009 : i32
        %dma_wait3A_1020 = arith.constant 0 : i32
        %dma_wait3A_1021 = arith.constant 0 : i32
        %dma_wait3A_1022 = arith.constant 0 : i32
        %dma_wait3A_1023 = tpu.memref_slice %arg13[%dma_wait3A_1020, %dma_wait3A_1021, %dma_wait3A_1022] : memref<8x8x129xf32, #tpu.memory_space<vmem>> -> memref<8x8x128xf32, #tpu.memory_space<vmem>>
        %dma_wait3A_1024 = arith.constant 0 : i32
        %dma_wait3A_1025 = arith.constant 0 : i32
        %dma_wait3A_1026 = arith.constant 0 : i32
        %dma_wait3A_1027 = tpu.memref_slice %arg4[%select_n3A_1003, %dma_wait3A_1024, %select_n3A_1019, %dma_wait3A_1025, %dma_wait3A_1026] : memref<200x8x32x8x128xf32, #tpu.memory_space<hbm>> -> memref<1x8x1x8x128xf32, #tpu.memory_space<hbm>>
        %dma_wait3A_1028 = tpu.memref_squeeze %dma_wait3A_1027 : memref<1x8x1x8x128xf32, #tpu.memory_space<hbm>> -> memref<8x8x128xf32, #tpu.memory_space<hbm>>
        %dma_wait3A_1029 = arith.constant 0 : i32
        %dma_wait3A_1030 = arith.constant 0 : i32
        %dma_wait3A_1031 = arith.constant 0 : i32
        %dma_wait3A_1032 = tpu.memref_slice %arg4[%select_n3A_1003, %dma_wait3A_1029, %select_n3A_1019, %dma_wait3A_1030, %dma_wait3A_1031] : memref<200x8x32x8x128xf32, #tpu.memory_space<hbm>> -> memref<1x8x1x8x128xf32, #tpu.memory_space<hbm>>
        %dma_wait3A_1033 = tpu.memref_squeeze %dma_wait3A_1032 : memref<1x8x1x8x128xf32, #tpu.memory_space<hbm>> -> memref<8x8x128xf32, #tpu.memory_space<hbm>>
        %dma_wait3A_1034 = arith.constant 0 : i32
        %dma_wait3A_1035 = arith.constant 0 : i32
        %dma_wait3A_1036 = arith.constant 0 : i32
        %dma_wait3A_1037 = tpu.memref_slice %arg13[%dma_wait3A_1034, %dma_wait3A_1035, %dma_wait3A_1036] : memref<8x8x129xf32, #tpu.memory_space<vmem>> -> memref<8x8x128xf32, #tpu.memory_space<vmem>>
        tpu.wait_dma2 semaphore(%arg23 : memref<!tpu.dma_semaphore, #tpu.memory_space<semaphore_mem>>) src(%dma_wait3A_1037 : memref<8x8x128xf32, #tpu.memory_space<vmem>>) dst(%dma_wait3A_1033 : memref<8x8x128xf32, #tpu.memory_space<hbm>>)
      } else {
      }
      %parallel_loop3A_744 = arith.constant 0 : i32
      %parallel_loop3A_745 = arith.constant 128 : i32
      %parallel_loop3A_746 = arith.constant 1 : i32
      scf.for %parallel_loop3A_977 = %parallel_loop3A_744 to %parallel_loop3A_745 step %parallel_loop3A_746  : i32 {
        %parallel_loop3A_978 = arith.constant 0 : i32
        %parallel_loop3A_979 = vector.broadcast %parallel_loop3A_978 : i32 to vector<16xi32>
        %parallel_loop3A_980 = arith.muli %iota3A, %parallel_loop3A_979 : vector<16xi32>
        %parallel_loop3A_981 = vector.broadcast %parallel_loop3A_977 : i32 to vector<16xi32>
        %parallel_loop3A_982 = arith.addi %parallel_loop3A_980, %parallel_loop3A_981 : vector<16xi32>
        %parallel_loop3A_983 = arith.index_cast %parallel_loop3A_977 : i32 to index
        %parallel_loop3A_984 = arith.constant 0 : index
        %parallel_loop3A_985 = tpu.vector_load %arg8[%parallel_loop3A_983, %parallel_loop3A_984] {strides = array<i32>} : memref<128x64xf32, #tpu.memory_space<vmem>>, vector<16xf32>,
        tpu.vector_store_idx %arg13[%select_n3A, %select_n3A_153, %parallel_loop3A_982], %parallel_loop3A_985 : memref<8x8x129xf32, #tpu.memory_space<vmem>>[vector<16xi32>, vector<16xi32>, vector<16xi32>], vector<16xf32>,
        %parallel_loop3A_986 = arith.index_cast %parallel_loop3A_977 : i32 to index
        %parallel_loop3A_987 = arith.constant 16 : index
        %parallel_loop3A_988 = tpu.vector_load %arg8[%parallel_loop3A_986, %parallel_loop3A_987] {strides = array<i32>} : memref<128x64xf32, #tpu.memory_space<vmem>>, vector<16xf32>,
        tpu.vector_store_idx %arg13[%select_n3A_62, %select_n3A_178, %parallel_loop3A_982], %parallel_loop3A_988 : memref<8x8x129xf32, #tpu.memory_space<vmem>>[vector<16xi32>, vector<16xi32>, vector<16xi32>], vector<16xf32>,
        %parallel_loop3A_989 = arith.index_cast %parallel_loop3A_977 : i32 to index
        %parallel_loop3A_990 = arith.constant 32 : index
        %parallel_loop3A_991 = tpu.vector_load %arg8[%parallel_loop3A_989, %parallel_loop3A_990] {strides = array<i32>} : memref<128x64xf32, #tpu.memory_space<vmem>>, vector<16xf32>,
        tpu.vector_store_idx %arg13[%select_n3A_96, %select_n3A_203, %parallel_loop3A_982], %parallel_loop3A_991 : memref<8x8x129xf32, #tpu.memory_space<vmem>>[vector<16xi32>, vector<16xi32>, vector<16xi32>], vector<16xf32>,
        %parallel_loop3A_992 = arith.index_cast %parallel_loop3A_977 : i32 to index
        %parallel_loop3A_993 = arith.constant 48 : index
        %parallel_loop3A_994 = tpu.vector_load %arg8[%parallel_loop3A_992, %parallel_loop3A_993] {strides = array<i32>} : memref<128x64xf32, #tpu.memory_space<vmem>>, vector<16xf32>,
        tpu.vector_store_idx %arg13[%select_n3A_130, %select_n3A_228, %parallel_loop3A_982], %parallel_loop3A_994 : memref<8x8x129xf32, #tpu.memory_space<vmem>>[vector<16xi32>, vector<16xi32>, vector<16xi32>], vector<16xf32>,
      } {sc.loop_unroll_factor = 4 : i64, sc.parallel_access}
      %add3A_747 = arith.addi %mul3A_2, %add3A_732 : i32
      %jit3A_748 = arith.constant 32 : i32
      %div3A_749 = arith.divsi %add3A_747, %jit3A_748 : i32
      %sign3A_750 = arith.constant 0 : i32
      %sign3A_751 = arith.cmpi sgt, %add3A_747, %sign3A_750 : i32
      %sign3A_752 = arith.extui %sign3A_751 : i1 to i32
      %sign3A_753 = arith.constant 0 : i32
      %sign3A_754 = arith.cmpi slt, %add3A_747, %sign3A_753 : i32
      %sign3A_755 = arith.extui %sign3A_754 : i1 to i32
      %sign3A_756 = arith.subi %sign3A_752, %sign3A_755 : i32
      %sign3A_757 = arith.constant 0 : i32
      %sign3A_758 = arith.cmpi sgt, %jit3A_748, %sign3A_757 : i32
      %sign3A_759 = arith.extui %sign3A_758 : i1 to i32
      %sign3A_760 = arith.constant 0 : i32
      %sign3A_761 = arith.cmpi slt, %jit3A_748, %sign3A_760 : i32
      %sign3A_762 = arith.extui %sign3A_761 : i1 to i32
      %sign3A_763 = arith.subi %sign3A_759, %sign3A_762 : i32
      %ne3A_764 = arith.cmpi ne, %sign3A_756, %sign3A_763 : i32
      %rem3A_765 = arith.remsi %add3A_747, %jit3A_748 : i32
      %ne3A_766 = arith.constant 0 : i32
      %ne3A_767 = arith.cmpi ne, %rem3A_765, %ne3A_766 : i32
      %and3A_768 = arith.andi %ne3A_764, %ne3A_767 : i1
      %sub3A_769 = arith.constant 1 : i32
      %sub3A_770 = arith.subi %div3A_749, %sub3A_769 : i32
      %select_n3A_771 = arith.select %and3A_768, %sub3A_770, %div3A_749 : i32
      %jit3A_772 = arith.constant 32 : i32
      %eq3A_773 = arith.constant 0 : i32
      %eq3A_774 = arith.cmpi eq, %jit3A_772, %eq3A_773 : i32
      %jit3A_775 = arith.constant 1 : i32
      %select_n3A_776 = arith.select %eq3A_774, %jit3A_775, %jit3A_772 : i32
      %rem3A_777 = arith.remsi %add3A_747, %select_n3A_776 : i32
      %ne3A_778 = arith.constant 0 : i32
      %ne3A_779 = arith.cmpi ne, %rem3A_777, %ne3A_778 : i32
      %lt3A_780 = arith.constant 0 : i32
      %lt3A_781 = arith.cmpi slt, %rem3A_777, %lt3A_780 : i32
      %lt3A_782 = arith.constant 0 : i32
      %lt3A_783 = arith.cmpi slt, %select_n3A_776, %lt3A_782 : i32
      %ne3A_784 = arith.xori %lt3A_781, %lt3A_783 : i1
      %and3A_785 = arith.andi %ne3A_784, %ne3A_779 : i1
      %add3A_786 = arith.addi %rem3A_777, %select_n3A_776 : i32
      %select_n3A_787 = arith.select %and3A_785, %add3A_786, %rem3A_777 : i32
      %dma_start3A_788 = arith.constant 0 : i32
      %dma_start3A_789 = arith.constant 0 : i32
      %dma_start3A_790 = arith.constant 0 : i32
      %dma_start3A_791 = tpu.memref_slice %arg13[%dma_start3A_788, %dma_start3A_789, %dma_start3A_790] : memref<8x8x129xf32, #tpu.memory_space<vmem>> -> memref<8x8x128xf32, #tpu.memory_space<vmem>>
      %dma_start3A_792 = arith.constant 0 : i32
      %dma_start3A_793 = arith.constant 0 : i32
      %dma_start3A_794 = arith.constant 0 : i32
      %dma_start3A_795 = tpu.memref_slice %arg4[%select_n3A_771, %dma_start3A_792, %select_n3A_787, %dma_start3A_793, %dma_start3A_794] : memref<200x8x32x8x128xf32, #tpu.memory_space<hbm>> -> memref<1x8x1x8x128xf32, #tpu.memory_space<hbm>>
      %dma_start3A_796 = tpu.memref_squeeze %dma_start3A_795 : memref<1x8x1x8x128xf32, #tpu.memory_space<hbm>> -> memref<8x8x128xf32, #tpu.memory_space<hbm>>
      %dma_start3A_797 = arith.constant 0 : i32
      %dma_start3A_798 = arith.constant 0 : i32
      %dma_start3A_799 = arith.constant 0 : i32
      %dma_start3A_800 = tpu.memref_slice %arg4[%select_n3A_771, %dma_start3A_797, %select_n3A_787, %dma_start3A_798, %dma_start3A_799] : memref<200x8x32x8x128xf32, #tpu.memory_space<hbm>> -> memref<1x8x1x8x128xf32, #tpu.memory_space<hbm>>
      %dma_start3A_801 = tpu.memref_squeeze %dma_start3A_800 : memref<1x8x1x8x128xf32, #tpu.memory_space<hbm>> -> memref<8x8x128xf32, #tpu.memory_space<hbm>>
      %dma_start3A_802 = arith.constant 0 : i32
      %dma_start3A_803 = arith.constant 0 : i32
      %dma_start3A_804 = arith.constant 0 : i32
      %dma_start3A_805 = tpu.memref_slice %arg13[%dma_start3A_802, %dma_start3A_803, %dma_start3A_804] : memref<8x8x129xf32, #tpu.memory_space<vmem>> -> memref<8x8x128xf32, #tpu.memory_space<vmem>>
      tpu.enqueue_dma source(%dma_start3A_805 : memref<8x8x128xf32, #tpu.memory_space<vmem>>) target(%dma_start3A_801 : memref<8x8x128xf32, #tpu.memory_space<hbm>>) target_semaphore(%arg23 : memref<!tpu.dma_semaphore, #tpu.memory_space<semaphore_mem>>)
      %add3A_806 = arith.constant 5 : i32
      %add3A_807 = arith.addi %add3A_732, %add3A_806 : i32
      %lt3A_808 = arith.constant 200 : i32
      %lt3A_809 = arith.cmpi slt, %add3A_807, %lt3A_808 : i32
      %convert_element_type3A_810 = arith.extui %lt3A_809 : i1 to i32
      %cond3A_811 = arith.constant 0 : i32
      %cond3A_812 = arith.cmpi ne, %convert_element_type3A_810, %cond3A_811 : i32
      scf.if %cond3A_812 {
        %add3A_977 = arith.constant 5 : i32
        %add3A_978 = arith.addi %add3A_732, %add3A_977 : i32
        %dma_start3A_979 = arith.constant 0 : i32
        %dma_start3A_980 = tpu.memref_slice %arg5[%add3A_978, %dma_start3A_979] : memref<200x128xi32, #tpu.memory_space<vmem>> -> memref<1x128xi32, #tpu.memory_space<vmem>>
        %dma_start3A_981 = tpu.memref_squeeze %dma_start3A_980 : memref<1x128xi32, #tpu.memory_space<vmem>> -> memref<128xi32, #tpu.memory_space<vmem>>
        %dma_start3A_982 = arith.constant 0 : i32
        %dma_start3A_983 = arith.constant 0 : i32
        %dma_start3A_984 = tpu.memref_slice %arg2[%dma_start3A_982, %dma_start3A_983] : memref<1000000x64xf32, #tpu.memory_space<hbm>> -> memref<1000000x64xf32, #tpu.memory_space<hbm>>
        tpu.enqueue_indirect_dma source(%dma_start3A_984 : memref<1000000x64xf32, #tpu.memory_space<hbm>>) target(%arg8 : memref<128x64xf32, #tpu.memory_space<vmem>>) offsets(%dma_start3A_981 : memref<128xi32, #tpu.memory_space<vmem>>) semaphore(%arg18 : memref<!tpu.dma_semaphore, #tpu.memory_space<semaphore_mem>>)
      } else {
      }
      %add3A_813 = arith.constant 3 : i32
      %add3A_814 = arith.addi %add3A_570, %add3A_813 : i32
      %dma_wait3A_815 = arith.constant 0 : i32
      %dma_wait3A_816 = tpu.memref_slice %arg5[%add3A_814, %dma_wait3A_815] : memref<200x128xi32, #tpu.memory_space<vmem>> -> memref<1x128xi32, #tpu.memory_space<vmem>>
      %dma_wait3A_817 = tpu.memref_squeeze %dma_wait3A_816 : memref<1x128xi32, #tpu.memory_space<vmem>> -> memref<128xi32, #tpu.memory_space<vmem>>
      %dma_wait3A_818 = arith.constant 0 : i32
      %dma_wait3A_819 = arith.constant 0 : i32
      %dma_wait3A_820 = tpu.memref_slice %arg2[%dma_wait3A_818, %dma_wait3A_819] : memref<1000000x64xf32, #tpu.memory_space<hbm>> -> memref<1000000x64xf32, #tpu.memory_space<hbm>>
      tpu.wait_indirect_dma semaphore(%arg19 : memref<!tpu.dma_semaphore, #tpu.memory_space<semaphore_mem>>) src(%dma_wait3A_820 : memref<1000000x64xf32, #tpu.memory_space<hbm>>) dst(%arg9 : memref<128x64xf32, #tpu.memory_space<vmem>>)
      %ge3A_821 = arith.constant 5 : i32
      %ge3A_822 = arith.cmpi sge, %add3A_814, %ge3A_821 : i32
      %convert_element_type3A_823 = arith.extui %ge3A_822 : i1 to i32
      %cond3A_824 = arith.constant 0 : i32
      %cond3A_825 = arith.cmpi ne, %convert_element_type3A_823, %cond3A_824 : i32
      scf.if %cond3A_825 {
        %sub3A_977 = arith.constant 5 : i32
        %sub3A_978 = arith.subi %add3A_814, %sub3A_977 : i32
        %add3A_979 = arith.addi %mul3A_2, %sub3A_978 : i32
        %jit3A_980 = arith.constant 32 : i32
        %div3A_981 = arith.divsi %add3A_979, %jit3A_980 : i32
        %sign3A_982 = arith.constant 0 : i32
        %sign3A_983 = arith.cmpi sgt, %add3A_979, %sign3A_982 : i32
        %sign3A_984 = arith.extui %sign3A_983 : i1 to i32
        %sign3A_985 = arith.constant 0 : i32
        %sign3A_986 = arith.cmpi slt, %add3A_979, %sign3A_985 : i32
        %sign3A_987 = arith.extui %sign3A_986 : i1 to i32
        %sign3A_988 = arith.subi %sign3A_984, %sign3A_987 : i32
        %sign3A_989 = arith.constant 0 : i32
        %sign3A_990 = arith.cmpi sgt, %jit3A_980, %sign3A_989 : i32
        %sign3A_991 = arith.extui %sign3A_990 : i1 to i32
        %sign3A_992 = arith.constant 0 : i32
        %sign3A_993 = arith.cmpi slt, %jit3A_980, %sign3A_992 : i32
        %sign3A_994 = arith.extui %sign3A_993 : i1 to i32
        %sign3A_995 = arith.subi %sign3A_991, %sign3A_994 : i32
        %ne3A_996 = arith.cmpi ne, %sign3A_988, %sign3A_995 : i32
        %rem3A_997 = arith.remsi %add3A_979, %jit3A_980 : i32
        %ne3A_998 = arith.constant 0 : i32
        %ne3A_999 = arith.cmpi ne, %rem3A_997, %ne3A_998 : i32
        %and3A_1000 = arith.andi %ne3A_996, %ne3A_999 : i1
        %sub3A_1001 = arith.constant 1 : i32
        %sub3A_1002 = arith.subi %div3A_981, %sub3A_1001 : i32
        %select_n3A_1003 = arith.select %and3A_1000, %sub3A_1002, %div3A_981 : i32
        %jit3A_1004 = arith.constant 32 : i32
        %eq3A_1005 = arith.constant 0 : i32
        %eq3A_1006 = arith.cmpi eq, %jit3A_1004, %eq3A_1005 : i32
        %jit3A_1007 = arith.constant 1 : i32
        %select_n3A_1008 = arith.select %eq3A_1006, %jit3A_1007, %jit3A_1004 : i32
        %rem3A_1009 = arith.remsi %add3A_979, %select_n3A_1008 : i32
        %ne3A_1010 = arith.constant 0 : i32
        %ne3A_1011 = arith.cmpi ne, %rem3A_1009, %ne3A_1010 : i32
        %lt3A_1012 = arith.constant 0 : i32
        %lt3A_1013 = arith.cmpi slt, %rem3A_1009, %lt3A_1012 : i32
        %lt3A_1014 = arith.constant 0 : i32
        %lt3A_1015 = arith.cmpi slt, %select_n3A_1008, %lt3A_1014 : i32
        %ne3A_1016 = arith.xori %lt3A_1013, %lt3A_1015 : i1
        %and3A_1017 = arith.andi %ne3A_1016, %ne3A_1011 : i1
        %add3A_1018 = arith.addi %rem3A_1009, %select_n3A_1008 : i32
        %select_n3A_1019 = arith.select %and3A_1017, %add3A_1018, %rem3A_1009 : i32
        %dma_wait3A_1020 = arith.constant 0 : i32
        %dma_wait3A_1021 = arith.constant 0 : i32
        %dma_wait3A_1022 = arith.constant 0 : i32
        %dma_wait3A_1023 = tpu.memref_slice %arg14[%dma_wait3A_1020, %dma_wait3A_1021, %dma_wait3A_1022] : memref<8x8x129xf32, #tpu.memory_space<vmem>> -> memref<8x8x128xf32, #tpu.memory_space<vmem>>
        %dma_wait3A_1024 = arith.constant 0 : i32
        %dma_wait3A_1025 = arith.constant 0 : i32
        %dma_wait3A_1026 = arith.constant 0 : i32
        %dma_wait3A_1027 = tpu.memref_slice %arg4[%select_n3A_1003, %dma_wait3A_1024, %select_n3A_1019, %dma_wait3A_1025, %dma_wait3A_1026] : memref<200x8x32x8x128xf32, #tpu.memory_space<hbm>> -> memref<1x8x1x8x128xf32, #tpu.memory_space<hbm>>
        %dma_wait3A_1028 = tpu.memref_squeeze %dma_wait3A_1027 : memref<1x8x1x8x128xf32, #tpu.memory_space<hbm>> -> memref<8x8x128xf32, #tpu.memory_space<hbm>>
        %dma_wait3A_1029 = arith.constant 0 : i32
        %dma_wait3A_1030 = arith.constant 0 : i32
        %dma_wait3A_1031 = arith.constant 0 : i32
        %dma_wait3A_1032 = tpu.memref_slice %arg4[%select_n3A_1003, %dma_wait3A_1029, %select_n3A_1019, %dma_wait3A_1030, %dma_wait3A_1031] : memref<200x8x32x8x128xf32, #tpu.memory_space<hbm>> -> memref<1x8x1x8x128xf32, #tpu.memory_space<hbm>>
        %dma_wait3A_1033 = tpu.memref_squeeze %dma_wait3A_1032 : memref<1x8x1x8x128xf32, #tpu.memory_space<hbm>> -> memref<8x8x128xf32, #tpu.memory_space<hbm>>
        %dma_wait3A_1034 = arith.constant 0 : i32
        %dma_wait3A_1035 = arith.constant 0 : i32
        %dma_wait3A_1036 = arith.constant 0 : i32
        %dma_wait3A_1037 = tpu.memref_slice %arg14[%dma_wait3A_1034, %dma_wait3A_1035, %dma_wait3A_1036] : memref<8x8x129xf32, #tpu.memory_space<vmem>> -> memref<8x8x128xf32, #tpu.memory_space<vmem>>
        tpu.wait_dma2 semaphore(%arg24 : memref<!tpu.dma_semaphore, #tpu.memory_space<semaphore_mem>>) src(%dma_wait3A_1037 : memref<8x8x128xf32, #tpu.memory_space<vmem>>) dst(%dma_wait3A_1033 : memref<8x8x128xf32, #tpu.memory_space<hbm>>)
      } else {
      }
      %parallel_loop3A_826 = arith.constant 0 : i32
      %parallel_loop3A_827 = arith.constant 128 : i32
      %parallel_loop3A_828 = arith.constant 1 : i32
      scf.for %parallel_loop3A_977 = %parallel_loop3A_826 to %parallel_loop3A_827 step %parallel_loop3A_828  : i32 {
        %parallel_loop3A_978 = arith.constant 0 : i32
        %parallel_loop3A_979 = vector.broadcast %parallel_loop3A_978 : i32 to vector<16xi32>
        %parallel_loop3A_980 = arith.muli %iota3A, %parallel_loop3A_979 : vector<16xi32>
        %parallel_loop3A_981 = vector.broadcast %parallel_loop3A_977 : i32 to vector<16xi32>
        %parallel_loop3A_982 = arith.addi %parallel_loop3A_980, %parallel_loop3A_981 : vector<16xi32>
        %parallel_loop3A_983 = arith.index_cast %parallel_loop3A_977 : i32 to index
        %parallel_loop3A_984 = arith.constant 0 : index
        %parallel_loop3A_985 = tpu.vector_load %arg9[%parallel_loop3A_983, %parallel_loop3A_984] {strides = array<i32>} : memref<128x64xf32, #tpu.memory_space<vmem>>, vector<16xf32>,
        tpu.vector_store_idx %arg14[%select_n3A, %select_n3A_153, %parallel_loop3A_982], %parallel_loop3A_985 : memref<8x8x129xf32, #tpu.memory_space<vmem>>[vector<16xi32>, vector<16xi32>, vector<16xi32>], vector<16xf32>,
        %parallel_loop3A_986 = arith.index_cast %parallel_loop3A_977 : i32 to index
        %parallel_loop3A_987 = arith.constant 16 : index
        %parallel_loop3A_988 = tpu.vector_load %arg9[%parallel_loop3A_986, %parallel_loop3A_987] {strides = array<i32>} : memref<128x64xf32, #tpu.memory_space<vmem>>, vector<16xf32>,
        tpu.vector_store_idx %arg14[%select_n3A_62, %select_n3A_178, %parallel_loop3A_982], %parallel_loop3A_988 : memref<8x8x129xf32, #tpu.memory_space<vmem>>[vector<16xi32>, vector<16xi32>, vector<16xi32>], vector<16xf32>,
        %parallel_loop3A_989 = arith.index_cast %parallel_loop3A_977 : i32 to index
        %parallel_loop3A_990 = arith.constant 32 : index
        %parallel_loop3A_991 = tpu.vector_load %arg9[%parallel_loop3A_989, %parallel_loop3A_990] {strides = array<i32>} : memref<128x64xf32, #tpu.memory_space<vmem>>, vector<16xf32>,
        tpu.vector_store_idx %arg14[%select_n3A_96, %select_n3A_203, %parallel_loop3A_982], %parallel_loop3A_991 : memref<8x8x129xf32, #tpu.memory_space<vmem>>[vector<16xi32>, vector<16xi32>, vector<16xi32>], vector<16xf32>,
        %parallel_loop3A_992 = arith.index_cast %parallel_loop3A_977 : i32 to index
        %parallel_loop3A_993 = arith.constant 48 : index
        %parallel_loop3A_994 = tpu.vector_load %arg9[%parallel_loop3A_992, %parallel_loop3A_993] {strides = array<i32>} : memref<128x64xf32, #tpu.memory_space<vmem>>, vector<16xf32>,
        tpu.vector_store_idx %arg14[%select_n3A_130, %select_n3A_228, %parallel_loop3A_982], %parallel_loop3A_994 : memref<8x8x129xf32, #tpu.memory_space<vmem>>[vector<16xi32>, vector<16xi32>, vector<16xi32>], vector<16xf32>,
      } {sc.loop_unroll_factor = 4 : i64, sc.parallel_access}
      %add3A_829 = arith.addi %mul3A_2, %add3A_814 : i32
      %jit3A_830 = arith.constant 32 : i32
      %div3A_831 = arith.divsi %add3A_829, %jit3A_830 : i32
      %sign3A_832 = arith.constant 0 : i32
      %sign3A_833 = arith.cmpi sgt, %add3A_829, %sign3A_832 : i32
      %sign3A_834 = arith.extui %sign3A_833 : i1 to i32
      %sign3A_835 = arith.constant 0 : i32
      %sign3A_836 = arith.cmpi slt, %add3A_829, %sign3A_835 : i32
      %sign3A_837 = arith.extui %sign3A_836 : i1 to i32
      %sign3A_838 = arith.subi %sign3A_834, %sign3A_837 : i32
      %sign3A_839 = arith.constant 0 : i32
      %sign3A_840 = arith.cmpi sgt, %jit3A_830, %sign3A_839 : i32
      %sign3A_841 = arith.extui %sign3A_840 : i1 to i32
      %sign3A_842 = arith.constant 0 : i32
      %sign3A_843 = arith.cmpi slt, %jit3A_830, %sign3A_842 : i32
      %sign3A_844 = arith.extui %sign3A_843 : i1 to i32
      %sign3A_845 = arith.subi %sign3A_841, %sign3A_844 : i32
      %ne3A_846 = arith.cmpi ne, %sign3A_838, %sign3A_845 : i32
      %rem3A_847 = arith.remsi %add3A_829, %jit3A_830 : i32
      %ne3A_848 = arith.constant 0 : i32
      %ne3A_849 = arith.cmpi ne, %rem3A_847, %ne3A_848 : i32
      %and3A_850 = arith.andi %ne3A_846, %ne3A_849 : i1
      %sub3A_851 = arith.constant 1 : i32
      %sub3A_852 = arith.subi %div3A_831, %sub3A_851 : i32
      %select_n3A_853 = arith.select %and3A_850, %sub3A_852, %div3A_831 : i32
      %jit3A_854 = arith.constant 32 : i32
      %eq3A_855 = arith.constant 0 : i32
      %eq3A_856 = arith.cmpi eq, %jit3A_854, %eq3A_855 : i32
      %jit3A_857 = arith.constant 1 : i32
      %select_n3A_858 = arith.select %eq3A_856, %jit3A_857, %jit3A_854 : i32
      %rem3A_859 = arith.remsi %add3A_829, %select_n3A_858 : i32
      %ne3A_860 = arith.constant 0 : i32
      %ne3A_861 = arith.cmpi ne, %rem3A_859, %ne3A_860 : i32
      %lt3A_862 = arith.constant 0 : i32
      %lt3A_863 = arith.cmpi slt, %rem3A_859, %lt3A_862 : i32
      %lt3A_864 = arith.constant 0 : i32
      %lt3A_865 = arith.cmpi slt, %select_n3A_858, %lt3A_864 : i32
      %ne3A_866 = arith.xori %lt3A_863, %lt3A_865 : i1
      %and3A_867 = arith.andi %ne3A_866, %ne3A_861 : i1
      %add3A_868 = arith.addi %rem3A_859, %select_n3A_858 : i32
      %select_n3A_869 = arith.select %and3A_867, %add3A_868, %rem3A_859 : i32
      %dma_start3A_870 = arith.constant 0 : i32
      %dma_start3A_871 = arith.constant 0 : i32
      %dma_start3A_872 = arith.constant 0 : i32
      %dma_start3A_873 = tpu.memref_slice %arg14[%dma_start3A_870, %dma_start3A_871, %dma_start3A_872] : memref<8x8x129xf32, #tpu.memory_space<vmem>> -> memref<8x8x128xf32, #tpu.memory_space<vmem>>
      %dma_start3A_874 = arith.constant 0 : i32
      %dma_start3A_875 = arith.constant 0 : i32
      %dma_start3A_876 = arith.constant 0 : i32
      %dma_start3A_877 = tpu.memref_slice %arg4[%select_n3A_853, %dma_start3A_874, %select_n3A_869, %dma_start3A_875, %dma_start3A_876] : memref<200x8x32x8x128xf32, #tpu.memory_space<hbm>> -> memref<1x8x1x8x128xf32, #tpu.memory_space<hbm>>
      %dma_start3A_878 = tpu.memref_squeeze %dma_start3A_877 : memref<1x8x1x8x128xf32, #tpu.memory_space<hbm>> -> memref<8x8x128xf32, #tpu.memory_space<hbm>>
      %dma_start3A_879 = arith.constant 0 : i32
      %dma_start3A_880 = arith.constant 0 : i32
      %dma_start3A_881 = arith.constant 0 : i32
      %dma_start3A_882 = tpu.memref_slice %arg4[%select_n3A_853, %dma_start3A_879, %select_n3A_869, %dma_start3A_880, %dma_start3A_881] : memref<200x8x32x8x128xf32, #tpu.memory_space<hbm>> -> memref<1x8x1x8x128xf32, #tpu.memory_space<hbm>>
      %dma_start3A_883 = tpu.memref_squeeze %dma_start3A_882 : memref<1x8x1x8x128xf32, #tpu.memory_space<hbm>> -> memref<8x8x128xf32, #tpu.memory_space<hbm>>
      %dma_start3A_884 = arith.constant 0 : i32
      %dma_start3A_885 = arith.constant 0 : i32
      %dma_start3A_886 = arith.constant 0 : i32
      %dma_start3A_887 = tpu.memref_slice %arg14[%dma_start3A_884, %dma_start3A_885, %dma_start3A_886] : memref<8x8x129xf32, #tpu.memory_space<vmem>> -> memref<8x8x128xf32, #tpu.memory_space<vmem>>
      tpu.enqueue_dma source(%dma_start3A_887 : memref<8x8x128xf32, #tpu.memory_space<vmem>>) target(%dma_start3A_883 : memref<8x8x128xf32, #tpu.memory_space<hbm>>) target_semaphore(%arg24 : memref<!tpu.dma_semaphore, #tpu.memory_space<semaphore_mem>>)
      %add3A_888 = arith.constant 5 : i32
      %add3A_889 = arith.addi %add3A_814, %add3A_888 : i32
      %lt3A_890 = arith.constant 200 : i32
      %lt3A_891 = arith.cmpi slt, %add3A_889, %lt3A_890 : i32
      %convert_element_type3A_892 = arith.extui %lt3A_891 : i1 to i32
      %cond3A_893 = arith.constant 0 : i32
      %cond3A_894 = arith.cmpi ne, %convert_element_type3A_892, %cond3A_893 : i32
      scf.if %cond3A_894 {
        %add3A_977 = arith.constant 5 : i32
        %add3A_978 = arith.addi %add3A_814, %add3A_977 : i32
        %dma_start3A_979 = arith.constant 0 : i32
        %dma_start3A_980 = tpu.memref_slice %arg5[%add3A_978, %dma_start3A_979] : memref<200x128xi32, #tpu.memory_space<vmem>> -> memref<1x128xi32, #tpu.memory_space<vmem>>
        %dma_start3A_981 = tpu.memref_squeeze %dma_start3A_980 : memref<1x128xi32, #tpu.memory_space<vmem>> -> memref<128xi32, #tpu.memory_space<vmem>>
        %dma_start3A_982 = arith.constant 0 : i32
        %dma_start3A_983 = arith.constant 0 : i32
        %dma_start3A_984 = tpu.memref_slice %arg2[%dma_start3A_982, %dma_start3A_983] : memref<1000000x64xf32, #tpu.memory_space<hbm>> -> memref<1000000x64xf32, #tpu.memory_space<hbm>>
        tpu.enqueue_indirect_dma source(%dma_start3A_984 : memref<1000000x64xf32, #tpu.memory_space<hbm>>) target(%arg9 : memref<128x64xf32, #tpu.memory_space<vmem>>) offsets(%dma_start3A_981 : memref<128xi32, #tpu.memory_space<vmem>>) semaphore(%arg19 : memref<!tpu.dma_semaphore, #tpu.memory_space<semaphore_mem>>)
      } else {
      }
      %add3A_895 = arith.constant 4 : i32
      %add3A_896 = arith.addi %add3A_570, %add3A_895 : i32
      %dma_wait3A_897 = arith.constant 0 : i32
      %dma_wait3A_898 = tpu.memref_slice %arg5[%add3A_896, %dma_wait3A_897] : memref<200x128xi32, #tpu.memory_space<vmem>> -> memref<1x128xi32, #tpu.memory_space<vmem>>
      %dma_wait3A_899 = tpu.memref_squeeze %dma_wait3A_898 : memref<1x128xi32, #tpu.memory_space<vmem>> -> memref<128xi32, #tpu.memory_space<vmem>>
      %dma_wait3A_900 = arith.constant 0 : i32
      %dma_wait3A_901 = arith.constant 0 : i32
      %dma_wait3A_902 = tpu.memref_slice %arg2[%dma_wait3A_900, %dma_wait3A_901] : memref<1000000x64xf32, #tpu.memory_space<hbm>> -> memref<1000000x64xf32, #tpu.memory_space<hbm>>
      tpu.wait_indirect_dma semaphore(%arg20 : memref<!tpu.dma_semaphore, #tpu.memory_space<semaphore_mem>>) src(%dma_wait3A_902 : memref<1000000x64xf32, #tpu.memory_space<hbm>>) dst(%arg10 : memref<128x64xf32, #tpu.memory_space<vmem>>)
      %ge3A_903 = arith.constant 5 : i32
      %ge3A_904 = arith.cmpi sge, %add3A_896, %ge3A_903 : i32
      %convert_element_type3A_905 = arith.extui %ge3A_904 : i1 to i32
      %cond3A_906 = arith.constant 0 : i32
      %cond3A_907 = arith.cmpi ne, %convert_element_type3A_905, %cond3A_906 : i32
      scf.if %cond3A_907 {
        %sub3A_977 = arith.constant 5 : i32
        %sub3A_978 = arith.subi %add3A_896, %sub3A_977 : i32
        %add3A_979 = arith.addi %mul3A_2, %sub3A_978 : i32
        %jit3A_980 = arith.constant 32 : i32
        %div3A_981 = arith.divsi %add3A_979, %jit3A_980 : i32
        %sign3A_982 = arith.constant 0 : i32
        %sign3A_983 = arith.cmpi sgt, %add3A_979, %sign3A_982 : i32
        %sign3A_984 = arith.extui %sign3A_983 : i1 to i32
        %sign3A_985 = arith.constant 0 : i32
        %sign3A_986 = arith.cmpi slt, %add3A_979, %sign3A_985 : i32
        %sign3A_987 = arith.extui %sign3A_986 : i1 to i32
        %sign3A_988 = arith.subi %sign3A_984, %sign3A_987 : i32
        %sign3A_989 = arith.constant 0 : i32
        %sign3A_990 = arith.cmpi sgt, %jit3A_980, %sign3A_989 : i32
        %sign3A_991 = arith.extui %sign3A_990 : i1 to i32
        %sign3A_992 = arith.constant 0 : i32
        %sign3A_993 = arith.cmpi slt, %jit3A_980, %sign3A_992 : i32
        %sign3A_994 = arith.extui %sign3A_993 : i1 to i32
        %sign3A_995 = arith.subi %sign3A_991, %sign3A_994 : i32
        %ne3A_996 = arith.cmpi ne, %sign3A_988, %sign3A_995 : i32
        %rem3A_997 = arith.remsi %add3A_979, %jit3A_980 : i32
        %ne3A_998 = arith.constant 0 : i32
        %ne3A_999 = arith.cmpi ne, %rem3A_997, %ne3A_998 : i32
        %and3A_1000 = arith.andi %ne3A_996, %ne3A_999 : i1
        %sub3A_1001 = arith.constant 1 : i32
        %sub3A_1002 = arith.subi %div3A_981, %sub3A_1001 : i32
        %select_n3A_1003 = arith.select %and3A_1000, %sub3A_1002, %div3A_981 : i32
        %jit3A_1004 = arith.constant 32 : i32
        %eq3A_1005 = arith.constant 0 : i32
        %eq3A_1006 = arith.cmpi eq, %jit3A_1004, %eq3A_1005 : i32
        %jit3A_1007 = arith.constant 1 : i32
        %select_n3A_1008 = arith.select %eq3A_1006, %jit3A_1007, %jit3A_1004 : i32
        %rem3A_1009 = arith.remsi %add3A_979, %select_n3A_1008 : i32
        %ne3A_1010 = arith.constant 0 : i32
        %ne3A_1011 = arith.cmpi ne, %rem3A_1009, %ne3A_1010 : i32
        %lt3A_1012 = arith.constant 0 : i32
        %lt3A_1013 = arith.cmpi slt, %rem3A_1009, %lt3A_1012 : i32
        %lt3A_1014 = arith.constant 0 : i32
        %lt3A_1015 = arith.cmpi slt, %select_n3A_1008, %lt3A_1014 : i32
        %ne3A_1016 = arith.xori %lt3A_1013, %lt3A_1015 : i1
        %and3A_1017 = arith.andi %ne3A_1016, %ne3A_1011 : i1
        %add3A_1018 = arith.addi %rem3A_1009, %select_n3A_1008 : i32
        %select_n3A_1019 = arith.select %and3A_1017, %add3A_1018, %rem3A_1009 : i32
        %dma_wait3A_1020 = arith.constant 0 : i32
        %dma_wait3A_1021 = arith.constant 0 : i32
        %dma_wait3A_1022 = arith.constant 0 : i32
        %dma_wait3A_1023 = tpu.memref_slice %arg15[%dma_wait3A_1020, %dma_wait3A_1021, %dma_wait3A_1022] : memref<8x8x129xf32, #tpu.memory_space<vmem>> -> memref<8x8x128xf32, #tpu.memory_space<vmem>>
        %dma_wait3A_1024 = arith.constant 0 : i32
        %dma_wait3A_1025 = arith.constant 0 : i32
        %dma_wait3A_1026 = arith.constant 0 : i32
        %dma_wait3A_1027 = tpu.memref_slice %arg4[%select_n3A_1003, %dma_wait3A_1024, %select_n3A_1019, %dma_wait3A_1025, %dma_wait3A_1026] : memref<200x8x32x8x128xf32, #tpu.memory_space<hbm>> -> memref<1x8x1x8x128xf32, #tpu.memory_space<hbm>>
        %dma_wait3A_1028 = tpu.memref_squeeze %dma_wait3A_1027 : memref<1x8x1x8x128xf32, #tpu.memory_space<hbm>> -> memref<8x8x128xf32, #tpu.memory_space<hbm>>
        %dma_wait3A_1029 = arith.constant 0 : i32
        %dma_wait3A_1030 = arith.constant 0 : i32
        %dma_wait3A_1031 = arith.constant 0 : i32
        %dma_wait3A_1032 = tpu.memref_slice %arg4[%select_n3A_1003, %dma_wait3A_1029, %select_n3A_1019, %dma_wait3A_1030, %dma_wait3A_1031] : memref<200x8x32x8x128xf32, #tpu.memory_space<hbm>> -> memref<1x8x1x8x128xf32, #tpu.memory_space<hbm>>
        %dma_wait3A_1033 = tpu.memref_squeeze %dma_wait3A_1032 : memref<1x8x1x8x128xf32, #tpu.memory_space<hbm>> -> memref<8x8x128xf32, #tpu.memory_space<hbm>>
        %dma_wait3A_1034 = arith.constant 0 : i32
        %dma_wait3A_1035 = arith.constant 0 : i32
        %dma_wait3A_1036 = arith.constant 0 : i32
        %dma_wait3A_1037 = tpu.memref_slice %arg15[%dma_wait3A_1034, %dma_wait3A_1035, %dma_wait3A_1036] : memref<8x8x129xf32, #tpu.memory_space<vmem>> -> memref<8x8x128xf32, #tpu.memory_space<vmem>>
        tpu.wait_dma2 semaphore(%arg25 : memref<!tpu.dma_semaphore, #tpu.memory_space<semaphore_mem>>) src(%dma_wait3A_1037 : memref<8x8x128xf32, #tpu.memory_space<vmem>>) dst(%dma_wait3A_1033 : memref<8x8x128xf32, #tpu.memory_space<hbm>>)
      } else {
      }
      %parallel_loop3A_908 = arith.constant 0 : i32
      %parallel_loop3A_909 = arith.constant 128 : i32
      %parallel_loop3A_910 = arith.constant 1 : i32
      scf.for %parallel_loop3A_977 = %parallel_loop3A_908 to %parallel_loop3A_909 step %parallel_loop3A_910  : i32 {
        %parallel_loop3A_978 = arith.constant 0 : i32
        %parallel_loop3A_979 = vector.broadcast %parallel_loop3A_978 : i32 to vector<16xi32>
        %parallel_loop3A_980 = arith.muli %iota3A, %parallel_loop3A_979 : vector<16xi32>
        %parallel_loop3A_981 = vector.broadcast %parallel_loop3A_977 : i32 to vector<16xi32>
        %parallel_loop3A_982 = arith.addi %parallel_loop3A_980, %parallel_loop3A_981 : vector<16xi32>
        %parallel_loop3A_983 = arith.index_cast %parallel_loop3A_977 : i32 to index
        %parallel_loop3A_984 = arith.constant 0 : index
        %parallel_loop3A_985 = tpu.vector_load %arg10[%parallel_loop3A_983, %parallel_loop3A_984] {strides = array<i32>} : memref<128x64xf32, #tpu.memory_space<vmem>>, vector<16xf32>,
        tpu.vector_store_idx %arg15[%select_n3A, %select_n3A_153, %parallel_loop3A_982], %parallel_loop3A_985 : memref<8x8x129xf32, #tpu.memory_space<vmem>>[vector<16xi32>, vector<16xi32>, vector<16xi32>], vector<16xf32>,
        %parallel_loop3A_986 = arith.index_cast %parallel_loop3A_977 : i32 to index
        %parallel_loop3A_987 = arith.constant 16 : index
        %parallel_loop3A_988 = tpu.vector_load %arg10[%parallel_loop3A_986, %parallel_loop3A_987] {strides = array<i32>} : memref<128x64xf32, #tpu.memory_space<vmem>>, vector<16xf32>,
        tpu.vector_store_idx %arg15[%select_n3A_62, %select_n3A_178, %parallel_loop3A_982], %parallel_loop3A_988 : memref<8x8x129xf32, #tpu.memory_space<vmem>>[vector<16xi32>, vector<16xi32>, vector<16xi32>], vector<16xf32>,
        %parallel_loop3A_989 = arith.index_cast %parallel_loop3A_977 : i32 to index
        %parallel_loop3A_990 = arith.constant 32 : index
        %parallel_loop3A_991 = tpu.vector_load %arg10[%parallel_loop3A_989, %parallel_loop3A_990] {strides = array<i32>} : memref<128x64xf32, #tpu.memory_space<vmem>>, vector<16xf32>,
        tpu.vector_store_idx %arg15[%select_n3A_96, %select_n3A_203, %parallel_loop3A_982], %parallel_loop3A_991 : memref<8x8x129xf32, #tpu.memory_space<vmem>>[vector<16xi32>, vector<16xi32>, vector<16xi32>], vector<16xf32>,
        %parallel_loop3A_992 = arith.index_cast %parallel_loop3A_977 : i32 to index
        %parallel_loop3A_993 = arith.constant 48 : index
        %parallel_loop3A_994 = tpu.vector_load %arg10[%parallel_loop3A_992, %parallel_loop3A_993] {strides = array<i32>} : memref<128x64xf32, #tpu.memory_space<vmem>>, vector<16xf32>,
        tpu.vector_store_idx %arg15[%select_n3A_130, %select_n3A_228, %parallel_loop3A_982], %parallel_loop3A_994 : memref<8x8x129xf32, #tpu.memory_space<vmem>>[vector<16xi32>, vector<16xi32>, vector<16xi32>], vector<16xf32>,
      } {sc.loop_unroll_factor = 4 : i64, sc.parallel_access}
      %add3A_911 = arith.addi %mul3A_2, %add3A_896 : i32
      %jit3A_912 = arith.constant 32 : i32
      %div3A_913 = arith.divsi %add3A_911, %jit3A_912 : i32
      %sign3A_914 = arith.constant 0 : i32
      %sign3A_915 = arith.cmpi sgt, %add3A_911, %sign3A_914 : i32
      %sign3A_916 = arith.extui %sign3A_915 : i1 to i32
      %sign3A_917 = arith.constant 0 : i32
      %sign3A_918 = arith.cmpi slt, %add3A_911, %sign3A_917 : i32
      %sign3A_919 = arith.extui %sign3A_918 : i1 to i32
      %sign3A_920 = arith.subi %sign3A_916, %sign3A_919 : i32
      %sign3A_921 = arith.constant 0 : i32
      %sign3A_922 = arith.cmpi sgt, %jit3A_912, %sign3A_921 : i32
      %sign3A_923 = arith.extui %sign3A_922 : i1 to i32
      %sign3A_924 = arith.constant 0 : i32
      %sign3A_925 = arith.cmpi slt, %jit3A_912, %sign3A_924 : i32
      %sign3A_926 = arith.extui %sign3A_925 : i1 to i32
      %sign3A_927 = arith.subi %sign3A_923, %sign3A_926 : i32
      %ne3A_928 = arith.cmpi ne, %sign3A_920, %sign3A_927 : i32
      %rem3A_929 = arith.remsi %add3A_911, %jit3A_912 : i32
      %ne3A_930 = arith.constant 0 : i32
      %ne3A_931 = arith.cmpi ne, %rem3A_929, %ne3A_930 : i32
      %and3A_932 = arith.andi %ne3A_928, %ne3A_931 : i1
      %sub3A_933 = arith.constant 1 : i32
      %sub3A_934 = arith.subi %div3A_913, %sub3A_933 : i32
      %select_n3A_935 = arith.select %and3A_932, %sub3A_934, %div3A_913 : i32
      %jit3A_936 = arith.constant 32 : i32
      %eq3A_937 = arith.constant 0 : i32
      %eq3A_938 = arith.cmpi eq, %jit3A_936, %eq3A_937 : i32
      %jit3A_939 = arith.constant 1 : i32
      %select_n3A_940 = arith.select %eq3A_938, %jit3A_939, %jit3A_936 : i32
      %rem3A_941 = arith.remsi %add3A_911, %select_n3A_940 : i32
      %ne3A_942 = arith.constant 0 : i32
      %ne3A_943 = arith.cmpi ne, %rem3A_941, %ne3A_942 : i32
      %lt3A_944 = arith.constant 0 : i32
      %lt3A_945 = arith.cmpi slt, %rem3A_941, %lt3A_944 : i32
      %lt3A_946 = arith.constant 0 : i32
      %lt3A_947 = arith.cmpi slt, %select_n3A_940, %lt3A_946 : i32
      %ne3A_948 = arith.xori %lt3A_945, %lt3A_947 : i1
      %and3A_949 = arith.andi %ne3A_948, %ne3A_943 : i1
      %add3A_950 = arith.addi %rem3A_941, %select_n3A_940 : i32
      %select_n3A_951 = arith.select %and3A_949, %add3A_950, %rem3A_941 : i32
      %dma_start3A_952 = arith.constant 0 : i32
      %dma_start3A_953 = arith.constant 0 : i32
      %dma_start3A_954 = arith.constant 0 : i32
      %dma_start3A_955 = tpu.memref_slice %arg15[%dma_start3A_952, %dma_start3A_953, %dma_start3A_954] : memref<8x8x129xf32, #tpu.memory_space<vmem>> -> memref<8x8x128xf32, #tpu.memory_space<vmem>>
      %dma_start3A_956 = arith.constant 0 : i32
      %dma_start3A_957 = arith.constant 0 : i32
      %dma_start3A_958 = arith.constant 0 : i32
      %dma_start3A_959 = tpu.memref_slice %arg4[%select_n3A_935, %dma_start3A_956, %select_n3A_951, %dma_start3A_957, %dma_start3A_958] : memref<200x8x32x8x128xf32, #tpu.memory_space<hbm>> -> memref<1x8x1x8x128xf32, #tpu.memory_space<hbm>>
      %dma_start3A_960 = tpu.memref_squeeze %dma_start3A_959 : memref<1x8x1x8x128xf32, #tpu.memory_space<hbm>> -> memref<8x8x128xf32, #tpu.memory_space<hbm>>
      %dma_start3A_961 = arith.constant 0 : i32
      %dma_start3A_962 = arith.constant 0 : i32
      %dma_start3A_963 = arith.constant 0 : i32
      %dma_start3A_964 = tpu.memref_slice %arg4[%select_n3A_935, %dma_start3A_961, %select_n3A_951, %dma_start3A_962, %dma_start3A_963] : memref<200x8x32x8x128xf32, #tpu.memory_space<hbm>> -> memref<1x8x1x8x128xf32, #tpu.memory_space<hbm>>
      %dma_start3A_965 = tpu.memref_squeeze %dma_start3A_964 : memref<1x8x1x8x128xf32, #tpu.memory_space<hbm>> -> memref<8x8x128xf32, #tpu.memory_space<hbm>>
      %dma_start3A_966 = arith.constant 0 : i32
      %dma_start3A_967 = arith.constant 0 : i32
      %dma_start3A_968 = arith.constant 0 : i32
      %dma_start3A_969 = tpu.memref_slice %arg15[%dma_start3A_966, %dma_start3A_967, %dma_start3A_968] : memref<8x8x129xf32, #tpu.memory_space<vmem>> -> memref<8x8x128xf32, #tpu.memory_space<vmem>>
      tpu.enqueue_dma source(%dma_start3A_969 : memref<8x8x128xf32, #tpu.memory_space<vmem>>) target(%dma_start3A_965 : memref<8x8x128xf32, #tpu.memory_space<hbm>>) target_semaphore(%arg25 : memref<!tpu.dma_semaphore, #tpu.memory_space<semaphore_mem>>)
      %add3A_970 = arith.constant 5 : i32
      %add3A_971 = arith.addi %add3A_896, %add3A_970 : i32
      %lt3A_972 = arith.constant 200 : i32
      %lt3A_973 = arith.cmpi slt, %add3A_971, %lt3A_972 : i32
      %convert_element_type3A_974 = arith.extui %lt3A_973 : i1 to i32
      %cond3A_975 = arith.constant 0 : i32
      %cond3A_976 = arith.cmpi ne, %convert_element_type3A_974, %cond3A_975 : i32
      scf.if %cond3A_976 {
        %add3A_977 = arith.constant 5 : i32
        %add3A_978 = arith.addi %add3A_896, %add3A_977 : i32
        %dma_start3A_979 = arith.constant 0 : i32
        %dma_start3A_980 = tpu.memref_slice %arg5[%add3A_978, %dma_start3A_979] : memref<200x128xi32, #tpu.memory_space<vmem>> -> memref<1x128xi32, #tpu.memory_space<vmem>>
        %dma_start3A_981 = tpu.memref_squeeze %dma_start3A_980 : memref<1x128xi32, #tpu.memory_space<vmem>> -> memref<128xi32, #tpu.memory_space<vmem>>
        %dma_start3A_982 = arith.constant 0 : i32
        %dma_start3A_983 = arith.constant 0 : i32
        %dma_start3A_984 = tpu.memref_slice %arg2[%dma_start3A_982, %dma_start3A_983] : memref<1000000x64xf32, #tpu.memory_space<hbm>> -> memref<1000000x64xf32, #tpu.memory_space<hbm>>
        tpu.enqueue_indirect_dma source(%dma_start3A_984 : memref<1000000x64xf32, #tpu.memory_space<hbm>>) target(%arg10 : memref<128x64xf32, #tpu.memory_space<vmem>>) offsets(%dma_start3A_981 : memref<128xi32, #tpu.memory_space<vmem>>) semaphore(%arg20 : memref<!tpu.dma_semaphore, #tpu.memory_space<semaphore_mem>>)
      } else {
      }
    }
    %scan3A_266 = arith.constant 40 : i32
    %add3A_267 = arith.constant 195 : i32
    %add3A_268 = arith.addi %mul3A_2, %add3A_267 : i32
    %jit3A_269 = arith.constant 32 : i32
    %div3A_270 = arith.divsi %add3A_268, %jit3A_269 : i32
    %sign3A_271 = arith.constant 0 : i32
    %sign3A_272 = arith.cmpi sgt, %add3A_268, %sign3A_271 : i32
    %sign3A_273 = arith.extui %sign3A_272 : i1 to i32
    %sign3A_274 = arith.constant 0 : i32
    %sign3A_275 = arith.cmpi slt, %add3A_268, %sign3A_274 : i32
    %sign3A_276 = arith.extui %sign3A_275 : i1 to i32
    %sign3A_277 = arith.subi %sign3A_273, %sign3A_276 : i32
    %sign3A_278 = arith.constant 0 : i32
    %sign3A_279 = arith.cmpi sgt, %jit3A_269, %sign3A_278 : i32
    %sign3A_280 = arith.extui %sign3A_279 : i1 to i32
    %sign3A_281 = arith.constant 0 : i32
    %sign3A_282 = arith.cmpi slt, %jit3A_269, %sign3A_281 : i32
    %sign3A_283 = arith.extui %sign3A_282 : i1 to i32
    %sign3A_284 = arith.subi %sign3A_280, %sign3A_283 : i32
    %ne3A_285 = arith.cmpi ne, %sign3A_277, %sign3A_284 : i32
    %rem3A_286 = arith.remsi %add3A_268, %jit3A_269 : i32
    %ne3A_287 = arith.constant 0 : i32
    %ne3A_288 = arith.cmpi ne, %rem3A_286, %ne3A_287 : i32
    %and3A_289 = arith.andi %ne3A_285, %ne3A_288 : i1
    %sub3A_290 = arith.constant 1 : i32
    %sub3A_291 = arith.subi %div3A_270, %sub3A_290 : i32
    %select_n3A_292 = arith.select %and3A_289, %sub3A_291, %div3A_270 : i32
    %jit3A_293 = arith.constant 32 : i32
    %eq3A_294 = arith.constant 0 : i32
    %eq3A_295 = arith.cmpi eq, %jit3A_293, %eq3A_294 : i32
    %jit3A_296 = arith.constant 1 : i32
    %select_n3A_297 = arith.select %eq3A_295, %jit3A_296, %jit3A_293 : i32
    %rem3A_298 = arith.remsi %add3A_268, %select_n3A_297 : i32
    %ne3A_299 = arith.constant 0 : i32
    %ne3A_300 = arith.cmpi ne, %rem3A_298, %ne3A_299 : i32
    %lt3A_301 = arith.constant 0 : i32
    %lt3A_302 = arith.cmpi slt, %rem3A_298, %lt3A_301 : i32
    %lt3A_303 = arith.constant 0 : i32
    %lt3A_304 = arith.cmpi slt, %select_n3A_297, %lt3A_303 : i32
    %ne3A_305 = arith.xori %lt3A_302, %lt3A_304 : i1
    %and3A_306 = arith.andi %ne3A_305, %ne3A_300 : i1
    %add3A_307 = arith.addi %rem3A_298, %select_n3A_297 : i32
    %select_n3A_308 = arith.select %and3A_306, %add3A_307, %rem3A_298 : i32
    %dma_wait3A = arith.constant 0 : i32
    %dma_wait3A_309 = arith.constant 0 : i32
    %dma_wait3A_310 = arith.constant 0 : i32
    %dma_wait3A_311 = tpu.memref_slice %arg11[%dma_wait3A, %dma_wait3A_309, %dma_wait3A_310] : memref<8x8x129xf32, #tpu.memory_space<vmem>> -> memref<8x8x128xf32, #tpu.memory_space<vmem>>
    %dma_wait3A_312 = arith.constant 0 : i32
    %dma_wait3A_313 = arith.constant 0 : i32
    %dma_wait3A_314 = arith.constant 0 : i32
    %dma_wait3A_315 = tpu.memref_slice %arg4[%select_n3A_292, %dma_wait3A_312, %select_n3A_308, %dma_wait3A_313, %dma_wait3A_314] : memref<200x8x32x8x128xf32, #tpu.memory_space<hbm>> -> memref<1x8x1x8x128xf32, #tpu.memory_space<hbm>>
    %dma_wait3A_316 = tpu.memref_squeeze %dma_wait3A_315 : memref<1x8x1x8x128xf32, #tpu.memory_space<hbm>> -> memref<8x8x128xf32, #tpu.memory_space<hbm>>
    %dma_wait3A_317 = arith.constant 0 : i32
    %dma_wait3A_318 = arith.constant 0 : i32
    %dma_wait3A_319 = arith.constant 0 : i32
    %dma_wait3A_320 = tpu.memref_slice %arg4[%select_n3A_292, %dma_wait3A_317, %select_n3A_308, %dma_wait3A_318, %dma_wait3A_319] : memref<200x8x32x8x128xf32, #tpu.memory_space<hbm>> -> memref<1x8x1x8x128xf32, #tpu.memory_space<hbm>>
    %dma_wait3A_321 = tpu.memref_squeeze %dma_wait3A_320 : memref<1x8x1x8x128xf32, #tpu.memory_space<hbm>> -> memref<8x8x128xf32, #tpu.memory_space<hbm>>
    %dma_wait3A_322 = arith.constant 0 : i32
    %dma_wait3A_323 = arith.constant 0 : i32
    %dma_wait3A_324 = arith.constant 0 : i32
    %dma_wait3A_325 = tpu.memref_slice %arg11[%dma_wait3A_322, %dma_wait3A_323, %dma_wait3A_324] : memref<8x8x129xf32, #tpu.memory_space<vmem>> -> memref<8x8x128xf32, #tpu.memory_space<vmem>>
    tpu.wait_dma2 semaphore(%arg21 : memref<!tpu.dma_semaphore, #tpu.memory_space<semaphore_mem>>) src(%dma_wait3A_325 : memref<8x8x128xf32, #tpu.memory_space<vmem>>) dst(%dma_wait3A_321 : memref<8x8x128xf32, #tpu.memory_space<hbm>>)
    %add3A_326 = arith.constant 196 : i32
    %add3A_327 = arith.addi %mul3A_2, %add3A_326 : i32
    %jit3A_328 = arith.constant 32 : i32
    %div3A_329 = arith.divsi %add3A_327, %jit3A_328 : i32
    %sign3A_330 = arith.constant 0 : i32
    %sign3A_331 = arith.cmpi sgt, %add3A_327, %sign3A_330 : i32
    %sign3A_332 = arith.extui %sign3A_331 : i1 to i32
    %sign3A_333 = arith.constant 0 : i32
    %sign3A_334 = arith.cmpi slt, %add3A_327, %sign3A_333 : i32
    %sign3A_335 = arith.extui %sign3A_334 : i1 to i32
    %sign3A_336 = arith.subi %sign3A_332, %sign3A_335 : i32
    %sign3A_337 = arith.constant 0 : i32
    %sign3A_338 = arith.cmpi sgt, %jit3A_328, %sign3A_337 : i32
    %sign3A_339 = arith.extui %sign3A_338 : i1 to i32
    %sign3A_340 = arith.constant 0 : i32
    %sign3A_341 = arith.cmpi slt, %jit3A_328, %sign3A_340 : i32
    %sign3A_342 = arith.extui %sign3A_341 : i1 to i32
    %sign3A_343 = arith.subi %sign3A_339, %sign3A_342 : i32
    %ne3A_344 = arith.cmpi ne, %sign3A_336, %sign3A_343 : i32
    %rem3A_345 = arith.remsi %add3A_327, %jit3A_328 : i32
    %ne3A_346 = arith.constant 0 : i32
    %ne3A_347 = arith.cmpi ne, %rem3A_345, %ne3A_346 : i32
    %and3A_348 = arith.andi %ne3A_344, %ne3A_347 : i1
    %sub3A_349 = arith.constant 1 : i32
    %sub3A_350 = arith.subi %div3A_329, %sub3A_349 : i32
    %select_n3A_351 = arith.select %and3A_348, %sub3A_350, %div3A_329 : i32
    %jit3A_352 = arith.constant 32 : i32
    %eq3A_353 = arith.constant 0 : i32
    %eq3A_354 = arith.cmpi eq, %jit3A_352, %eq3A_353 : i32
    %jit3A_355 = arith.constant 1 : i32
    %select_n3A_356 = arith.select %eq3A_354, %jit3A_355, %jit3A_352 : i32
    %rem3A_357 = arith.remsi %add3A_327, %select_n3A_356 : i32
    %ne3A_358 = arith.constant 0 : i32
    %ne3A_359 = arith.cmpi ne, %rem3A_357, %ne3A_358 : i32
    %lt3A_360 = arith.constant 0 : i32
    %lt3A_361 = arith.cmpi slt, %rem3A_357, %lt3A_360 : i32
    %lt3A_362 = arith.constant 0 : i32
    %lt3A_363 = arith.cmpi slt, %select_n3A_356, %lt3A_362 : i32
    %ne3A_364 = arith.xori %lt3A_361, %lt3A_363 : i1
    %and3A_365 = arith.andi %ne3A_364, %ne3A_359 : i1
    %add3A_366 = arith.addi %rem3A_357, %select_n3A_356 : i32
    %select_n3A_367 = arith.select %and3A_365, %add3A_366, %rem3A_357 : i32
    %dma_wait3A_368 = arith.constant 0 : i32
    %dma_wait3A_369 = arith.constant 0 : i32
    %dma_wait3A_370 = arith.constant 0 : i32
    %dma_wait3A_371 = tpu.memref_slice %arg12[%dma_wait3A_368, %dma_wait3A_369, %dma_wait3A_370] : memref<8x8x129xf32, #tpu.memory_space<vmem>> -> memref<8x8x128xf32, #tpu.memory_space<vmem>>
    %dma_wait3A_372 = arith.constant 0 : i32
    %dma_wait3A_373 = arith.constant 0 : i32
    %dma_wait3A_374 = arith.constant 0 : i32
    %dma_wait3A_375 = tpu.memref_slice %arg4[%select_n3A_351, %dma_wait3A_372, %select_n3A_367, %dma_wait3A_373, %dma_wait3A_374] : memref<200x8x32x8x128xf32, #tpu.memory_space<hbm>> -> memref<1x8x1x8x128xf32, #tpu.memory_space<hbm>>
    %dma_wait3A_376 = tpu.memref_squeeze %dma_wait3A_375 : memref<1x8x1x8x128xf32, #tpu.memory_space<hbm>> -> memref<8x8x128xf32, #tpu.memory_space<hbm>>
    %dma_wait3A_377 = arith.constant 0 : i32
    %dma_wait3A_378 = arith.constant 0 : i32
    %dma_wait3A_379 = arith.constant 0 : i32
    %dma_wait3A_380 = tpu.memref_slice %arg4[%select_n3A_351, %dma_wait3A_377, %select_n3A_367, %dma_wait3A_378, %dma_wait3A_379] : memref<200x8x32x8x128xf32, #tpu.memory_space<hbm>> -> memref<1x8x1x8x128xf32, #tpu.memory_space<hbm>>
    %dma_wait3A_381 = tpu.memref_squeeze %dma_wait3A_380 : memref<1x8x1x8x128xf32, #tpu.memory_space<hbm>> -> memref<8x8x128xf32, #tpu.memory_space<hbm>>
    %dma_wait3A_382 = arith.constant 0 : i32
    %dma_wait3A_383 = arith.constant 0 : i32
    %dma_wait3A_384 = arith.constant 0 : i32
    %dma_wait3A_385 = tpu.memref_slice %arg12[%dma_wait3A_382, %dma_wait3A_383, %dma_wait3A_384] : memref<8x8x129xf32, #tpu.memory_space<vmem>> -> memref<8x8x128xf32, #tpu.memory_space<vmem>>
    tpu.wait_dma2 semaphore(%arg22 : memref<!tpu.dma_semaphore, #tpu.memory_space<semaphore_mem>>) src(%dma_wait3A_385 : memref<8x8x128xf32, #tpu.memory_space<vmem>>) dst(%dma_wait3A_381 : memref<8x8x128xf32, #tpu.memory_space<hbm>>)
    %add3A_386 = arith.constant 197 : i32
    %add3A_387 = arith.addi %mul3A_2, %add3A_386 : i32
    %jit3A_388 = arith.constant 32 : i32
    %div3A_389 = arith.divsi %add3A_387, %jit3A_388 : i32
    %sign3A_390 = arith.constant 0 : i32
    %sign3A_391 = arith.cmpi sgt, %add3A_387, %sign3A_390 : i32
    %sign3A_392 = arith.extui %sign3A_391 : i1 to i32
    %sign3A_393 = arith.constant 0 : i32
    %sign3A_394 = arith.cmpi slt, %add3A_387, %sign3A_393 : i32
    %sign3A_395 = arith.extui %sign3A_394 : i1 to i32
    %sign3A_396 = arith.subi %sign3A_392, %sign3A_395 : i32
    %sign3A_397 = arith.constant 0 : i32
    %sign3A_398 = arith.cmpi sgt, %jit3A_388, %sign3A_397 : i32
    %sign3A_399 = arith.extui %sign3A_398 : i1 to i32
    %sign3A_400 = arith.constant 0 : i32
    %sign3A_401 = arith.cmpi slt, %jit3A_388, %sign3A_400 : i32
    %sign3A_402 = arith.extui %sign3A_401 : i1 to i32
    %sign3A_403 = arith.subi %sign3A_399, %sign3A_402 : i32
    %ne3A_404 = arith.cmpi ne, %sign3A_396, %sign3A_403 : i32
    %rem3A_405 = arith.remsi %add3A_387, %jit3A_388 : i32
    %ne3A_406 = arith.constant 0 : i32
    %ne3A_407 = arith.cmpi ne, %rem3A_405, %ne3A_406 : i32
    %and3A_408 = arith.andi %ne3A_404, %ne3A_407 : i1
    %sub3A_409 = arith.constant 1 : i32
    %sub3A_410 = arith.subi %div3A_389, %sub3A_409 : i32
    %select_n3A_411 = arith.select %and3A_408, %sub3A_410, %div3A_389 : i32
    %jit3A_412 = arith.constant 32 : i32
    %eq3A_413 = arith.constant 0 : i32
    %eq3A_414 = arith.cmpi eq, %jit3A_412, %eq3A_413 : i32
    %jit3A_415 = arith.constant 1 : i32
    %select_n3A_416 = arith.select %eq3A_414, %jit3A_415, %jit3A_412 : i32
    %rem3A_417 = arith.remsi %add3A_387, %select_n3A_416 : i32
    %ne3A_418 = arith.constant 0 : i32
    %ne3A_419 = arith.cmpi ne, %rem3A_417, %ne3A_418 : i32
    %lt3A_420 = arith.constant 0 : i32
    %lt3A_421 = arith.cmpi slt, %rem3A_417, %lt3A_420 : i32
    %lt3A_422 = arith.constant 0 : i32
    %lt3A_423 = arith.cmpi slt, %select_n3A_416, %lt3A_422 : i32
    %ne3A_424 = arith.xori %lt3A_421, %lt3A_423 : i1
    %and3A_425 = arith.andi %ne3A_424, %ne3A_419 : i1
    %add3A_426 = arith.addi %rem3A_417, %select_n3A_416 : i32
    %select_n3A_427 = arith.select %and3A_425, %add3A_426, %rem3A_417 : i32
    %dma_wait3A_428 = arith.constant 0 : i32
    %dma_wait3A_429 = arith.constant 0 : i32
    %dma_wait3A_430 = arith.constant 0 : i32
    %dma_wait3A_431 = tpu.memref_slice %arg13[%dma_wait3A_428, %dma_wait3A_429, %dma_wait3A_430] : memref<8x8x129xf32, #tpu.memory_space<vmem>> -> memref<8x8x128xf32, #tpu.memory_space<vmem>>
    %dma_wait3A_432 = arith.constant 0 : i32
    %dma_wait3A_433 = arith.constant 0 : i32
    %dma_wait3A_434 = arith.constant 0 : i32
    %dma_wait3A_435 = tpu.memref_slice %arg4[%select_n3A_411, %dma_wait3A_432, %select_n3A_427, %dma_wait3A_433, %dma_wait3A_434] : memref<200x8x32x8x128xf32, #tpu.memory_space<hbm>> -> memref<1x8x1x8x128xf32, #tpu.memory_space<hbm>>
    %dma_wait3A_436 = tpu.memref_squeeze %dma_wait3A_435 : memref<1x8x1x8x128xf32, #tpu.memory_space<hbm>> -> memref<8x8x128xf32, #tpu.memory_space<hbm>>
    %dma_wait3A_437 = arith.constant 0 : i32
    %dma_wait3A_438 = arith.constant 0 : i32
    %dma_wait3A_439 = arith.constant 0 : i32
    %dma_wait3A_440 = tpu.memref_slice %arg4[%select_n3A_411, %dma_wait3A_437, %select_n3A_427, %dma_wait3A_438, %dma_wait3A_439] : memref<200x8x32x8x128xf32, #tpu.memory_space<hbm>> -> memref<1x8x1x8x128xf32, #tpu.memory_space<hbm>>
    %dma_wait3A_441 = tpu.memref_squeeze %dma_wait3A_440 : memref<1x8x1x8x128xf32, #tpu.memory_space<hbm>> -> memref<8x8x128xf32, #tpu.memory_space<hbm>>
    %dma_wait3A_442 = arith.constant 0 : i32
    %dma_wait3A_443 = arith.constant 0 : i32
    %dma_wait3A_444 = arith.constant 0 : i32
    %dma_wait3A_445 = tpu.memref_slice %arg13[%dma_wait3A_442, %dma_wait3A_443, %dma_wait3A_444] : memref<8x8x129xf32, #tpu.memory_space<vmem>> -> memref<8x8x128xf32, #tpu.memory_space<vmem>>
    tpu.wait_dma2 semaphore(%arg23 : memref<!tpu.dma_semaphore, #tpu.memory_space<semaphore_mem>>) src(%dma_wait3A_445 : memref<8x8x128xf32, #tpu.memory_space<vmem>>) dst(%dma_wait3A_441 : memref<8x8x128xf32, #tpu.memory_space<hbm>>)
    %add3A_446 = arith.constant 198 : i32
    %add3A_447 = arith.addi %mul3A_2, %add3A_446 : i32
    %jit3A_448 = arith.constant 32 : i32
    %div3A_449 = arith.divsi %add3A_447, %jit3A_448 : i32
    %sign3A_450 = arith.constant 0 : i32
    %sign3A_451 = arith.cmpi sgt, %add3A_447, %sign3A_450 : i32
    %sign3A_452 = arith.extui %sign3A_451 : i1 to i32
    %sign3A_453 = arith.constant 0 : i32
    %sign3A_454 = arith.cmpi slt, %add3A_447, %sign3A_453 : i32
    %sign3A_455 = arith.extui %sign3A_454 : i1 to i32
    %sign3A_456 = arith.subi %sign3A_452, %sign3A_455 : i32
    %sign3A_457 = arith.constant 0 : i32
    %sign3A_458 = arith.cmpi sgt, %jit3A_448, %sign3A_457 : i32
    %sign3A_459 = arith.extui %sign3A_458 : i1 to i32
    %sign3A_460 = arith.constant 0 : i32
    %sign3A_461 = arith.cmpi slt, %jit3A_448, %sign3A_460 : i32
    %sign3A_462 = arith.extui %sign3A_461 : i1 to i32
    %sign3A_463 = arith.subi %sign3A_459, %sign3A_462 : i32
    %ne3A_464 = arith.cmpi ne, %sign3A_456, %sign3A_463 : i32
    %rem3A_465 = arith.remsi %add3A_447, %jit3A_448 : i32
    %ne3A_466 = arith.constant 0 : i32
    %ne3A_467 = arith.cmpi ne, %rem3A_465, %ne3A_466 : i32
    %and3A_468 = arith.andi %ne3A_464, %ne3A_467 : i1
    %sub3A_469 = arith.constant 1 : i32
    %sub3A_470 = arith.subi %div3A_449, %sub3A_469 : i32
    %select_n3A_471 = arith.select %and3A_468, %sub3A_470, %div3A_449 : i32
    %jit3A_472 = arith.constant 32 : i32
    %eq3A_473 = arith.constant 0 : i32
    %eq3A_474 = arith.cmpi eq, %jit3A_472, %eq3A_473 : i32
    %jit3A_475 = arith.constant 1 : i32
    %select_n3A_476 = arith.select %eq3A_474, %jit3A_475, %jit3A_472 : i32
    %rem3A_477 = arith.remsi %add3A_447, %select_n3A_476 : i32
    %ne3A_478 = arith.constant 0 : i32
    %ne3A_479 = arith.cmpi ne, %rem3A_477, %ne3A_478 : i32
    %lt3A_480 = arith.constant 0 : i32
    %lt3A_481 = arith.cmpi slt, %rem3A_477, %lt3A_480 : i32
    %lt3A_482 = arith.constant 0 : i32
    %lt3A_483 = arith.cmpi slt, %select_n3A_476, %lt3A_482 : i32
    %ne3A_484 = arith.xori %lt3A_481, %lt3A_483 : i1
    %and3A_485 = arith.andi %ne3A_484, %ne3A_479 : i1
    %add3A_486 = arith.addi %rem3A_477, %select_n3A_476 : i32
    %select_n3A_487 = arith.select %and3A_485, %add3A_486, %rem3A_477 : i32
    %dma_wait3A_488 = arith.constant 0 : i32
    %dma_wait3A_489 = arith.constant 0 : i32
    %dma_wait3A_490 = arith.constant 0 : i32
    %dma_wait3A_491 = tpu.memref_slice %arg14[%dma_wait3A_488, %dma_wait3A_489, %dma_wait3A_490] : memref<8x8x129xf32, #tpu.memory_space<vmem>> -> memref<8x8x128xf32, #tpu.memory_space<vmem>>
    %dma_wait3A_492 = arith.constant 0 : i32
    %dma_wait3A_493 = arith.constant 0 : i32
    %dma_wait3A_494 = arith.constant 0 : i32
    %dma_wait3A_495 = tpu.memref_slice %arg4[%select_n3A_471, %dma_wait3A_492, %select_n3A_487, %dma_wait3A_493, %dma_wait3A_494] : memref<200x8x32x8x128xf32, #tpu.memory_space<hbm>> -> memref<1x8x1x8x128xf32, #tpu.memory_space<hbm>>
    %dma_wait3A_496 = tpu.memref_squeeze %dma_wait3A_495 : memref<1x8x1x8x128xf32, #tpu.memory_space<hbm>> -> memref<8x8x128xf32, #tpu.memory_space<hbm>>
    %dma_wait3A_497 = arith.constant 0 : i32
    %dma_wait3A_498 = arith.constant 0 : i32
    %dma_wait3A_499 = arith.constant 0 : i32
    %dma_wait3A_500 = tpu.memref_slice %arg4[%select_n3A_471, %dma_wait3A_497, %select_n3A_487, %dma_wait3A_498, %dma_wait3A_499] : memref<200x8x32x8x128xf32, #tpu.memory_space<hbm>> -> memref<1x8x1x8x128xf32, #tpu.memory_space<hbm>>
    %dma_wait3A_501 = tpu.memref_squeeze %dma_wait3A_500 : memref<1x8x1x8x128xf32, #tpu.memory_space<hbm>> -> memref<8x8x128xf32, #tpu.memory_space<hbm>>
    %dma_wait3A_502 = arith.constant 0 : i32
    %dma_wait3A_503 = arith.constant 0 : i32
    %dma_wait3A_504 = arith.constant 0 : i32
    %dma_wait3A_505 = tpu.memref_slice %arg14[%dma_wait3A_502, %dma_wait3A_503, %dma_wait3A_504] : memref<8x8x129xf32, #tpu.memory_space<vmem>> -> memref<8x8x128xf32, #tpu.memory_space<vmem>>
    tpu.wait_dma2 semaphore(%arg24 : memref<!tpu.dma_semaphore, #tpu.memory_space<semaphore_mem>>) src(%dma_wait3A_505 : memref<8x8x128xf32, #tpu.memory_space<vmem>>) dst(%dma_wait3A_501 : memref<8x8x128xf32, #tpu.memory_space<hbm>>)
    %add3A_506 = arith.constant 199 : i32
    %add3A_507 = arith.addi %mul3A_2, %add3A_506 : i32
    %jit3A_508 = arith.constant 32 : i32
    %div3A_509 = arith.divsi %add3A_507, %jit3A_508 : i32
    %sign3A_510 = arith.constant 0 : i32
    %sign3A_511 = arith.cmpi sgt, %add3A_507, %sign3A_510 : i32
    %sign3A_512 = arith.extui %sign3A_511 : i1 to i32
    %sign3A_513 = arith.constant 0 : i32
    %sign3A_514 = arith.cmpi slt, %add3A_507, %sign3A_513 : i32
    %sign3A_515 = arith.extui %sign3A_514 : i1 to i32
    %sign3A_516 = arith.subi %sign3A_512, %sign3A_515 : i32
    %sign3A_517 = arith.constant 0 : i32
    %sign3A_518 = arith.cmpi sgt, %jit3A_508, %sign3A_517 : i32
    %sign3A_519 = arith.extui %sign3A_518 : i1 to i32
    %sign3A_520 = arith.constant 0 : i32
    %sign3A_521 = arith.cmpi slt, %jit3A_508, %sign3A_520 : i32
    %sign3A_522 = arith.extui %sign3A_521 : i1 to i32
    %sign3A_523 = arith.subi %sign3A_519, %sign3A_522 : i32
    %ne3A_524 = arith.cmpi ne, %sign3A_516, %sign3A_523 : i32
    %rem3A_525 = arith.remsi %add3A_507, %jit3A_508 : i32
    %ne3A_526 = arith.constant 0 : i32
    %ne3A_527 = arith.cmpi ne, %rem3A_525, %ne3A_526 : i32
    %and3A_528 = arith.andi %ne3A_524, %ne3A_527 : i1
    %sub3A_529 = arith.constant 1 : i32
    %sub3A_530 = arith.subi %div3A_509, %sub3A_529 : i32
    %select_n3A_531 = arith.select %and3A_528, %sub3A_530, %div3A_509 : i32
    %jit3A_532 = arith.constant 32 : i32
    %eq3A_533 = arith.constant 0 : i32
    %eq3A_534 = arith.cmpi eq, %jit3A_532, %eq3A_533 : i32
    %jit3A_535 = arith.constant 1 : i32
    %select_n3A_536 = arith.select %eq3A_534, %jit3A_535, %jit3A_532 : i32
    %rem3A_537 = arith.remsi %add3A_507, %select_n3A_536 : i32
    %ne3A_538 = arith.constant 0 : i32
    %ne3A_539 = arith.cmpi ne, %rem3A_537, %ne3A_538 : i32
    %lt3A_540 = arith.constant 0 : i32
    %lt3A_541 = arith.cmpi slt, %rem3A_537, %lt3A_540 : i32
    %lt3A_542 = arith.constant 0 : i32
    %lt3A_543 = arith.cmpi slt, %select_n3A_536, %lt3A_542 : i32
    %ne3A_544 = arith.xori %lt3A_541, %lt3A_543 : i1
    %and3A_545 = arith.andi %ne3A_544, %ne3A_539 : i1
    %add3A_546 = arith.addi %rem3A_537, %select_n3A_536 : i32
    %select_n3A_547 = arith.select %and3A_545, %add3A_546, %rem3A_537 : i32
    %dma_wait3A_548 = arith.constant 0 : i32
    %dma_wait3A_549 = arith.constant 0 : i32
    %dma_wait3A_550 = arith.constant 0 : i32
    %dma_wait3A_551 = tpu.memref_slice %arg15[%dma_wait3A_548, %dma_wait3A_549, %dma_wait3A_550] : memref<8x8x129xf32, #tpu.memory_space<vmem>> -> memref<8x8x128xf32, #tpu.memory_space<vmem>>
    %dma_wait3A_552 = arith.constant 0 : i32
    %dma_wait3A_553 = arith.constant 0 : i32
    %dma_wait3A_554 = arith.constant 0 : i32
    %dma_wait3A_555 = tpu.memref_slice %arg4[%select_n3A_531, %dma_wait3A_552, %select_n3A_547, %dma_wait3A_553, %dma_wait3A_554] : memref<200x8x32x8x128xf32, #tpu.memory_space<hbm>> -> memref<1x8x1x8x128xf32, #tpu.memory_space<hbm>>
    %dma_wait3A_556 = tpu.memref_squeeze %dma_wait3A_555 : memref<1x8x1x8x128xf32, #tpu.memory_space<hbm>> -> memref<8x8x128xf32, #tpu.memory_space<hbm>>
    %dma_wait3A_557 = arith.constant 0 : i32
    %dma_wait3A_558 = arith.constant 0 : i32
    %dma_wait3A_559 = arith.constant 0 : i32
    %dma_wait3A_560 = tpu.memref_slice %arg4[%select_n3A_531, %dma_wait3A_557, %select_n3A_547, %dma_wait3A_558, %dma_wait3A_559] : memref<200x8x32x8x128xf32, #tpu.memory_space<hbm>> -> memref<1x8x1x8x128xf32, #tpu.memory_space<hbm>>
    %dma_wait3A_561 = tpu.memref_squeeze %dma_wait3A_560 : memref<1x8x1x8x128xf32, #tpu.memory_space<hbm>> -> memref<8x8x128xf32, #tpu.memory_space<hbm>>
    %dma_wait3A_562 = arith.constant 0 : i32
    %dma_wait3A_563 = arith.constant 0 : i32
    %dma_wait3A_564 = arith.constant 0 : i32
    %dma_wait3A_565 = tpu.memref_slice %arg15[%dma_wait3A_562, %dma_wait3A_563, %dma_wait3A_564] : memref<8x8x129xf32, #tpu.memory_space<vmem>> -> memref<8x8x128xf32, #tpu.memory_space<vmem>>
    tpu.wait_dma2 semaphore(%arg25 : memref<!tpu.dma_semaphore, #tpu.memory_space<semaphore_mem>>) src(%dma_wait3A_565 : memref<8x8x128xf32, #tpu.memory_space<vmem>>) dst(%dma_wait3A_561 : memref<8x8x128xf32, #tpu.memory_space<hbm>>)
    return
  }
}

</mosaic_0001>

<sc_bundles>
// kernel: kernel.3.cloned.1.call-start
scs
__scs_entry_jumppad:
0x0: {  	(pc) =	sbr.rel $0x88, $3  }
0x1: {  	(tag) =	ssettag $0x0;
	lr =	simm.s32 $0x1  }
0x2: {  	[smem:$0x3F9F] =	sst lr;
	_ =	strace $0xD0000000  }
0x3: {  	_ = 	snop  }
0x4: {  	_ = 	snop  }
0x5: {  	_ = 	snop  }
0x6: {  	_ = 	snop  }
0x7: {  	_ = 	snop  }
__scs_overlays_trampoline_lowered:
0x8: {  	[smem:$0x3FAE] =	sst s0  }
0x9: {  	[smem:$0x3FAF] =	sst s1  }
0xa: {  	[smem:$0x3FB0] =	sst s2  }
0xb: {  	[smem:$0x3FB1] =	sst s3  }
0xc: {  	[smem:$0x3FB2] =	sst s4  }
0xd: {  	[smem:$0x3FB3] =	sst s5  }
0xe: {  	[smem:$0x3FB4] =	sst s6  }
0xf: {  	[smem:$0x3FB5] =	sst s7  }
0x10: {  	[smem:$0x3FB6] =	sst s8  }
0x11: {  	[smem:$0x3FB7] =	sst s9;
	s0 =	simm.s32 @!p0 $0x0  }
0x12: {  	s1 =	sld [smem:$0x3F9D];
	s0 =	simm.s32 @p0 $0x1  }
0x13: {  	[smem:$0x3FB8] =	sst s0;
	s0 =	simm.s32 @!p1 $0x0  }
0x14: {  	s2 =	sld [smem:$0x3F9C];
	s0 =	simm.s32 @p1 $0x1  }
0x15: {  	[smem:$0x3FB9] =	sst s0;
	s0 =	simm.s32 @!p2 $0x0  }
0x16: {  	s3 =	sld [smem:$0x3FDB];
	s0 =	simm.s32 @p2 $0x1  }
0x17: {  	s4 =	simm.s32 $0x1BF5;
	[smem:$0x3FBB] =	sst s0  }
0x18: {  	s0 =	sld [smem:$0x3F9E];
	_ =	swait.ge [sflag:s4], $0x0  }
0x19: {  	s7 =	sld [smem:$0x3F9F]  }
0x1a: {  	s8 =	sadd.s32 $0xFFFFE003, lr  }
0x1b: {  	s9 =	sadd.s32 $0xFFFFFEF7, lr;
	s5 =	simm.s32 $0xFFFFFFFF;
	p2 =	slt.u32 s8, $0xFFFFF086  }
0x1c: {  	p1 =	slt.u32 s9, $0xF7A;
	s5 =	simm.s32 @!p2 $0x0  }
0x1d: {  	s5 =	simm.s32 @p1 $0x1;
	p0 =	seq.s32 s7, s2  }
0x1e: {  	s7 =	smul.u32 @!p0 $0xF7A, s2;
	p2 =	seq.s32 @!p0 s5, $0x0  }
0x1f: {  	s9 =	smul.u32 $0xF7A, s1;
	s8 =	simm.s32 @!p0 $0x1BF5;
	p2 =	por !p2, p0  }
0x20: {  	[sflag:s8] =	ssyncset.s32 @!p0 $0xFFFFF086;
	s6 =	sadd.s32 @!p0 s3, s7;
	s7 =	simm.s32 @!p0 $0x108  }
0x21: {  	s3 =	sadd.s32 s3, s9;
	s6 =	sadd.s32 @!p0 $0x88, s6;
	s7 =	simm.s32 @p2 $0x1082  }
0x22: {  	[simem:s7], [sflag:s8] =	dma.local @!p0 [hbm:s6], $0xF7A  }
0x23: {  	s9 =	sor.u32 $0xD0000000, s2;
	s6 =	simm.s32 $0x108;
	_ =	swait.ge @!p0 [sflag:s8], $0x0  }
0x24: {  	s3 =	sadd.s32 $0x88, s3;
	s6 =	simm.s32 @!p1 $0x1082;
	[sflag:s4] =	ssyncset.s32 $0xFFFFF086  }
0x25: {  	[simem:s6], [sflag:s4] =	dma.local [hbm:s3], $0xF7A  }
0x26: {  	[smem:$0x3F9F] =	sst s1;
	(tag) =	ssettag s2;
	_ =	strace s9  }
0x27: {  	s1 =	sld [smem:$0x3FAF]  }
0x28: {  	s2 =	sld [smem:$0x3FB0]  }
0x29: {  	s4 =	sld [smem:$0x3FB2]  }
0x2a: {  	p0 =	seq.s32 s5, $0x0;
	s5 =	sld [smem:$0x3FB3]  }
0x2b: {  	s6 =	sld [smem:$0x3FB4]  }
0x2c: {  	s7 =	sld [smem:$0x3FB5]  }
0x2d: {  	s3 =	simm.s32 $0x108;
	s8 =	sld [smem:$0x3FB6]  }
0x2e: {  	s3 =	simm.s32 @!p0 $0x1082;
	s9 =	sld [smem:$0x3FB7]  }
0x2f: {  	lr =	sadd.s32 s0, s3;
	s0 =	sld [smem:$0x3FAE]  }
0x30: {  	s3 =	sld [smem:$0x3FB1]  }
0x31: {  	[smem:$0x3FBA] =	sst s10  }
0x32: {  	s10 =	sld [smem:$0x3FB8];
	_ =	sdelay $0x3  }
0x33: {  	p0 =	seq.s32 s10, $0x1;
	s10 =	sld [smem:$0x3FBA];
	_ =	sdelay $0x3  }
0x34: {  	[smem:$0x3FBA] =	sst s10  }
0x35: {  	s10 =	sld [smem:$0x3FB9];
	_ =	sdelay $0x3  }
0x36: {  	p1 =	seq.s32 s10, $0x1;
	s10 =	sld [smem:$0x3FBA];
	_ =	sdelay $0x3  }
0x37: {  	[smem:$0x3FBA] =	sst s10  }
0x38: {  	s10 =	sld [smem:$0x3FBB]  }
0x39: {  	_ = 	snop;
	(pc) =	sbr.ind lr, $3  }
0x3a: {  	_ = 	snop  }
0x3b: {  	_ = 	snop  }
0x3c: {  	p2 =	seq.s32 s10, $0x1;
	s10 =	sld [smem:$0x3FBA]  }
0x3d: {  	_ =	shalt  }
0x3e: {  	_ =	shalt  }
0x3f: {  	_ =	shalt  }
0x40: {  	_ =	shalt  }
0x41: {  	_ =	shalt  }
0x42: {  	_ =	shalt  }
0x43: {  	_ =	shalt  }
0x44: {  	_ =	shalt  }
0x45: {  	_ =	shalt  }
0x46: {  	_ =	shalt  }
0x47: {  	_ =	shalt  }
0x48: {  	_ =	shalt  }
0x49: {  	_ =	shalt  }
0x4a: {  	_ =	shalt  }
0x4b: {  	_ =	shalt  }
0x4c: {  	_ =	shalt  }
0x4d: {  	_ =	shalt  }
0x4e: {  	_ =	shalt  }
0x4f: {  	_ =	shalt  }
0x50: {  	_ =	shalt  }
0x51: {  	_ =	shalt  }
0x52: {  	_ =	shalt  }
0x53: {  	_ =	shalt  }
0x54: {  	_ =	shalt  }
0x55: {  	_ =	shalt  }
0x56: {  	_ =	shalt  }
0x57: {  	_ =	shalt  }
0x58: {  	_ =	shalt  }
0x59: {  	_ =	shalt  }
0x5a: {  	_ =	shalt  }
0x5b: {  	_ =	shalt  }
0x5c: {  	_ =	shalt  }
0x5d: {  	_ =	shalt  }
0x5e: {  	_ =	shalt  }
0x5f: {  	_ =	shalt  }
0x60: {  	_ =	shalt  }
0x61: {  	_ =	shalt  }
0x62: {  	_ =	shalt  }
0x63: {  	_ =	shalt  }
0x64: {  	_ =	shalt  }
0x65: {  	_ =	shalt  }
0x66: {  	_ =	shalt  }
0x67: {  	_ =	shalt  }
0x68: {  	_ =	shalt  }
0x69: {  	_ =	shalt  }
0x6a: {  	_ =	shalt  }
0x6b: {  	_ =	shalt  }
0x6c: {  	_ =	shalt  }
0x6d: {  	_ =	shalt  }
0x6e: {  	_ =	shalt  }
0x6f: {  	_ =	shalt  }
0x70: {  	_ =	shalt  }
0x71: {  	_ =	shalt  }
0x72: {  	_ =	shalt  }
0x73: {  	_ =	shalt  }
0x74: {  	_ =	shalt  }
0x75: {  	_ =	shalt  }
0x76: {  	_ =	shalt  }
0x77: {  	_ =	shalt  }
0x78: {  	_ =	shalt  }
0x79: {  	_ =	shalt  }
0x7a: {  	_ =	shalt  }
0x7b: {  	_ =	shalt  }
0x7c: {  	_ =	shalt  }
0x7d: {  	_ =	shalt  }
0x7e: {  	_ =	shalt  }
0x7f: {  	_ =	shalt  }
0x80: {  	_ =	shalt  }
0x81: {  	_ =	shalt  }
0x82: {  	_ =	shalt  }
0x83: {  	_ =	shalt  }
0x84: {  	_ =	shalt  }
0x85: {  	_ =	shalt  }
0x86: {  	_ =	shalt  }
0x87: {  	_ =	shalt  }
.Lfunc_end0:
.L_simem_size_0:
called_computation_lowered:
.L_overlay_start_0:
0x88: {  	s2 =	sld [smem:$0x3FD9]  }
0x89: {  	s3 =	sld [smem:$0x3FFE];
	_ =	sdelay $0x1  }
0x8a: {  	s1 =	srdreg.scid  }
0x8b: {  	s0 =	sand.u32 $0x1, s1  }
0x8c: {  	s17 =	sshll.u32 s0, $0xA;
	s2 =	sadd.s32 s3, s2  }
0x8d: {  	s2 =	sadd.s32 s2, s17  }
0x8e: {  	[smem:$0x3FC6] =	sst s2  }
0x8f: {  	_ = 	snop  }
0x90: {  	s2 =	sld [smem:$0x3FC9]  }
0x91: {  	s18 =	sld [smem:$0x3FD0];
	(tm) =	ssettm $0x1  }
0x92: {  	s4 =	sld [smem:$0x3FFB];
	_ =	sdelay $0x3  }
0x93: {  	_ =	strace s4  }
0x94: {  	s4 =	sld [smem:$0x3FFC];
	_ =	sdelay $0x3  }
0x95: {  	_ =	strace s4  }
0x96: {  	s4 =	sld [smem:$0x3FFD];
	_ =	sdelay $0x3  }
0x97: {  	_ =	strace s4  }
0x98: {  	_ =	strace $0x8FFFFFFF  }
0x99: {  	s19 =	sld [smem:$0x3FDB];
	_ =	sdelay $0x1  }
0x9a: {  	s5 =	simm.s32 $_scs_section_size  }
0x9b: {  	s6 =	simm.s32 $_size__tile_overlayer_lowered;
	s7 =	simm.s32 $_tile_overlayer_lowered  }
0x9c: {  	s22 =	simm.s32 $0x1BFF;
	s21 =	sshll.u32 s7, $0x1;
	s4 =	sadd.s32 s5, s19  }
0x9d: {  	s8 =	simm.s32 $0x0;
	s20 =	sshll.u32 s6, $0x1;
	s6 =	sadd.s32 s21, s4  }
0x9e: {  	[timem:s8], [sflag:s22] =	dma.local [hbm:s6], s20  }
0x9f: {  	_ =	swait.ge [sflag:s22], s20  }
0xa0: {  	s5 =	ssub.s32 $0x0, s20;
	[sflag:s22] =	ssyncset.done $0x0  }
0xa1: {  	[sflag:s22] =	ssyncadd.s32 s5;
	_ =	sdelay $0x1  }
0xa2: {  	s23 =	simm.s32 $0x1B8B  }
0xa3: {  	_ =	swait.ge [sflag:s23], $0x1  }
0xa4: {  	[sflag:s23] =	ssyncset.done $0x0  }
0xa5: {  	s25 =	simm.s32 $0x1B8E;
	s24 =	sld [smem:$0x3FFE];
	[sflag:s23] =	ssyncadd.s32 $0xFFFFFFFF  }
0xa6: {  	s26 =	simm.s32 $execute0_lowered;
	[smem:$0x3FD2] =	sst s25  }
0xa7: {  	s6 =	sshll.u32 s26, $0x1;
	_ =	strace $0x80000046;
	[dreg:$0x1] =	wrdreg $0xFFFFFFFF  }
0xa8: {  	s28 =	simm.s32 $_size_execute0_lowered;
	s4 =	sadd.s32 s4, s6;
	[dreg:$0x0] =	wrdreg $0x0  }
0xa9: {  	s6 =	sshll.u32 s28, $0x1;
	[dreg:$0x2] =	wrdreg s4  }
0xaa: {  	[dreg:$0x3] =	wrdreg s6  }
0xab: {  	[dreg:$0x4] =	wrdreg $0xC0  }
0xac: {  	_ =	task [dreg:s8], $0x5FFFF  }
0xad: {  	[dreg:$0x1] =	wrdreg $0xFFFFFFFF  }
0xae: {  	[dreg:$0x0] =	wrdreg $0x60  }
0xaf: {  	[dreg:$0x2] =	wrdreg s24  }
0xb0: {  	[dreg:$0x3] =	wrdreg s2  }
0xb1: {  	[dreg:$0x4] =	wrdreg s18  }
0xb2: {  	[dreg:$0x5] =	wrdreg $0x9  }
0xb3: {  	_ =	task.clear_ibuf [dreg:s8], $0x6FFFF;
	_ =	strace $0x90000046  }
0xb4: {  	s29 =	simm.s32 $0x9;
	_ =	strace $0x80000048  }
0xb5: {  	_ =	swait.ge [sflag:s29], $0x1  }
0xb6: {  	[sflag:s29] =	ssyncadd.s32 $0xFFFFFFFF  }
0xb7: {  	_ =	strace $0x90000048  }
0xb8: {  	_ =	sfence  }
0xb9: {  	s30 =	sld [smem:$0x0];
	_ =	sdelay $0x2  }
0xba: {  	s31 =	sshll.u32 s1, $0xD;
	s1 =	sshrl.u32 s1, $0x2  }
0xbb: {  	s3 =	sand.u32 $0x4000, s31;
	s1 =	sadd.s32 s1, s30  }
0xbc: {  	s0 =	sor.u32 s3, s0;
	s1 =	sshll.u32 s1, $0x11  }
0xbd: {  	s0 =	sor.u32 s1, s0  }
0xbe: {  	s0 =	sadd.s32 $0x8F2B, s0  }
0xbf: {  	[sflag:s0] =	ssyncadd.remote.s32 $0x1  }
0xc0: {  	_ =	sfence.sel $0xFFFF  }
0xc1: {  	[dreg:$0x0] =	wrdreg $0xFFFFFFFF;
	(pc) =	sbr.abs _section_cstart, $3  }
0xc2: {  	[dreg:$0x1] =	wrdreg $0xFFFFFFFF  }
0xc3: {  	_ =	task.clear_ibuf [dreg:s8], $0x2FFFF;
	_ =	strace $0x9FFFFFFF  }
0xc4: {  	(tm) =	ssettm $0x7FFFFFFF  }
0xc5: {  	_ =	shalt  }
tec
execute0_lowered:
.L_overlay_start_1:
0x0: {  	(tag) =	ssettag $0x1  }
0x1: {  	s0 =	rddreg [dreg:$0x0]  }
0x2: {  	s1 =	srdreg.scid;
	s2 =	stileid.u32  }
0x3: {  	s6 =	rddreg [dreg:$0x1];
	s13 =	simm.s32 $0x80;
	s22 =	simm.s32 $0x1  }
0x4: {  	s23 =	simm.s32 $0x10400;
	s24 =	simm.s32 $0x2;
	s28 =	simm.s32 $0x3  }
0x5: {  	s29 =	simm.s32 $0x8;
	s30 =	simm.s32 $0x14800;
	s31 =	simm.s32 $0x4  }
0x6: {  	s16 =	simm.s32 $0x5;
	s18 =	simm.s32 $0xA;
	s20 =	simm.s32 $0x18C00  }
0x7: {  	s11 =	simm.s32 $0x0;
	s1 =	sand.u32 $0x1, s1;
	s3 =	sshll.u32 s2, $0x1  }
0x8: {  	s2 =	rddreg [dreg:$0x2];
	s5 =	sor.u32 s1, s3;
	s3 =	simm.s32 $0x0  }
0x9: {  	s1 =	ssub.s32 $0x2, s1;
	s4 =	smul.u32 $0xC8, s5;
	[smem:$0x7FF] =	sst s3  }
0xa: {  	s7 =	smul.u32 $0xC80, s5;
	s5 =	sadd.s32 $0xF42800, s0;
	s25 =	sshrl.u32 s1, $0x1  }
.Ltmp0:
0xb: {  	_ =	strace $0x80000047;
	s0 =	ssub.s32 s1, s25;
	(pc) =	sbr.rel .LBB2_1-.Ltmp0, $4  }
0xc: {  	v0 =	vlaneseq.u32;
	s25 =	simm.s32 $0x7;
	s1 =	simm.s32 $0x9;
	s26 =	sadd.s32 s6, s7  }
0xd: {  	v0 =	vmul.u32 $0x88, v0;
	s7 =	sor.u32 $0x1, s4;
	s8 =	sor.u32 $0x2, s4;
	s9 =	sor.u32 $0x3, s4  }
0xe: {  	s10 =	sor.u32 $0x4, s4;
	s0 =	smax.u32 s0, $0x1;
	[dreg:$0x4] =	wrdreg s26  }
0xf: {  	v1 =	vadd.s32 $0x880, v0;
	v2 =	vadd.s32 $0x1100, v0;
	v3 =	vadd.s32 $0x1980, v0;
	[dreg:$0x5] =	wrdreg s0;
	s26 =	simm.s32 $0x12600;
	s0 =	simm.s32 $0x16A00  }
.LBB2_40:
0x10: {  	s6 =	simm.s32 $0x6  }
0x11: {  	_ =	swait.ge [sflag:s6], $0x2000  }
0x12: {  	[sflag:s6] =	ssyncset.done $0x0  }
0x13: {  	[sflag:s6] =	ssyncadd.s32 $0xFFFFE000  }
0x14: {  	_ =	swait.ge [sflag:s25], $0x2000  }
0x15: {  	[sflag:s25] =	ssyncset.done $0x0  }
0x16: {  	[sflag:s25] =	ssyncadd.s32 $0xFFFFE000  }
0x17: {  	_ =	swait.ge [sflag:s29], $0x2000  }
0x18: {  	[sflag:s29] =	ssyncset.done $0x0  }
0x19: {  	[sflag:s29] =	ssyncadd.s32 $0xFFFFE000  }
0x1a: {  	_ =	swait.ge [sflag:s1], $0x2000  }
0x1b: {  	[sflag:s1] =	ssyncset.done $0x0  }
0x1c: {  	[sflag:s1] =	ssyncadd.s32 $0xFFFFE000  }
0x1d: {  	_ =	swait.ge [sflag:s18], $0x2000  }
0x1e: {  	s11 =	rddreg [dreg:$0x6]  }
0x1f: {  	s21 =	rddreg [dreg:$0x5];
	s11 =	sadd.s32 $0x1, s11  }
0x20: {  	p0 =	sne.s32 s11, s21  }
.Ltmp1:
0x21: {  	_ = 	snop;
	(pc) =	sbr.rel @!p0 .LBB2_41-.Ltmp1, $3  }
0x22: {  	_ =	sdelay $0x1  }
0x23: {  	[sflag:s18] =	ssyncset.done $0x0  }
0x24: {  	[sflag:s18] =	ssyncadd.s32 $0xFFFFE000  }
.LBB2_1:
0x25: {  	[dreg:$0x6] =	wrdreg s11  }
0x26: {  	s6 =	rddreg [dreg:$0x4];
	s19 =	simm.s32 $0xB  }
0x27: {  	[tilespmem:s3], [sflag:$0xB] =	stream.linear.gather [hbm4b:s6+s3], $0x6400, $0x38;
	[tilespmem:$0x1AE00] =	vst v63  }
0x28: {  	_ =	swait.ge [sflag:s19], $0x6400  }
0x29: {  	[sflag:s19] =	ssyncset.done $0x0  }
0x2a: {  	s21 =	simm.s32 $0x6400;
	[sflag:s19] =	ssyncadd.s32 $0xFFFF9C00  }
0x2b: {  	[tilespmem:s21], [sflag:$0x1] =	stream.indirect.gather [hbm4b:s5+s13], $0x40, s3, s13, $0xb8;
	[tilespmem:$0x1AE00] =	vst v63  }
0x2c: {  	s11 =	simm.s32 $0x8400  }
0x2d: {  	[tilespmem:s11], [sflag:$0x2] =	stream.indirect.gather [hbm4b:s5+s13], $0x40, s13, s13, $0xb8;
	[tilespmem:$0x1AE00] =	vst v63  }
0x2e: {  	s12 =	simm.s32 $0x100;
	s14 =	simm.s32 $0xA400  }
0x2f: {  	[tilespmem:s14], [sflag:$0x3] =	stream.indirect.gather [hbm4b:s5+s13], $0x40, s12, s13, $0xb8;
	[tilespmem:$0x1AE00] =	vst v63  }
0x30: {  	s15 =	simm.s32 $0x180;
	s17 =	simm.s32 $0xC400  }
0x31: {  	[tilespmem:s17], [sflag:$0x4] =	stream.indirect.gather [hbm4b:s5+s13], $0x40, s15, s13, $0xb8;
	[tilespmem:$0x1AE00] =	vst v63  }
0x32: {  	s19 =	simm.s32 $0x200;
	s21 =	simm.s32 $0xE400;
	s12 =	simm.s32 $0x0  }
0x33: {  	[tilespmem:s21], [sflag:$0x5] =	stream.indirect.gather [hbm4b:s5+s13], $0x40, s19, s13, $0xb8;
	[tilespmem:$0x1AE00] =	vst v63  }
.LBB2_2:
0x34: {  	_ =	swait.ge [sflag:s22], $0x2000  }
0x35: {  	p0 =	seq.s32 s12, $0x0;
	[sflag:s22] =	ssyncset.done $0x0  }
0x36: {  	s6 =	simm.s32 @!p0 $0x6;
	[sflag:s22] =	ssyncadd.s32 $0xFFFFE000  }
0x37: {  	s11 =	simm.s32 $0x3;
	_ =	swait.ge @!p0 [sflag:s6], $0x2000  }
0x38: {  	s19 =	simm.s32 $0x0;
	v4 =	vmov s11;
	[sflag:s6] =	ssyncset.done @!p0 $0x0  }
0x39: {  	s14 =	simm.s32 $0x6480;
	s21 =	simm.s32 $0x1;
	v5 =	vand.u32 $0x7F, v4;
	v4 =	vmov s19;
	[sflag:s6] =	ssyncadd.s32 @!p0 $0xFFFFE000  }
0x3a: {  	v8 =	vadd.s32 v0, v5;
	v6 =	vand.u32 $0x7C, v4;
	v4 =	vmov s21;
	v7 =	vld [tilespmem:s14+$0x40]  }
0x3b: {  	v10 =	vadd.s32 v0, v6;
	v11 =	vand.u32 $0x7D, v4;
	v9 =	vld [tilespmem:s14+$0xFFFFFF80]  }
0x3c: {  	s11 =	simm.s32 $0x2;
	v12 =	vadd.s32 v0, v11;
	v4 =	vld [tilespmem:s14+$0xFFFFFFC0]  }
0x3d: {  	v13 =	vmov s11  }
0x3e: {  	v13 =	vand.u32 $0x7E, v13  }
0x3f: {  	v15 =	vadd.s32 v0, v13;
	v14 =	vld [tilespmem:s14+$0x0];
	[tilespmem:v8+s23+$0x0] =	vst.idx.msk $0xffff, v7  }
0x40: {  	v8 =	vadd.s32 v1, v5;
	[tilespmem:v10+s23+$0x0] =	vst.idx.msk $0xffff, v9;
	v7 =	vld [tilespmem:s14+$0x50]  }
0x41: {  	v10 =	vadd.s32 v1, v6;
	[tilespmem:v12+s23+$0x0] =	vst.idx.msk $0xffff, v4;
	v9 =	vld [tilespmem:s14+$0xFFFFFF90]  }
0x42: {  	v12 =	vadd.s32 v1, v11;
	v4 =	vld [tilespmem:s14+$0xFFFFFFD0];
	_ =	sdelay $0x1  }
0x43: {  	[tilespmem:v15+s23+$0x0] =	vst.idx.msk $0xffff, v14  }
0x44: {  	v16 =	vadd.s32 v1, v13;
	v15 =	vld [tilespmem:s14+$0x10];
	[tilespmem:v8+s23+$0x0] =	vst.idx.msk $0xffff, v7  }
0x45: {  	s15 =	simm.s32 $0x7;
	v14 =	vadd.s32 v2, v5;
	[tilespmem:v10+s23+$0x0] =	vst.idx.msk $0xffff, v9;
	v7 =	vld [tilespmem:s14+$0x60]  }
0x46: {  	v10 =	vadd.s32 v2, v6;
	v8 =	vmov s15;
	[tilespmem:v12+s23+$0x0] =	vst.idx.msk $0xffff, v4;
	v9 =	vld [tilespmem:s14+$0xFFFFFFA0]  }
0x47: {  	s11 =	simm.s32 $0x6580;
	v17 =	vadd.s32 v2, v11;
	v8 =	vand.u32 $0x7F, v8;
	v12 =	vld [tilespmem:s14+$0xFFFFFFE0]  }
0x48: {  	s17 =	simm.s32 $0x4;
	v18 =	vld [tilespmem:s11+$0x40];
	v19 =	vadd.s32 v0, v8  }
0x49: {  	s19 =	simm.s32 $0x5;
	v4 =	vmov s17;
	[tilespmem:v16+s23+$0x0] =	vst.idx.msk $0xffff, v15  }
0x4a: {  	v22 =	vmov s19;
	v4 =	vand.u32 $0x7C, v4;
	[tilespmem:v14+s23+$0x0] =	vst.idx.msk $0xffff, v7  }
0x4b: {  	s21 =	simm.s32 $0x6;
	v20 =	vld [tilespmem:s11+$0xFFFFFF80];
	v21 =	vadd.s32 v0, v4;
	v7 =	vand.u32 $0x7D, v22;
	[tilespmem:v10+s23+$0x0] =	vst.idx.msk $0xffff, v9  }
0x4c: {  	v14 =	vmov s21;
	v9 =	vld [tilespmem:s11+$0xFFFFFFC0];
	[tilespmem:v17+s23+$0x0] =	vst.idx.msk $0xffff, v12;
	v10 =	vadd.s32 v0, v7  }
0x4d: {  	v16 =	vadd.s32 v3, v5;
	v12 =	vld [tilespmem:s14+$0x20];
	v5 =	vand.u32 $0x7E, v14;
	[tilespmem:v19+s23+$0x0] =	vst.idx.msk $0xffff, v18;
	v18 =	vadd.s32 v2, v13  }
0x4e: {  	v14 =	vld [tilespmem:s11+$0x0];
	v63 =	vadd.s32 v0, v5  }
0x4f: {  	v15 =	vld [tilespmem:s14+$0x70]  }
0x50: {  	[tilespmem:v21+s23+$0x0] =	vst.idx.msk $0xffff, v20;
	v20 =	vadd.s32 v1, v8;
	v19 =	vld [tilespmem:s11+$0x50]  }
0x51: {  	v23 =	vadd.s32 v1, v4;
	v21 =	vld [tilespmem:s11+$0xFFFFFF90];
	[tilespmem:v10+s23+$0x0] =	vst.idx.msk $0xffff, v9  }
0x52: {  	v25 =	vadd.s32 v3, v11;
	v24 =	vld [tilespmem:s14+$0xFFFFFFF0];
	[tilespmem:v18+s23+$0x0] =	vst.idx.msk $0xffff, v12  }
0x53: {  	v18 =	vadd.s32 v1, v7;
	v17 =	vld [tilespmem:s11+$0xFFFFFFD0];
	[tilespmem:v63+s23+$0x0] =	vst.idx.msk $0xffff, v14  }
0x54: {  	[tilespmem:v16+s23+$0x0] =	vst.idx.msk $0xffff, v15;
	v16 =	vadd.s32 v1, v5;
	v14 =	vld [tilespmem:s11+$0x10]  }
0x55: {  	v15 =	vadd.s32 v3, v13;
	[tilespmem:v20+s23+$0x0] =	vst.idx.msk $0xffff, v19;
	v10 =	vld [tilespmem:s14+$0x30]  }
0x56: {  	s19 =	simm.s32 $0xB;
	v12 =	vadd.s32 v2, v8;
	[tilespmem:v23+s23+$0x0] =	vst.idx.msk $0xffff, v21;
	v9 =	vld [tilespmem:s11+$0x60]  }
0x57: {  	s6 =	smul.u32 $0x5, s12;
	s15 =	simm.s32 $0x8;
	s17 =	simm.s32 $0xC;
	v13 =	vadd.s32 v2, v4;
	[tilespmem:v25+s23+$0x0] =	vst.idx.msk $0xffff, v24;
	v11 =	vld [tilespmem:s11+$0xFFFFFFA0]  }
.LBB2_3:
0x58: {  	p1 =	slt.u32 s17, $0x7C;
	v19 =	vmov s19;
	[tilespmem:v18+s23+$0x0] =	vst.idx.msk $0xffff, v17;
	v17 =	vld [tilespmem:s14+$0xFFFFFFB0];
	v18 =	vadd.s32 v3, v6;
	v6 =	vmov v4;
	s14 =	smov.u32 s11  }
0x59: {  	v4 =	vmov s15;
	v21 =	vadd.s32 v2, v7;
	s11 =	sadd.s32 $0x100, s11;
	v19 =	vand.u32 $0x7F, v19;
	v20 =	vld [tilespmem:s14+$0xFFFFFFE0];
	[tilespmem:v16+s23+$0x0] =	vst.idx.msk $0xffff, v14  }
0x5a: {  	s19 =	sadd.s32 $0x1, s15;
	v4 =	vand.u32 $0x7C, v4;
	v14 =	vld [tilespmem:s11+$0x40];
	v16 =	vadd.s32 v0, v19;
	[tilespmem:v15+s23+$0x0] =	vst.idx.msk $0xffff, v10  }
0x5b: {  	v22 =	vmov s19;
	s19 =	sadd.s32 $0x2, s15;
	s15 =	smov.u32 s17;
	v15 =	vadd.s32 v0, v4;
	v10 =	vld [tilespmem:s11+$0xFFFFFF80];
	[tilespmem:v12+s23+$0x0] =	vst.idx.msk $0xffff, v9  }
0x5c: {  	v9 =	vand.u32 $0x7D, v22;
	v12 =	vmov s19;
	[tilespmem:v13+s23+$0x0] =	vst.idx.msk $0xffff, v11;
	v11 =	vld [tilespmem:s14+$0x70];
	v13 =	vadd.s32 v3, v8;
	v8 =	vmovc v19  }
0x5d: {  	v22 =	vadd.s32 v0, v9;
	v12 =	vand.u32 $0x7E, v12;
	v19 =	vld [tilespmem:s11+$0xFFFFFFC0];
	[tilespmem:v18+s23+$0x0] =	vst.idx.msk $0xffff, v17  }
0x5e: {  	v24 =	vadd.s32 v0, v12;
	v23 =	vld [tilespmem:s11+$0x0];
	[tilespmem:v21+s23+$0x0] =	vst.idx.msk $0xffff, v20  }
0x5f: {  	v21 =	vadd.s32 v2, v5;
	[tilespmem:v16+s23+$0x0] =	vst.idx.msk $0xffff, v14;
	v20 =	vld [tilespmem:s14+$0x20]  }
0x60: {  	[tilespmem:v15+s23+$0x0] =	vst.idx.msk $0xffff, v10;
	v10 =	vld [tilespmem:s11+$0x50];
	v15 =	vadd.s32 v1, v8  }
0x61: {  	v26 =	vadd.s32 v1, v4;
	v25 =	vld [tilespmem:s11+$0xFFFFFF90];
	[tilespmem:v13+s23+$0x0] =	vst.idx.msk $0xffff, v11  }
0x62: {  	[tilespmem:v22+s23+$0x0] =	vst.idx.msk $0xffff, v19;
	v19 =	vld [tilespmem:s14+$0xFFFFFFF0];
	v22 =	vadd.s32 v3, v7;
	v7 =	vmov v9  }
.Ltmp2:
0x63: {  	v17 =	vld [tilespmem:s11+$0xFFFFFFD0];
	v18 =	vadd.s32 v1, v7;
	[tilespmem:v24+s23+$0x0] =	vst.idx.msk $0xffff, v23;
	(pc) =	sbr.rel @p1 .LBB2_3-.Ltmp2, $4  }
0x64: {  	v16 =	vadd.s32 v1, v12;
	v14 =	vld [tilespmem:s11+$0x10];
	[tilespmem:v21+s23+$0x0] =	vst.idx.msk $0xffff, v20  }
0x65: {  	[tilespmem:v15+s23+$0x0] =	vst.idx.msk $0xffff, v10;
	v10 =	vld [tilespmem:s14+$0x30];
	v15 =	vadd.s32 v3, v5;
	v5 =	vmov v12  }
0x66: {  	v12 =	vadd.s32 v2, v8;
	[tilespmem:v26+s23+$0x0] =	vst.idx.msk $0xffff, v25;
	v9 =	vld [tilespmem:s11+$0x60]  }
0x67: {  	s17 =	sadd.s32 $0x4, s17;
	s19 =	sadd.s32 $0x3, s15;
	v13 =	vadd.s32 v2, v4;
	v11 =	vld [tilespmem:s11+$0xFFFFFFA0];
	[tilespmem:v22+s23+$0x0] =	vst.idx.msk $0xffff, v19  }
0x68: {  	_ =	sdelay $0x2  }
0x69: {  	v19 =	vmov s19  }
0x6a: {  	s17 =	sadd.s32 $0x1, s15;
	[tilespmem:v18+s23+$0x0] =	vst.idx.msk $0xffff, v17;
	v30 =	vld [tilespmem:s14+$0xFFFFFFB0];
	v6 =	vadd.s32 v3, v6;
	s19 =	sadd.s32 $0x100, s11;
	v21 =	vmov s15;
	v31 =	vand.u32 $0x7F, v19  }
0x6b: {  	s21 =	sadd.s32 $0x2, s15;
	v32 =	vmov s17;
	[tilespmem:v16+s23+$0x0] =	vst.idx.msk $0xffff, v14;
	v33 =	vld [tilespmem:s19+$0x40];
	v21 =	vand.u32 $0x7C, v21;
	v34 =	vadd.s32 v0, v31  }
0x6c: {  	v20 =	vmov s21;
	v22 =	vld [tilespmem:s19+$0xFFFFFF80];
	v19 =	vand.u32 $0x7D, v32;
	[tilespmem:v15+s23+$0x0] =	vst.idx.msk $0xffff, v10;
	v39 =	vadd.s32 v0, v21  }
0x6d: {  	v35 =	vld [tilespmem:s19+$0xFFFFFFC0];
	v20 =	vand.u32 $0x7E, v20;
	v36 =	vadd.s32 v0, v19;
	[tilespmem:v12+s23+$0x0] =	vst.idx.msk $0xffff, v9  }
0x6e: {  	v37 =	vld [tilespmem:s19+$0x0];
	v38 =	vadd.s32 v0, v20;
	[tilespmem:v13+s23+$0x0] =	vst.idx.msk $0xffff, v11  }
0x6f: {  	v41 =	vadd.s32 v2, v7;
	v40 =	vld [tilespmem:s11+$0xFFFFFFE0];
	[tilespmem:v6+s23+$0x0] =	vst.idx.msk $0xffff, v30  }
0x70: {  	v49 =	vadd.s32 v2, v5;
	v48 =	vld [tilespmem:s11+$0x20];
	[tilespmem:v34+s23+$0x0] =	vst.idx.msk $0xffff, v33  }
0x71: {  	v43 =	vadd.s32 v1, v31;
	[tilespmem:v39+s23+$0x0] =	vst.idx.msk $0xffff, v22;
	v14 =	vld [tilespmem:s19+$0x50]  }
0x72: {  	v47 =	vadd.s32 v1, v21;
	[tilespmem:v36+s23+$0x0] =	vst.idx.msk $0xffff, v35;
	v46 =	vld [tilespmem:s19+$0xFFFFFF90]  }
0x73: {  	v44 =	vadd.s32 v1, v19;
	[tilespmem:v38+s23+$0x0] =	vst.idx.msk $0xffff, v37;
	v10 =	vld [tilespmem:s19+$0xFFFFFFD0]  }
0x74: {  	v45 =	vadd.s32 v1, v20;
	[tilespmem:v41+s23+$0x0] =	vst.idx.msk $0xffff, v40;
	v9 =	vld [tilespmem:s19+$0x10]  }
0x75: {  	v8 =	vadd.s32 v3, v8;
	v42 =	vld [tilespmem:s11+$0x70];
	[tilespmem:v49+s23+$0x0] =	vst.idx.msk $0xffff, v48  }
0x76: {  	v5 =	vadd.s32 v3, v5;
	v13 =	vld [tilespmem:s11+$0x30];
	[tilespmem:v43+s23+$0x0] =	vst.idx.msk $0xffff, v14  }
0x77: {  	v52 =	vadd.s32 v2, v31;
	[tilespmem:v47+s23+$0x0] =	vst.idx.msk $0xffff, v46;
	v14 =	vld [tilespmem:s19+$0x60]  }
0x78: {  	v57 =	vadd.s32 v2, v21;
	[tilespmem:v44+s23+$0x0] =	vst.idx.msk $0xffff, v10;
	v56 =	vld [tilespmem:s19+$0xFFFFFFA0]  }
0x79: {  	v53 =	vadd.s32 v2, v19;
	[tilespmem:v45+s23+$0x0] =	vst.idx.msk $0xffff, v9;
	v10 =	vld [tilespmem:s19+$0xFFFFFFE0]  }
0x7a: {  	v55 =	vadd.s32 v2, v20;
	[tilespmem:v8+s23+$0x0] =	vst.idx.msk $0xffff, v42;
	v54 =	vld [tilespmem:s19+$0x20]  }
0x7b: {  	v4 =	vadd.s32 v3, v4;
	v58 =	vld [tilespmem:s11+$0xFFFFFFB0];
	[tilespmem:v5+s23+$0x0] =	vst.idx.msk $0xffff, v13  }
0x7c: {  	v51 =	vadd.s32 v3, v7;
	v50 =	vld [tilespmem:s11+$0xFFFFFFF0];
	[tilespmem:v52+s23+$0x0] =	vst.idx.msk $0xffff, v14  }
0x7d: {  	v60 =	vadd.s32 v3, v31;
	[tilespmem:v57+s23+$0x0] =	vst.idx.msk $0xffff, v56;
	v59 =	vld [tilespmem:s19+$0x70]  }
0x7e: {  	v63 =	vadd.s32 v3, v21;
	[tilespmem:v53+s23+$0x0] =	vst.idx.msk $0xffff, v10;
	v5 =	vld [tilespmem:s19+$0xFFFFFFB0]  }
0x7f: {  	v61 =	vadd.s32 v3, v19;
	[tilespmem:v55+s23+$0x0] =	vst.idx.msk $0xffff, v54;
	v10 =	vld [tilespmem:s19+$0xFFFFFFF0]  }
0x80: {  	v62 =	vadd.s32 v3, v20;
	[tilespmem:v4+s23+$0x0] =	vst.idx.msk $0xffff, v58;
	v6 =	vld [tilespmem:s19+$0x30]  }
0x81: {  	s17 =	sadd.s32 s4, s6;
	[tilespmem:v51+s23+$0x0] =	vst.idx.msk $0xffff, v50  }
0x82: {  	s19 =	sshll.u32 s17, $0x7;
	[tilespmem:v60+s23+$0x0] =	vst.idx.msk $0xffff, v59  }
0x83: {  	s11 =	sshll.u32 s17, $0xA;
	s14 =	sand.u32 $0xF80, s19;
	[tilespmem:v63+s23+$0x0] =	vst.idx.msk $0xffff, v5  }
0x84: {  	s11 =	sand.u32 $0xFFF8000, s11;
	s14 =	sadd.s32 s2, s14;
	[tilespmem:v61+s23+$0x0] =	vst.idx.msk $0xffff, v10  }
0x85: {  	s21 =	simm.s32 $0x10400;
	s14 =	sadd.s32 s11, s14;
	[tilespmem:v62+s23+$0x0] =	vst.idx.msk $0xffff, v6  }
0x86: {  	[hbm4b:s14+s3] =	stream.linear.scatter [tilespmem:s21], [sflag:$0x6], $0x80, $0x38;
	[tilespmem:$0x1AE00] =	vst v63  }
0x87: {  	s15 =	simm.s32 $0x10488;
	s17 =	sadd.s32 $0x10, s14  }
0x88: {  	[hbm4b:s17+s3] =	stream.linear.scatter [tilespmem:s15], [sflag:$0x6], $0x80, $0x38;
	[tilespmem:$0x1AE00] =	vst v63  }
0x89: {  	s19 =	simm.s32 $0x10510;
	s21 =	sadd.s32 $0x20, s14  }
0x8a: {  	[hbm4b:s21+s3] =	stream.linear.scatter [tilespmem:s19], [sflag:$0x6], $0x80, $0x38;
	[tilespmem:$0x1AE00] =	vst v63  }
0x8b: {  	s15 =	simm.s32 $0x10598;
	s17 =	sadd.s32 $0x30, s14  }
0x8c: {  	[hbm4b:s17+s3] =	stream.linear.scatter [tilespmem:s15], [sflag:$0x6], $0x80, $0x38;
	[tilespmem:$0x1AE00] =	vst v63  }
0x8d: {  	s19 =	simm.s32 $0x10620;
	s21 =	sadd.s32 $0x40, s14  }
0x8e: {  	[hbm4b:s21+s3] =	stream.linear.scatter [tilespmem:s19], [sflag:$0x6], $0x80, $0x38;
	[tilespmem:$0x1AE00] =	vst v63  }
0x8f: {  	s11 =	simm.s32 $0x440;
	s15 =	simm.s32 $0x106A8;
	s17 =	sadd.s32 $0x50, s14  }
0x90: {  	[hbm4b:s17+s3] =	stream.linear.scatter [tilespmem:s15], [sflag:$0x6], $0x80, $0x38;
	[tilespmem:$0x1AE00] =	vst v63  }
0x91: {  	s19 =	simm.s32 $0x10730;
	s21 =	sadd.s32 $0x60, s14;
	s15 =	simm.s32 $0x2200  }
0x92: {  	[hbm4b:s21+s3] =	stream.linear.scatter [tilespmem:s19], [sflag:$0x6], $0x80, $0x38;
	[tilespmem:$0x1AE00] =	vst v63  }
0x93: {  	s17 =	simm.s32 $0x107B8;
	s19 =	sadd.s32 $0x70, s14;
	s14 =	sadd.s32 $0x1000, s14  }
.LBB2_5:
0x94: {  	[hbm4b:s19+s3] =	stream.linear.scatter [tilespmem:s17], [sflag:$0x6], $0x80, $0x38;
	[tilespmem:$0x1AE00] =	vst v63  }
0x95: {  	s17 =	smov.u32 s11;
	s11 =	smov.u32 s15  }
0x96: {  	s21 =	sadd.s32 $0x1100, s15;
	s11 =	sshra.s32 s11, $0x2;
	s19 =	sadd.s32 $0x10400, s17  }
0x97: {  	[hbm4b:s14+s3] =	stream.linear.scatter [tilespmem:s19], [sflag:$0x6], $0x80, $0x38;
	[tilespmem:$0x1AE00] =	vst v63  }
0x98: {  	p1 =	sne.s32 s15, $0x7700;
	s15 =	sadd.s32 $0x10488, s17;
	s19 =	sadd.s32 $0x10, s14  }
0x99: {  	[hbm4b:s19+s3] =	stream.linear.scatter [tilespmem:s15], [sflag:$0x6], $0x80, $0x38;
	[tilespmem:$0x1AE00] =	vst v63  }
0x9a: {  	s15 =	sadd.s32 $0x10510, s17;
	s19 =	sadd.s32 $0x20, s14  }
0x9b: {  	[hbm4b:s19+s3] =	stream.linear.scatter [tilespmem:s15], [sflag:$0x6], $0x80, $0x38;
	[tilespmem:$0x1AE00] =	vst v63  }
0x9c: {  	s15 =	sadd.s32 $0x10598, s17;
	s19 =	sadd.s32 $0x30, s14  }
0x9d: {  	[hbm4b:s19+s3] =	stream.linear.scatter [tilespmem:s15], [sflag:$0x6], $0x80, $0x38;
	[tilespmem:$0x1AE00] =	vst v63  }
0x9e: {  	s15 =	sadd.s32 $0x10620, s17;
	s19 =	sadd.s32 $0x40, s14  }
0x9f: {  	[hbm4b:s19+s3] =	stream.linear.scatter [tilespmem:s15], [sflag:$0x6], $0x80, $0x38;
	[tilespmem:$0x1AE00] =	vst v63  }
.Ltmp3:
0xa0: {  	s15 =	sadd.s32 $0x106A8, s17;
	s19 =	sadd.s32 $0x50, s14;
	(pc) =	sbr.rel @p1 .LBB2_5-.Ltmp3, $4  }
0xa1: {  	[hbm4b:s19+s3] =	stream.linear.scatter [tilespmem:s15], [sflag:$0x6], $0x80, $0x38;
	[tilespmem:$0x1AE00] =	vst v63  }
0xa2: {  	s15 =	sadd.s32 $0x10730, s17;
	s19 =	sadd.s32 $0x60, s14;
	s17 =	sadd.s32 $0x107B8, s17  }
0xa3: {  	[hbm4b:s19+s3] =	stream.linear.scatter [tilespmem:s15], [sflag:$0x6], $0x80, $0x38;
	[tilespmem:$0x1AE00] =	vst v63  }
0xa4: {  	s19 =	sadd.s32 $0x70, s14;
	s14 =	sadd.s32 $0x1000, s14;
	s15 =	smov.u32 s21  }
0xa5: {  	[hbm4b:s19+s3] =	stream.linear.scatter [tilespmem:s17], [sflag:$0x6], $0x80, $0x38;
	[tilespmem:$0x1AE00] =	vst v63  }
0xa6: {  	s15 =	sadd.s32 $0x10400, s11  }
0xa7: {  	[hbm4b:s14+s3] =	stream.linear.scatter [tilespmem:s15], [sflag:$0x6], $0x80, $0x38;
	[tilespmem:$0x1AE00] =	vst v63  }
0xa8: {  	s19 =	sadd.s32 $0x10488, s11;
	s21 =	sadd.s32 $0x10, s14  }
0xa9: {  	[hbm4b:s21+s3] =	stream.linear.scatter [tilespmem:s19], [sflag:$0x6], $0x80, $0x38;
	[tilespmem:$0x1AE00] =	vst v63  }
0xaa: {  	s19 =	sadd.s32 $0x10510, s11;
	s21 =	sadd.s32 $0x20, s14  }
0xab: {  	[hbm4b:s21+s3] =	stream.linear.scatter [tilespmem:s19], [sflag:$0x6], $0x80, $0x38;
	[tilespmem:$0x1AE00] =	vst v63  }
0xac: {  	s19 =	sadd.s32 $0x10598, s11;
	s21 =	sadd.s32 $0x30, s14  }
0xad: {  	[hbm4b:s21+s3] =	stream.linear.scatter [tilespmem:s19], [sflag:$0x6], $0x80, $0x38;
	[tilespmem:$0x1AE00] =	vst v63  }
0xae: {  	s19 =	sadd.s32 $0x10620, s11;
	s21 =	sadd.s32 $0x40, s14  }
0xaf: {  	[hbm4b:s21+s3] =	stream.linear.scatter [tilespmem:s19], [sflag:$0x6], $0x80, $0x38;
	[tilespmem:$0x1AE00] =	vst v63  }
0xb0: {  	p1 =	sne.s32 s12, $0x27;
	s19 =	sadd.s32 $0x106A8, s11;
	s21 =	sadd.s32 $0x50, s14  }
0xb1: {  	[hbm4b:s21+s3] =	stream.linear.scatter [tilespmem:s19], [sflag:$0x6], $0x80, $0x38;
	[tilespmem:$0x1AE00] =	vst v63  }
.Ltmp4:
0xb2: {  	_ = 	snop;
	(pc) =	sbr.rel @p1 .LBB2_8-.Ltmp4, $4  }
0xb3: {  	s19 =	sadd.s32 $0x10730, s11;
	s21 =	sadd.s32 $0x60, s14  }
0xb4: {  	[hbm4b:s21+s3] =	stream.linear.scatter [tilespmem:s19], [sflag:$0x6], $0x80, $0x38;
	[tilespmem:$0x1AE00] =	vst v63  }
0xb5: {  	s19 =	sadd.s32 $0x107B8, s11;
	s21 =	sadd.s32 $0x70, s14  }
0xb6: {  	[hbm4b:s21+s3] =	stream.linear.scatter [tilespmem:s19], [sflag:$0x6], $0x80, $0x38;
	[tilespmem:$0x1AE00] =	vst v63  }
.Ltmp5:
0xb7: {  	(pc) =	sbr.rel .LBB2_9-.Ltmp5, $4  }
0xb8: {  	_ = 	snop  }
0xb9: {  	_ =	swait.ge [sflag:s24], $0x2000  }
0xba: {  	[sflag:s24] =	ssyncset.done $0x0  }
0xbb: {  	[sflag:s24] =	ssyncadd.s32 $0xFFFFE000  }
.LBB2_8:
0xbc: {  	s11 =	smul.u32 $0xA00, s12;
	_ =	sdelay $0x1  }
0xbd: {  	s11 =	sshra.s32 s11, $0x2  }
.Ltmp6:
0xbe: {  	s14 =	simm.s32 $0x6400;
	s11 =	sadd.s32 $0x280, s11;
	(pc) =	sbr.rel @p0 .LBB2_10-.Ltmp6, $4  }
0xbf: {  	[tilespmem:s14], [sflag:$0x1] =	stream.indirect.gather [hbm4b:s5+s13], $0x40, s11, s13, $0xb8;
	[tilespmem:$0x1AE00] =	vst v63  }
0xc0: {  	_ =	swait.ge [sflag:s24], $0x2000  }
0xc1: {  	[sflag:s24] =	ssyncset.done $0x0  }
0xc2: {  	[sflag:s24] =	ssyncadd.s32 $0xFFFFE000  }
.LBB2_9:
0xc3: {  	_ =	swait.ge [sflag:s25], $0x2000  }
0xc4: {  	[sflag:s25] =	ssyncset.done $0x0  }
0xc5: {  	[sflag:s25] =	ssyncadd.s32 $0xFFFFE000  }
.LBB2_10:
0xc6: {  	s11 =	simm.s32 $0x3  }
0xc7: {  	s19 =	simm.s32 $0x0;
	v4 =	vmov s11  }
0xc8: {  	s14 =	simm.s32 $0x8480;
	v5 =	vand.u32 $0x7F, v4;
	v4 =	vmov s19  }
0xc9: {  	s21 =	simm.s32 $0x1;
	v7 =	vld [tilespmem:s14+$0x40];
	v8 =	vadd.s32 v0, v5;
	v6 =	vand.u32 $0x7C, v4  }
0xca: {  	v9 =	vld [tilespmem:s14+$0xFFFFFF80];
	v4 =	vmov s21;
	v10 =	vadd.s32 v0, v6  }
0xcb: {  	s15 =	simm.s32 $0x2;
	v11 =	vand.u32 $0x7D, v4  }
0xcc: {  	v13 =	vmov s15;
	v4 =	vld [tilespmem:s14+$0xFFFFFFC0];
	v12 =	vadd.s32 v0, v11  }
0xcd: {  	v13 =	vand.u32 $0x7E, v13  }
0xce: {  	v14 =	vld [tilespmem:s14+$0x0];
	v15 =	vadd.s32 v0, v13;
	[tilespmem:v8+s26+$0x0] =	vst.idx.msk $0xffff, v7  }
0xcf: {  	v8 =	vadd.s32 v1, v5;
	v7 =	vld [tilespmem:s14+$0x50];
	[tilespmem:v10+s26+$0x0] =	vst.idx.msk $0xffff, v9  }
0xd0: {  	v10 =	vadd.s32 v1, v6;
	v9 =	vld [tilespmem:s14+$0xFFFFFF90]  }
0xd1: {  	[tilespmem:v12+s26+$0x0] =	vst.idx.msk $0xffff, v4  }
0xd2: {  	v12 =	vadd.s32 v1, v11;
	v4 =	vld [tilespmem:s14+$0xFFFFFFD0]  }
0xd3: {  	[tilespmem:v15+s26+$0x0] =	vst.idx.msk $0xffff, v14  }
0xd4: {  	s17 =	simm.s32 $0x7;
	v16 =	vadd.s32 v1, v13;
	v15 =	vld [tilespmem:s14+$0x10];
	[tilespmem:v8+s26+$0x0] =	vst.idx.msk $0xffff, v7  }
0xd5: {  	v14 =	vadd.s32 v2, v5;
	v8 =	vmov s17;
	v7 =	vld [tilespmem:s14+$0x60];
	[tilespmem:v10+s26+$0x0] =	vst.idx.msk $0xffff, v9  }
0xd6: {  	s11 =	simm.s32 $0x8580;
	v10 =	vadd.s32 v2, v6;
	v8 =	vand.u32 $0x7F, v8;
	v9 =	vld [tilespmem:s14+$0xFFFFFFA0]  }
0xd7: {  	s15 =	simm.s32 $0x4;
	v18 =	vld [tilespmem:s11+$0x40];
	[tilespmem:v12+s26+$0x0] =	vst.idx.msk $0xffff, v4;
	v19 =	vadd.s32 v0, v8  }
0xd8: {  	s19 =	simm.s32 $0x5;
	v17 =	vadd.s32 v2, v11;
	v4 =	vmov s15;
	v12 =	vld [tilespmem:s14+$0xFFFFFFE0]  }
0xd9: {  	v22 =	vmov s19;
	s21 =	simm.s32 $0x6;
	[tilespmem:v16+s26+$0x0] =	vst.idx.msk $0xffff, v15;
	v4 =	vand.u32 $0x7C, v4  }
0xda: {  	v20 =	vld [tilespmem:s11+$0xFFFFFF80];
	v21 =	vadd.s32 v0, v4;
	[tilespmem:v14+s26+$0x0] =	vst.idx.msk $0xffff, v7;
	v7 =	vand.u32 $0x7D, v22;
	v14 =	vmov s21  }
0xdb: {  	v16 =	vadd.s32 v3, v5;
	[tilespmem:v10+s26+$0x0] =	vst.idx.msk $0xffff, v9;
	v9 =	vld [tilespmem:s11+$0xFFFFFFC0];
	v10 =	vadd.s32 v0, v7;
	v5 =	vand.u32 $0x7E, v14  }
0xdc: {  	v14 =	vld [tilespmem:s11+$0x0];
	[tilespmem:v19+s26+$0x0] =	vst.idx.msk $0xffff, v18;
	v63 =	vadd.s32 v0, v5  }
0xdd: {  	v18 =	vadd.s32 v2, v13;
	[tilespmem:v17+s26+$0x0] =	vst.idx.msk $0xffff, v12;
	v12 =	vld [tilespmem:s14+$0x20]  }
0xde: {  	v15 =	vld [tilespmem:s14+$0x70]  }
0xdf: {  	v19 =	vld [tilespmem:s11+$0x50];
	[tilespmem:v21+s26+$0x0] =	vst.idx.msk $0xffff, v20;
	v20 =	vadd.s32 v1, v8  }
0xe0: {  	v23 =	vadd.s32 v1, v4;
	v21 =	vld [tilespmem:s11+$0xFFFFFF90];
	[tilespmem:v10+s26+$0x0] =	vst.idx.msk $0xffff, v9  }
0xe1: {  	v25 =	vadd.s32 v3, v11;
	v24 =	vld [tilespmem:s14+$0xFFFFFFF0];
	[tilespmem:v63+s26+$0x0] =	vst.idx.msk $0xffff, v14  }
0xe2: {  	v17 =	vld [tilespmem:s11+$0xFFFFFFD0];
	[tilespmem:v18+s26+$0x0] =	vst.idx.msk $0xffff, v12;
	v18 =	vadd.s32 v1, v7  }
0xe3: {  	[tilespmem:v16+s26+$0x0] =	vst.idx.msk $0xffff, v15;
	v16 =	vadd.s32 v1, v5;
	v15 =	vld [tilespmem:s11+$0x10]  }
0xe4: {  	v14 =	vadd.s32 v3, v13;
	[tilespmem:v20+s26+$0x0] =	vst.idx.msk $0xffff, v19;
	v11 =	vld [tilespmem:s14+$0x30]  }
0xe5: {  	v12 =	vadd.s32 v2, v8;
	[tilespmem:v23+s26+$0x0] =	vst.idx.msk $0xffff, v21;
	v9 =	vld [tilespmem:s11+$0x60]  }
0xe6: {  	s19 =	simm.s32 $0xB;
	s17 =	simm.s32 $0xC;
	s15 =	simm.s32 $0x8;
	v13 =	vadd.s32 v2, v4;
	[tilespmem:v25+s26+$0x0] =	vst.idx.msk $0xffff, v24;
	v10 =	vld [tilespmem:s11+$0xFFFFFFA0]  }
.LBB2_11:
0xe7: {  	p2 =	slt.u32 s17, $0x7C;
	v19 =	vmov s19;
	[tilespmem:v18+s26+$0x0] =	vst.idx.msk $0xffff, v17;
	v17 =	vld [tilespmem:s14+$0xFFFFFFB0];
	v18 =	vadd.s32 v3, v6;
	v6 =	vmov v4;
	s14 =	smov.u32 s11  }
0xe8: {  	v4 =	vmov s15;
	v21 =	vadd.s32 v2, v7;
	s11 =	sadd.s32 $0x100, s11;
	v19 =	vand.u32 $0x7F, v19;
	v20 =	vld [tilespmem:s14+$0xFFFFFFE0];
	[tilespmem:v16+s26+$0x0] =	vst.idx.msk $0xffff, v15  }
0xe9: {  	s19 =	sadd.s32 $0x1, s15;
	v4 =	vand.u32 $0x7C, v4;
	v15 =	vld [tilespmem:s11+$0x40];
	v16 =	vadd.s32 v0, v19;
	[tilespmem:v14+s26+$0x0] =	vst.idx.msk $0xffff, v11  }
0xea: {  	v22 =	vmov s19;
	s19 =	sadd.s32 $0x2, s15;
	s15 =	smov.u32 s17;
	v14 =	vadd.s32 v0, v4;
	v11 =	vld [tilespmem:s11+$0xFFFFFF80];
	[tilespmem:v12+s26+$0x0] =	vst.idx.msk $0xffff, v9  }
0xeb: {  	v9 =	vand.u32 $0x7D, v22;
	v12 =	vmov s19;
	[tilespmem:v13+s26+$0x0] =	vst.idx.msk $0xffff, v10;
	v10 =	vld [tilespmem:s14+$0x70];
	v13 =	vadd.s32 v3, v8;
	v8 =	vmovc v19  }
0xec: {  	v22 =	vadd.s32 v0, v9;
	v12 =	vand.u32 $0x7E, v12;
	v19 =	vld [tilespmem:s11+$0xFFFFFFC0];
	[tilespmem:v18+s26+$0x0] =	vst.idx.msk $0xffff, v17  }
0xed: {  	v24 =	vadd.s32 v0, v12;
	v23 =	vld [tilespmem:s11+$0x0];
	[tilespmem:v21+s26+$0x0] =	vst.idx.msk $0xffff, v20  }
0xee: {  	v21 =	vadd.s32 v2, v5;
	[tilespmem:v16+s26+$0x0] =	vst.idx.msk $0xffff, v15;
	v20 =	vld [tilespmem:s14+$0x20]  }
0xef: {  	[tilespmem:v14+s26+$0x0] =	vst.idx.msk $0xffff, v11;
	v11 =	vld [tilespmem:s11+$0x50];
	v14 =	vadd.s32 v1, v8  }
0xf0: {  	v26 =	vadd.s32 v1, v4;
	v25 =	vld [tilespmem:s11+$0xFFFFFF90];
	[tilespmem:v13+s26+$0x0] =	vst.idx.msk $0xffff, v10  }
0xf1: {  	[tilespmem:v22+s26+$0x0] =	vst.idx.msk $0xffff, v19;
	v19 =	vld [tilespmem:s14+$0xFFFFFFF0];
	v22 =	vadd.s32 v3, v7;
	v7 =	vmov v9  }
.Ltmp7:
0xf2: {  	v17 =	vld [tilespmem:s11+$0xFFFFFFD0];
	v18 =	vadd.s32 v1, v7;
	[tilespmem:v24+s26+$0x0] =	vst.idx.msk $0xffff, v23;
	(pc) =	sbr.rel @p2 .LBB2_11-.Ltmp7, $4  }
0xf3: {  	v16 =	vadd.s32 v1, v12;
	v15 =	vld [tilespmem:s11+$0x10];
	[tilespmem:v21+s26+$0x0] =	vst.idx.msk $0xffff, v20  }
0xf4: {  	[tilespmem:v14+s26+$0x0] =	vst.idx.msk $0xffff, v11;
	v11 =	vld [tilespmem:s14+$0x30];
	v14 =	vadd.s32 v3, v5;
	v5 =	vmov v12  }
0xf5: {  	v12 =	vadd.s32 v2, v8;
	[tilespmem:v26+s26+$0x0] =	vst.idx.msk $0xffff, v25;
	v9 =	vld [tilespmem:s11+$0x60]  }
0xf6: {  	s17 =	sadd.s32 $0x4, s17;
	s19 =	sadd.s32 $0x3, s15;
	v13 =	vadd.s32 v2, v4;
	v10 =	vld [tilespmem:s11+$0xFFFFFFA0];
	[tilespmem:v22+s26+$0x0] =	vst.idx.msk $0xffff, v19  }
0xf7: {  	_ =	sdelay $0x2  }
0xf8: {  	v19 =	vmov s19  }
0xf9: {  	s17 =	sadd.s32 $0x1, s15;
	[tilespmem:v18+s26+$0x0] =	vst.idx.msk $0xffff, v17;
	v30 =	vld [tilespmem:s14+$0xFFFFFFB0];
	v6 =	vadd.s32 v3, v6;
	s19 =	sadd.s32 $0x100, s11;
	v21 =	vmov s15;
	v31 =	vand.u32 $0x7F, v19  }
0xfa: {  	s21 =	sadd.s32 $0x2, s15;
	v32 =	vmov s17;
	[tilespmem:v16+s26+$0x0] =	vst.idx.msk $0xffff, v15;
	v33 =	vld [tilespmem:s19+$0x40];
	v21 =	vand.u32 $0x7C, v21;
	v34 =	vadd.s32 v0, v31  }
0xfb: {  	v20 =	vmov s21;
	v22 =	vld [tilespmem:s19+$0xFFFFFF80];
	v19 =	vand.u32 $0x7D, v32;
	[tilespmem:v14+s26+$0x0] =	vst.idx.msk $0xffff, v11;
	v39 =	vadd.s32 v0, v21  }
0xfc: {  	v35 =	vld [tilespmem:s19+$0xFFFFFFC0];
	v20 =	vand.u32 $0x7E, v20;
	v36 =	vadd.s32 v0, v19;
	[tilespmem:v12+s26+$0x0] =	vst.idx.msk $0xffff, v9  }
0xfd: {  	v37 =	vld [tilespmem:s19+$0x0];
	v38 =	vadd.s32 v0, v20;
	[tilespmem:v13+s26+$0x0] =	vst.idx.msk $0xffff, v10  }
0xfe: {  	v41 =	vadd.s32 v2, v7;
	v40 =	vld [tilespmem:s11+$0xFFFFFFE0];
	[tilespmem:v6+s26+$0x0] =	vst.idx.msk $0xffff, v30  }
0xff: {  	v49 =	vadd.s32 v2, v5;
	v48 =	vld [tilespmem:s11+$0x20];
	[tilespmem:v34+s26+$0x0] =	vst.idx.msk $0xffff, v33  }
0x100: {  	v43 =	vadd.s32 v1, v31;
	[tilespmem:v39+s26+$0x0] =	vst.idx.msk $0xffff, v22;
	v15 =	vld [tilespmem:s19+$0x50]  }
0x101: {  	v47 =	vadd.s32 v1, v21;
	[tilespmem:v36+s26+$0x0] =	vst.idx.msk $0xffff, v35;
	v46 =	vld [tilespmem:s19+$0xFFFFFF90]  }
0x102: {  	v44 =	vadd.s32 v1, v19;
	[tilespmem:v38+s26+$0x0] =	vst.idx.msk $0xffff, v37;
	v11 =	vld [tilespmem:s19+$0xFFFFFFD0]  }
0x103: {  	v45 =	vadd.s32 v1, v20;
	[tilespmem:v41+s26+$0x0] =	vst.idx.msk $0xffff, v40;
	v9 =	vld [tilespmem:s19+$0x10]  }
0x104: {  	v8 =	vadd.s32 v3, v8;
	v42 =	vld [tilespmem:s11+$0x70];
	[tilespmem:v49+s26+$0x0] =	vst.idx.msk $0xffff, v48  }
0x105: {  	v5 =	vadd.s32 v3, v5;
	v13 =	vld [tilespmem:s11+$0x30];
	[tilespmem:v43+s26+$0x0] =	vst.idx.msk $0xffff, v15  }
0x106: {  	v52 =	vadd.s32 v2, v31;
	[tilespmem:v47+s26+$0x0] =	vst.idx.msk $0xffff, v46;
	v15 =	vld [tilespmem:s19+$0x60]  }
0x107: {  	v57 =	vadd.s32 v2, v21;
	[tilespmem:v44+s26+$0x0] =	vst.idx.msk $0xffff, v11;
	v56 =	vld [tilespmem:s19+$0xFFFFFFA0]  }
0x108: {  	v53 =	vadd.s32 v2, v19;
	[tilespmem:v45+s26+$0x0] =	vst.idx.msk $0xffff, v9;
	v11 =	vld [tilespmem:s19+$0xFFFFFFE0]  }
0x109: {  	v55 =	vadd.s32 v2, v20;
	[tilespmem:v8+s26+$0x0] =	vst.idx.msk $0xffff, v42;
	v54 =	vld [tilespmem:s19+$0x20]  }
0x10a: {  	v4 =	vadd.s32 v3, v4;
	v58 =	vld [tilespmem:s11+$0xFFFFFFB0];
	[tilespmem:v5+s26+$0x0] =	vst.idx.msk $0xffff, v13  }
0x10b: {  	v51 =	vadd.s32 v3, v7;
	v50 =	vld [tilespmem:s11+$0xFFFFFFF0];
	[tilespmem:v52+s26+$0x0] =	vst.idx.msk $0xffff, v15  }
0x10c: {  	v60 =	vadd.s32 v3, v31;
	[tilespmem:v57+s26+$0x0] =	vst.idx.msk $0xffff, v56;
	v59 =	vld [tilespmem:s19+$0x70]  }
0x10d: {  	v63 =	vadd.s32 v3, v21;
	[tilespmem:v53+s26+$0x0] =	vst.idx.msk $0xffff, v11;
	v5 =	vld [tilespmem:s19+$0xFFFFFFB0]  }
0x10e: {  	v61 =	vadd.s32 v3, v19;
	[tilespmem:v55+s26+$0x0] =	vst.idx.msk $0xffff, v54;
	v11 =	vld [tilespmem:s19+$0xFFFFFFF0]  }
0x10f: {  	v62 =	vadd.s32 v3, v20;
	[tilespmem:v4+s26+$0x0] =	vst.idx.msk $0xffff, v58;
	v6 =	vld [tilespmem:s19+$0x30]  }
0x110: {  	s17 =	sadd.s32 s6, s7;
	[tilespmem:v51+s26+$0x0] =	vst.idx.msk $0xffff, v50  }
0x111: {  	s19 =	sshll.u32 s17, $0x7;
	[tilespmem:v60+s26+$0x0] =	vst.idx.msk $0xffff, v59  }
0x112: {  	s11 =	sshll.u32 s17, $0xA;
	s14 =	sand.u32 $0xF80, s19;
	[tilespmem:v63+s26+$0x0] =	vst.idx.msk $0xffff, v5  }
0x113: {  	s11 =	sand.u32 $0xFFF8000, s11;
	s14 =	sadd.s32 s2, s14;
	[tilespmem:v61+s26+$0x0] =	vst.idx.msk $0xffff, v11  }
0x114: {  	s21 =	simm.s32 $0x12600;
	s14 =	sadd.s32 s11, s14;
	[tilespmem:v62+s26+$0x0] =	vst.idx.msk $0xffff, v6  }
0x115: {  	[hbm4b:s14+s3] =	stream.linear.scatter [tilespmem:s21], [sflag:$0x7], $0x80, $0x38;
	[tilespmem:$0x1AE00] =	vst v63  }
0x116: {  	s15 =	simm.s32 $0x12688;
	s17 =	sadd.s32 $0x10, s14  }
0x117: {  	[hbm4b:s17+s3] =	stream.linear.scatter [tilespmem:s15], [sflag:$0x7], $0x80, $0x38;
	[tilespmem:$0x1AE00] =	vst v63  }
0x118: {  	s19 =	simm.s32 $0x12710;
	s21 =	sadd.s32 $0x20, s14  }
0x119: {  	[hbm4b:s21+s3] =	stream.linear.scatter [tilespmem:s19], [sflag:$0x7], $0x80, $0x38;
	[tilespmem:$0x1AE00] =	vst v63  }
0x11a: {  	s15 =	simm.s32 $0x12798;
	s17 =	sadd.s32 $0x30, s14  }
0x11b: {  	[hbm4b:s17+s3] =	stream.linear.scatter [tilespmem:s15], [sflag:$0x7], $0x80, $0x38;
	[tilespmem:$0x1AE00] =	vst v63  }
0x11c: {  	s19 =	simm.s32 $0x12820;
	s21 =	sadd.s32 $0x40, s14  }
0x11d: {  	[hbm4b:s21+s3] =	stream.linear.scatter [tilespmem:s19], [sflag:$0x7], $0x80, $0x38;
	[tilespmem:$0x1AE00] =	vst v63  }
0x11e: {  	s11 =	simm.s32 $0x440;
	s15 =	simm.s32 $0x128A8;
	s17 =	sadd.s32 $0x50, s14  }
0x11f: {  	[hbm4b:s17+s3] =	stream.linear.scatter [tilespmem:s15], [sflag:$0x7], $0x80, $0x38;
	[tilespmem:$0x1AE00] =	vst v63  }
0x120: {  	s19 =	simm.s32 $0x12930;
	s21 =	sadd.s32 $0x60, s14;
	s15 =	simm.s32 $0x2200  }
0x121: {  	[hbm4b:s21+s3] =	stream.linear.scatter [tilespmem:s19], [sflag:$0x7], $0x80, $0x38;
	[tilespmem:$0x1AE00] =	vst v63  }
0x122: {  	s17 =	simm.s32 $0x129B8;
	s19 =	sadd.s32 $0x70, s14;
	s14 =	sadd.s32 $0x1000, s14  }
.LBB2_13:
0x123: {  	[hbm4b:s19+s3] =	stream.linear.scatter [tilespmem:s17], [sflag:$0x7], $0x80, $0x38;
	[tilespmem:$0x1AE00] =	vst v63  }
0x124: {  	s17 =	smov.u32 s11;
	s11 =	smov.u32 s15  }
0x125: {  	s21 =	sadd.s32 $0x1100, s15;
	s11 =	sshra.s32 s11, $0x2;
	s19 =	sadd.s32 $0x12600, s17  }
0x126: {  	[hbm4b:s14+s3] =	stream.linear.scatter [tilespmem:s19], [sflag:$0x7], $0x80, $0x38;
	[tilespmem:$0x1AE00] =	vst v63  }
0x127: {  	p2 =	sne.s32 s15, $0x7700;
	s15 =	sadd.s32 $0x12688, s17;
	s19 =	sadd.s32 $0x10, s14  }
0x128: {  	[hbm4b:s19+s3] =	stream.linear.scatter [tilespmem:s15], [sflag:$0x7], $0x80, $0x38;
	[tilespmem:$0x1AE00] =	vst v63  }
0x129: {  	s15 =	sadd.s32 $0x12710, s17;
	s19 =	sadd.s32 $0x20, s14  }
0x12a: {  	[hbm4b:s19+s3] =	stream.linear.scatter [tilespmem:s15], [sflag:$0x7], $0x80, $0x38;
	[tilespmem:$0x1AE00] =	vst v63  }
0x12b: {  	s15 =	sadd.s32 $0x12798, s17;
	s19 =	sadd.s32 $0x30, s14  }
0x12c: {  	[hbm4b:s19+s3] =	stream.linear.scatter [tilespmem:s15], [sflag:$0x7], $0x80, $0x38;
	[tilespmem:$0x1AE00] =	vst v63  }
0x12d: {  	s15 =	sadd.s32 $0x12820, s17;
	s19 =	sadd.s32 $0x40, s14  }
0x12e: {  	[hbm4b:s19+s3] =	stream.linear.scatter [tilespmem:s15], [sflag:$0x7], $0x80, $0x38;
	[tilespmem:$0x1AE00] =	vst v63  }
.Ltmp8:
0x12f: {  	s15 =	sadd.s32 $0x128A8, s17;
	s19 =	sadd.s32 $0x50, s14;
	(pc) =	sbr.rel @p2 .LBB2_13-.Ltmp8, $4  }
0x130: {  	[hbm4b:s19+s3] =	stream.linear.scatter [tilespmem:s15], [sflag:$0x7], $0x80, $0x38;
	[tilespmem:$0x1AE00] =	vst v63  }
0x131: {  	s15 =	sadd.s32 $0x12930, s17;
	s19 =	sadd.s32 $0x60, s14;
	s17 =	sadd.s32 $0x129B8, s17  }
0x132: {  	[hbm4b:s19+s3] =	stream.linear.scatter [tilespmem:s15], [sflag:$0x7], $0x80, $0x38;
	[tilespmem:$0x1AE00] =	vst v63  }
0x133: {  	s19 =	sadd.s32 $0x70, s14;
	s14 =	sadd.s32 $0x1000, s14;
	s15 =	smov.u32 s21  }
0x134: {  	[hbm4b:s19+s3] =	stream.linear.scatter [tilespmem:s17], [sflag:$0x7], $0x80, $0x38;
	[tilespmem:$0x1AE00] =	vst v63  }
0x135: {  	s15 =	sadd.s32 $0x12600, s11  }
0x136: {  	[hbm4b:s14+s3] =	stream.linear.scatter [tilespmem:s15], [sflag:$0x7], $0x80, $0x38;
	[tilespmem:$0x1AE00] =	vst v63  }
0x137: {  	s19 =	sadd.s32 $0x12688, s11;
	s21 =	sadd.s32 $0x10, s14  }
0x138: {  	[hbm4b:s21+s3] =	stream.linear.scatter [tilespmem:s19], [sflag:$0x7], $0x80, $0x38;
	[tilespmem:$0x1AE00] =	vst v63  }
0x139: {  	s19 =	sadd.s32 $0x12710, s11;
	s21 =	sadd.s32 $0x20, s14  }
0x13a: {  	[hbm4b:s21+s3] =	stream.linear.scatter [tilespmem:s19], [sflag:$0x7], $0x80, $0x38;
	[tilespmem:$0x1AE00] =	vst v63  }
0x13b: {  	s19 =	sadd.s32 $0x12798, s11;
	s21 =	sadd.s32 $0x30, s14  }
0x13c: {  	[hbm4b:s21+s3] =	stream.linear.scatter [tilespmem:s19], [sflag:$0x7], $0x80, $0x38;
	[tilespmem:$0x1AE00] =	vst v63  }
0x13d: {  	s19 =	sadd.s32 $0x12820, s11;
	s21 =	sadd.s32 $0x40, s14  }
0x13e: {  	[hbm4b:s21+s3] =	stream.linear.scatter [tilespmem:s19], [sflag:$0x7], $0x80, $0x38;
	[tilespmem:$0x1AE00] =	vst v63  }
0x13f: {  	s19 =	sadd.s32 $0x128A8, s11;
	s21 =	sadd.s32 $0x50, s14  }
0x140: {  	[hbm4b:s21+s3] =	stream.linear.scatter [tilespmem:s19], [sflag:$0x7], $0x80, $0x38;
	[tilespmem:$0x1AE00] =	vst v63  }
.Ltmp9:
0x141: {  	_ = 	snop;
	(pc) =	sbr.rel @p1 .LBB2_16-.Ltmp9, $4  }
0x142: {  	s19 =	sadd.s32 $0x12930, s11;
	s21 =	sadd.s32 $0x60, s14  }
0x143: {  	[hbm4b:s21+s3] =	stream.linear.scatter [tilespmem:s19], [sflag:$0x7], $0x80, $0x38;
	[tilespmem:$0x1AE00] =	vst v63  }
0x144: {  	s19 =	sadd.s32 $0x129B8, s11;
	s21 =	sadd.s32 $0x70, s14  }
0x145: {  	[hbm4b:s21+s3] =	stream.linear.scatter [tilespmem:s19], [sflag:$0x7], $0x80, $0x38;
	[tilespmem:$0x1AE00] =	vst v63  }
.Ltmp10:
0x146: {  	(pc) =	sbr.rel .LBB2_17-.Ltmp10, $4  }
0x147: {  	_ = 	snop  }
0x148: {  	_ =	swait.ge [sflag:s28], $0x2000  }
0x149: {  	[sflag:s28] =	ssyncset.done $0x0  }
0x14a: {  	[sflag:s28] =	ssyncadd.s32 $0xFFFFE000  }
.LBB2_16:
0x14b: {  	s11 =	smul.u32 $0xA00, s12;
	_ =	sdelay $0x1  }
0x14c: {  	s11 =	sshra.s32 s11, $0x2  }
.Ltmp11:
0x14d: {  	s14 =	simm.s32 $0x8400;
	s11 =	sadd.s32 $0x300, s11;
	(pc) =	sbr.rel @p0 .LBB2_18-.Ltmp11, $4  }
0x14e: {  	[tilespmem:s14], [sflag:$0x2] =	stream.indirect.gather [hbm4b:s5+s13], $0x40, s11, s13, $0xb8;
	[tilespmem:$0x1AE00] =	vst v63  }
0x14f: {  	_ =	swait.ge [sflag:s28], $0x2000  }
0x150: {  	[sflag:s28] =	ssyncset.done $0x0  }
0x151: {  	[sflag:s28] =	ssyncadd.s32 $0xFFFFE000  }
.LBB2_17:
0x152: {  	_ =	swait.ge [sflag:s29], $0x2000  }
0x153: {  	[sflag:s29] =	ssyncset.done $0x0  }
0x154: {  	[sflag:s29] =	ssyncadd.s32 $0xFFFFE000  }
.LBB2_18:
0x155: {  	s11 =	simm.s32 $0x3  }
0x156: {  	s19 =	simm.s32 $0x0;
	v4 =	vmov s11  }
0x157: {  	s14 =	simm.s32 $0xA480;
	v5 =	vand.u32 $0x7F, v4;
	v4 =	vmov s19  }
0x158: {  	s21 =	simm.s32 $0x1;
	v7 =	vld [tilespmem:s14+$0x40];
	v8 =	vadd.s32 v0, v5;
	v6 =	vand.u32 $0x7C, v4  }
0x159: {  	v9 =	vld [tilespmem:s14+$0xFFFFFF80];
	v4 =	vmov s21;
	v10 =	vadd.s32 v0, v6  }
0x15a: {  	s15 =	simm.s32 $0x2;
	v11 =	vand.u32 $0x7D, v4  }
0x15b: {  	v13 =	vmov s15;
	v4 =	vld [tilespmem:s14+$0xFFFFFFC0];
	v12 =	vadd.s32 v0, v11  }
0x15c: {  	v13 =	vand.u32 $0x7E, v13  }
0x15d: {  	v14 =	vld [tilespmem:s14+$0x0];
	v15 =	vadd.s32 v0, v13;
	[tilespmem:v8+s30+$0x0] =	vst.idx.msk $0xffff, v7  }
0x15e: {  	v8 =	vadd.s32 v1, v5;
	v7 =	vld [tilespmem:s14+$0x50];
	[tilespmem:v10+s30+$0x0] =	vst.idx.msk $0xffff, v9  }
0x15f: {  	v10 =	vadd.s32 v1, v6;
	v9 =	vld [tilespmem:s14+$0xFFFFFF90]  }
0x160: {  	[tilespmem:v12+s30+$0x0] =	vst.idx.msk $0xffff, v4  }
0x161: {  	v12 =	vadd.s32 v1, v11;
	v4 =	vld [tilespmem:s14+$0xFFFFFFD0]  }
0x162: {  	[tilespmem:v15+s30+$0x0] =	vst.idx.msk $0xffff, v14  }
0x163: {  	s17 =	simm.s32 $0x7;
	v16 =	vadd.s32 v1, v13;
	v15 =	vld [tilespmem:s14+$0x10];
	[tilespmem:v8+s30+$0x0] =	vst.idx.msk $0xffff, v7  }
0x164: {  	v14 =	vadd.s32 v2, v5;
	v8 =	vmov s17;
	v7 =	vld [tilespmem:s14+$0x60];
	[tilespmem:v10+s30+$0x0] =	vst.idx.msk $0xffff, v9  }
0x165: {  	s11 =	simm.s32 $0xA580;
	v10 =	vadd.s32 v2, v6;
	v8 =	vand.u32 $0x7F, v8;
	v9 =	vld [tilespmem:s14+$0xFFFFFFA0]  }
0x166: {  	s15 =	simm.s32 $0x4;
	v18 =	vld [tilespmem:s11+$0x40];
	[tilespmem:v12+s30+$0x0] =	vst.idx.msk $0xffff, v4;
	v19 =	vadd.s32 v0, v8  }
0x167: {  	s19 =	simm.s32 $0x5;
	v17 =	vadd.s32 v2, v11;
	v4 =	vmov s15;
	v12 =	vld [tilespmem:s14+$0xFFFFFFE0]  }
0x168: {  	v22 =	vmov s19;
	s21 =	simm.s32 $0x6;
	[tilespmem:v16+s30+$0x0] =	vst.idx.msk $0xffff, v15;
	v4 =	vand.u32 $0x7C, v4  }
0x169: {  	v20 =	vld [tilespmem:s11+$0xFFFFFF80];
	v21 =	vadd.s32 v0, v4;
	[tilespmem:v14+s30+$0x0] =	vst.idx.msk $0xffff, v7;
	v7 =	vand.u32 $0x7D, v22;
	v14 =	vmov s21  }
0x16a: {  	v16 =	vadd.s32 v3, v5;
	[tilespmem:v10+s30+$0x0] =	vst.idx.msk $0xffff, v9;
	v9 =	vld [tilespmem:s11+$0xFFFFFFC0];
	v10 =	vadd.s32 v0, v7;
	v5 =	vand.u32 $0x7E, v14  }
0x16b: {  	v14 =	vld [tilespmem:s11+$0x0];
	[tilespmem:v19+s30+$0x0] =	vst.idx.msk $0xffff, v18;
	v63 =	vadd.s32 v0, v5  }
0x16c: {  	v18 =	vadd.s32 v2, v13;
	[tilespmem:v17+s30+$0x0] =	vst.idx.msk $0xffff, v12;
	v12 =	vld [tilespmem:s14+$0x20]  }
0x16d: {  	v15 =	vld [tilespmem:s14+$0x70]  }
0x16e: {  	v19 =	vld [tilespmem:s11+$0x50];
	[tilespmem:v21+s30+$0x0] =	vst.idx.msk $0xffff, v20;
	v20 =	vadd.s32 v1, v8  }
0x16f: {  	v23 =	vadd.s32 v1, v4;
	v21 =	vld [tilespmem:s11+$0xFFFFFF90];
	[tilespmem:v10+s30+$0x0] =	vst.idx.msk $0xffff, v9  }
0x170: {  	v25 =	vadd.s32 v3, v11;
	v24 =	vld [tilespmem:s14+$0xFFFFFFF0];
	[tilespmem:v63+s30+$0x0] =	vst.idx.msk $0xffff, v14  }
0x171: {  	v17 =	vld [tilespmem:s11+$0xFFFFFFD0];
	[tilespmem:v18+s30+$0x0] =	vst.idx.msk $0xffff, v12;
	v18 =	vadd.s32 v1, v7  }
0x172: {  	[tilespmem:v16+s30+$0x0] =	vst.idx.msk $0xffff, v15;
	v16 =	vadd.s32 v1, v5;
	v15 =	vld [tilespmem:s11+$0x10]  }
0x173: {  	v14 =	vadd.s32 v3, v13;
	[tilespmem:v20+s30+$0x0] =	vst.idx.msk $0xffff, v19;
	v11 =	vld [tilespmem:s14+$0x30]  }
0x174: {  	v12 =	vadd.s32 v2, v8;
	[tilespmem:v23+s30+$0x0] =	vst.idx.msk $0xffff, v21;
	v9 =	vld [tilespmem:s11+$0x60]  }
0x175: {  	s19 =	simm.s32 $0xB;
	s17 =	simm.s32 $0xC;
	s15 =	simm.s32 $0x8;
	v13 =	vadd.s32 v2, v4;
	[tilespmem:v25+s30+$0x0] =	vst.idx.msk $0xffff, v24;
	v10 =	vld [tilespmem:s11+$0xFFFFFFA0]  }
.LBB2_19:
0x176: {  	p2 =	slt.u32 s17, $0x7C;
	v19 =	vmov s19;
	[tilespmem:v18+s30+$0x0] =	vst.idx.msk $0xffff, v17;
	v17 =	vld [tilespmem:s14+$0xFFFFFFB0];
	v18 =	vadd.s32 v3, v6;
	v6 =	vmov v4;
	s14 =	smov.u32 s11  }
0x177: {  	v4 =	vmov s15;
	v21 =	vadd.s32 v2, v7;
	s11 =	sadd.s32 $0x100, s11;
	v19 =	vand.u32 $0x7F, v19;
	v20 =	vld [tilespmem:s14+$0xFFFFFFE0];
	[tilespmem:v16+s30+$0x0] =	vst.idx.msk $0xffff, v15  }
0x178: {  	s19 =	sadd.s32 $0x1, s15;
	v4 =	vand.u32 $0x7C, v4;
	v15 =	vld [tilespmem:s11+$0x40];
	v16 =	vadd.s32 v0, v19;
	[tilespmem:v14+s30+$0x0] =	vst.idx.msk $0xffff, v11  }
0x179: {  	v22 =	vmov s19;
	s19 =	sadd.s32 $0x2, s15;
	s15 =	smov.u32 s17;
	v14 =	vadd.s32 v0, v4;
	v11 =	vld [tilespmem:s11+$0xFFFFFF80];
	[tilespmem:v12+s30+$0x0] =	vst.idx.msk $0xffff, v9  }
0x17a: {  	v9 =	vand.u32 $0x7D, v22;
	v12 =	vmov s19;
	[tilespmem:v13+s30+$0x0] =	vst.idx.msk $0xffff, v10;
	v10 =	vld [tilespmem:s14+$0x70];
	v13 =	vadd.s32 v3, v8;
	v8 =	vmovc v19  }
0x17b: {  	v22 =	vadd.s32 v0, v9;
	v12 =	vand.u32 $0x7E, v12;
	v19 =	vld [tilespmem:s11+$0xFFFFFFC0];
	[tilespmem:v18+s30+$0x0] =	vst.idx.msk $0xffff, v17  }
0x17c: {  	v24 =	vadd.s32 v0, v12;
	v23 =	vld [tilespmem:s11+$0x0];
	[tilespmem:v21+s30+$0x0] =	vst.idx.msk $0xffff, v20  }
0x17d: {  	v21 =	vadd.s32 v2, v5;
	[tilespmem:v16+s30+$0x0] =	vst.idx.msk $0xffff, v15;
	v20 =	vld [tilespmem:s14+$0x20]  }
0x17e: {  	[tilespmem:v14+s30+$0x0] =	vst.idx.msk $0xffff, v11;
	v11 =	vld [tilespmem:s11+$0x50];
	v14 =	vadd.s32 v1, v8  }
0x17f: {  	v26 =	vadd.s32 v1, v4;
	v25 =	vld [tilespmem:s11+$0xFFFFFF90];
	[tilespmem:v13+s30+$0x0] =	vst.idx.msk $0xffff, v10  }
0x180: {  	[tilespmem:v22+s30+$0x0] =	vst.idx.msk $0xffff, v19;
	v19 =	vld [tilespmem:s14+$0xFFFFFFF0];
	v22 =	vadd.s32 v3, v7;
	v7 =	vmov v9  }
.Ltmp12:
0x181: {  	v17 =	vld [tilespmem:s11+$0xFFFFFFD0];
	v18 =	vadd.s32 v1, v7;
	[tilespmem:v24+s30+$0x0] =	vst.idx.msk $0xffff, v23;
	(pc) =	sbr.rel @p2 .LBB2_19-.Ltmp12, $4  }
0x182: {  	v16 =	vadd.s32 v1, v12;
	v15 =	vld [tilespmem:s11+$0x10];
	[tilespmem:v21+s30+$0x0] =	vst.idx.msk $0xffff, v20  }
0x183: {  	[tilespmem:v14+s30+$0x0] =	vst.idx.msk $0xffff, v11;
	v11 =	vld [tilespmem:s14+$0x30];
	v14 =	vadd.s32 v3, v5;
	v5 =	vmov v12  }
0x184: {  	v12 =	vadd.s32 v2, v8;
	[tilespmem:v26+s30+$0x0] =	vst.idx.msk $0xffff, v25;
	v9 =	vld [tilespmem:s11+$0x60]  }
0x185: {  	s17 =	sadd.s32 $0x4, s17;
	s19 =	sadd.s32 $0x3, s15;
	v13 =	vadd.s32 v2, v4;
	v10 =	vld [tilespmem:s11+$0xFFFFFFA0];
	[tilespmem:v22+s30+$0x0] =	vst.idx.msk $0xffff, v19  }
0x186: {  	_ =	sdelay $0x2  }
0x187: {  	v19 =	vmov s19  }
0x188: {  	s17 =	sadd.s32 $0x1, s15;
	[tilespmem:v18+s30+$0x0] =	vst.idx.msk $0xffff, v17;
	v30 =	vld [tilespmem:s14+$0xFFFFFFB0];
	v6 =	vadd.s32 v3, v6;
	s19 =	sadd.s32 $0x100, s11;
	v21 =	vmov s15;
	v31 =	vand.u32 $0x7F, v19  }
0x189: {  	s21 =	sadd.s32 $0x2, s15;
	v32 =	vmov s17;
	[tilespmem:v16+s30+$0x0] =	vst.idx.msk $0xffff, v15;
	v33 =	vld [tilespmem:s19+$0x40];
	v21 =	vand.u32 $0x7C, v21;
	v34 =	vadd.s32 v0, v31  }
0x18a: {  	v20 =	vmov s21;
	v22 =	vld [tilespmem:s19+$0xFFFFFF80];
	v19 =	vand.u32 $0x7D, v32;
	[tilespmem:v14+s30+$0x0] =	vst.idx.msk $0xffff, v11;
	v39 =	vadd.s32 v0, v21  }
0x18b: {  	v35 =	vld [tilespmem:s19+$0xFFFFFFC0];
	v20 =	vand.u32 $0x7E, v20;
	v36 =	vadd.s32 v0, v19;
	[tilespmem:v12+s30+$0x0] =	vst.idx.msk $0xffff, v9  }
0x18c: {  	v37 =	vld [tilespmem:s19+$0x0];
	v38 =	vadd.s32 v0, v20;
	[tilespmem:v13+s30+$0x0] =	vst.idx.msk $0xffff, v10  }
0x18d: {  	v41 =	vadd.s32 v2, v7;
	v40 =	vld [tilespmem:s11+$0xFFFFFFE0];
	[tilespmem:v6+s30+$0x0] =	vst.idx.msk $0xffff, v30  }
0x18e: {  	v49 =	vadd.s32 v2, v5;
	v48 =	vld [tilespmem:s11+$0x20];
	[tilespmem:v34+s30+$0x0] =	vst.idx.msk $0xffff, v33  }
0x18f: {  	v43 =	vadd.s32 v1, v31;
	[tilespmem:v39+s30+$0x0] =	vst.idx.msk $0xffff, v22;
	v15 =	vld [tilespmem:s19+$0x50]  }
0x190: {  	v47 =	vadd.s32 v1, v21;
	[tilespmem:v36+s30+$0x0] =	vst.idx.msk $0xffff, v35;
	v46 =	vld [tilespmem:s19+$0xFFFFFF90]  }
0x191: {  	v44 =	vadd.s32 v1, v19;
	[tilespmem:v38+s30+$0x0] =	vst.idx.msk $0xffff, v37;
	v11 =	vld [tilespmem:s19+$0xFFFFFFD0]  }
0x192: {  	v45 =	vadd.s32 v1, v20;
	[tilespmem:v41+s30+$0x0] =	vst.idx.msk $0xffff, v40;
	v9 =	vld [tilespmem:s19+$0x10]  }
0x193: {  	v8 =	vadd.s32 v3, v8;
	v42 =	vld [tilespmem:s11+$0x70];
	[tilespmem:v49+s30+$0x0] =	vst.idx.msk $0xffff, v48  }
0x194: {  	v5 =	vadd.s32 v3, v5;
	v13 =	vld [tilespmem:s11+$0x30];
	[tilespmem:v43+s30+$0x0] =	vst.idx.msk $0xffff, v15  }
0x195: {  	v52 =	vadd.s32 v2, v31;
	[tilespmem:v47+s30+$0x0] =	vst.idx.msk $0xffff, v46;
	v15 =	vld [tilespmem:s19+$0x60]  }
0x196: {  	v57 =	vadd.s32 v2, v21;
	[tilespmem:v44+s30+$0x0] =	vst.idx.msk $0xffff, v11;
	v56 =	vld [tilespmem:s19+$0xFFFFFFA0]  }
0x197: {  	v53 =	vadd.s32 v2, v19;
	[tilespmem:v45+s30+$0x0] =	vst.idx.msk $0xffff, v9;
	v11 =	vld [tilespmem:s19+$0xFFFFFFE0]  }
0x198: {  	v55 =	vadd.s32 v2, v20;
	[tilespmem:v8+s30+$0x0] =	vst.idx.msk $0xffff, v42;
	v54 =	vld [tilespmem:s19+$0x20]  }
0x199: {  	v4 =	vadd.s32 v3, v4;
	v58 =	vld [tilespmem:s11+$0xFFFFFFB0];
	[tilespmem:v5+s30+$0x0] =	vst.idx.msk $0xffff, v13  }
0x19a: {  	v51 =	vadd.s32 v3, v7;
	v50 =	vld [tilespmem:s11+$0xFFFFFFF0];
	[tilespmem:v52+s30+$0x0] =	vst.idx.msk $0xffff, v15  }
0x19b: {  	v60 =	vadd.s32 v3, v31;
	[tilespmem:v57+s30+$0x0] =	vst.idx.msk $0xffff, v56;
	v59 =	vld [tilespmem:s19+$0x70]  }
0x19c: {  	v63 =	vadd.s32 v3, v21;
	[tilespmem:v53+s30+$0x0] =	vst.idx.msk $0xffff, v11;
	v5 =	vld [tilespmem:s19+$0xFFFFFFB0]  }
0x19d: {  	v61 =	vadd.s32 v3, v19;
	[tilespmem:v55+s30+$0x0] =	vst.idx.msk $0xffff, v54;
	v11 =	vld [tilespmem:s19+$0xFFFFFFF0]  }
0x19e: {  	v62 =	vadd.s32 v3, v20;
	[tilespmem:v4+s30+$0x0] =	vst.idx.msk $0xffff, v58;
	v6 =	vld [tilespmem:s19+$0x30]  }
0x19f: {  	s17 =	sadd.s32 s6, s8;
	[tilespmem:v51+s30+$0x0] =	vst.idx.msk $0xffff, v50  }
0x1a0: {  	s19 =	sshll.u32 s17, $0x7;
	[tilespmem:v60+s30+$0x0] =	vst.idx.msk $0xffff, v59  }
0x1a1: {  	s11 =	sshll.u32 s17, $0xA;
	s14 =	sand.u32 $0xF80, s19;
	[tilespmem:v63+s30+$0x0] =	vst.idx.msk $0xffff, v5  }
0x1a2: {  	s11 =	sand.u32 $0xFFF8000, s11;
	s14 =	sadd.s32 s2, s14;
	[tilespmem:v61+s30+$0x0] =	vst.idx.msk $0xffff, v11  }
0x1a3: {  	s21 =	simm.s32 $0x14800;
	s14 =	sadd.s32 s11, s14;
	[tilespmem:v62+s30+$0x0] =	vst.idx.msk $0xffff, v6  }
0x1a4: {  	[hbm4b:s14+s3] =	stream.linear.scatter [tilespmem:s21], [sflag:$0x8], $0x80, $0x38;
	[tilespmem:$0x1AE00] =	vst v63  }
0x1a5: {  	s15 =	simm.s32 $0x14888;
	s17 =	sadd.s32 $0x10, s14  }
0x1a6: {  	[hbm4b:s17+s3] =	stream.linear.scatter [tilespmem:s15], [sflag:$0x8], $0x80, $0x38;
	[tilespmem:$0x1AE00] =	vst v63  }
0x1a7: {  	s19 =	simm.s32 $0x14910;
	s21 =	sadd.s32 $0x20, s14  }
0x1a8: {  	[hbm4b:s21+s3] =	stream.linear.scatter [tilespmem:s19], [sflag:$0x8], $0x80, $0x38;
	[tilespmem:$0x1AE00] =	vst v63  }
0x1a9: {  	s15 =	simm.s32 $0x14998;
	s17 =	sadd.s32 $0x30, s14  }
0x1aa: {  	[hbm4b:s17+s3] =	stream.linear.scatter [tilespmem:s15], [sflag:$0x8], $0x80, $0x38;
	[tilespmem:$0x1AE00] =	vst v63  }
0x1ab: {  	s19 =	simm.s32 $0x14A20;
	s21 =	sadd.s32 $0x40, s14  }
0x1ac: {  	[hbm4b:s21+s3] =	stream.linear.scatter [tilespmem:s19], [sflag:$0x8], $0x80, $0x38;
	[tilespmem:$0x1AE00] =	vst v63  }
0x1ad: {  	s11 =	simm.s32 $0x440;
	s15 =	simm.s32 $0x14AA8;
	s17 =	sadd.s32 $0x50, s14  }
0x1ae: {  	[hbm4b:s17+s3] =	stream.linear.scatter [tilespmem:s15], [sflag:$0x8], $0x80, $0x38;
	[tilespmem:$0x1AE00] =	vst v63  }
0x1af: {  	s19 =	simm.s32 $0x14B30;
	s21 =	sadd.s32 $0x60, s14;
	s15 =	simm.s32 $0x2200  }
0x1b0: {  	[hbm4b:s21+s3] =	stream.linear.scatter [tilespmem:s19], [sflag:$0x8], $0x80, $0x38;
	[tilespmem:$0x1AE00] =	vst v63  }
0x1b1: {  	s17 =	simm.s32 $0x14BB8;
	s19 =	sadd.s32 $0x70, s14;
	s14 =	sadd.s32 $0x1000, s14  }
.LBB2_21:
0x1b2: {  	[hbm4b:s19+s3] =	stream.linear.scatter [tilespmem:s17], [sflag:$0x8], $0x80, $0x38;
	[tilespmem:$0x1AE00] =	vst v63  }
0x1b3: {  	s17 =	smov.u32 s11;
	s11 =	smov.u32 s15  }
0x1b4: {  	s21 =	sadd.s32 $0x1100, s15;
	s11 =	sshra.s32 s11, $0x2;
	s19 =	sadd.s32 $0x14800, s17  }
0x1b5: {  	[hbm4b:s14+s3] =	stream.linear.scatter [tilespmem:s19], [sflag:$0x8], $0x80, $0x38;
	[tilespmem:$0x1AE00] =	vst v63  }
0x1b6: {  	p2 =	sne.s32 s15, $0x7700;
	s15 =	sadd.s32 $0x14888, s17;
	s19 =	sadd.s32 $0x10, s14  }
0x1b7: {  	[hbm4b:s19+s3] =	stream.linear.scatter [tilespmem:s15], [sflag:$0x8], $0x80, $0x38;
	[tilespmem:$0x1AE00] =	vst v63  }
0x1b8: {  	s15 =	sadd.s32 $0x14910, s17;
	s19 =	sadd.s32 $0x20, s14  }
0x1b9: {  	[hbm4b:s19+s3] =	stream.linear.scatter [tilespmem:s15], [sflag:$0x8], $0x80, $0x38;
	[tilespmem:$0x1AE00] =	vst v63  }
0x1ba: {  	s15 =	sadd.s32 $0x14998, s17;
	s19 =	sadd.s32 $0x30, s14  }
0x1bb: {  	[hbm4b:s19+s3] =	stream.linear.scatter [tilespmem:s15], [sflag:$0x8], $0x80, $0x38;
	[tilespmem:$0x1AE00] =	vst v63  }
0x1bc: {  	s15 =	sadd.s32 $0x14A20, s17;
	s19 =	sadd.s32 $0x40, s14  }
0x1bd: {  	[hbm4b:s19+s3] =	stream.linear.scatter [tilespmem:s15], [sflag:$0x8], $0x80, $0x38;
	[tilespmem:$0x1AE00] =	vst v63  }
.Ltmp13:
0x1be: {  	s15 =	sadd.s32 $0x14AA8, s17;
	s19 =	sadd.s32 $0x50, s14;
	(pc) =	sbr.rel @p2 .LBB2_21-.Ltmp13, $4  }
0x1bf: {  	[hbm4b:s19+s3] =	stream.linear.scatter [tilespmem:s15], [sflag:$0x8], $0x80, $0x38;
	[tilespmem:$0x1AE00] =	vst v63  }
0x1c0: {  	s15 =	sadd.s32 $0x14B30, s17;
	s19 =	sadd.s32 $0x60, s14;
	s17 =	sadd.s32 $0x14BB8, s17  }
0x1c1: {  	[hbm4b:s19+s3] =	stream.linear.scatter [tilespmem:s15], [sflag:$0x8], $0x80, $0x38;
	[tilespmem:$0x1AE00] =	vst v63  }
0x1c2: {  	s19 =	sadd.s32 $0x70, s14;
	s14 =	sadd.s32 $0x1000, s14;
	s15 =	smov.u32 s21  }
0x1c3: {  	[hbm4b:s19+s3] =	stream.linear.scatter [tilespmem:s17], [sflag:$0x8], $0x80, $0x38;
	[tilespmem:$0x1AE00] =	vst v63  }
0x1c4: {  	s15 =	sadd.s32 $0x14800, s11  }
0x1c5: {  	[hbm4b:s14+s3] =	stream.linear.scatter [tilespmem:s15], [sflag:$0x8], $0x80, $0x38;
	[tilespmem:$0x1AE00] =	vst v63  }
0x1c6: {  	s19 =	sadd.s32 $0x14888, s11;
	s21 =	sadd.s32 $0x10, s14  }
0x1c7: {  	[hbm4b:s21+s3] =	stream.linear.scatter [tilespmem:s19], [sflag:$0x8], $0x80, $0x38;
	[tilespmem:$0x1AE00] =	vst v63  }
0x1c8: {  	s19 =	sadd.s32 $0x14910, s11;
	s21 =	sadd.s32 $0x20, s14  }
0x1c9: {  	[hbm4b:s21+s3] =	stream.linear.scatter [tilespmem:s19], [sflag:$0x8], $0x80, $0x38;
	[tilespmem:$0x1AE00] =	vst v63  }
0x1ca: {  	s19 =	sadd.s32 $0x14998, s11;
	s21 =	sadd.s32 $0x30, s14  }
0x1cb: {  	[hbm4b:s21+s3] =	stream.linear.scatter [tilespmem:s19], [sflag:$0x8], $0x80, $0x38;
	[tilespmem:$0x1AE00] =	vst v63  }
0x1cc: {  	s19 =	sadd.s32 $0x14A20, s11;
	s21 =	sadd.s32 $0x40, s14  }
0x1cd: {  	[hbm4b:s21+s3] =	stream.linear.scatter [tilespmem:s19], [sflag:$0x8], $0x80, $0x38;
	[tilespmem:$0x1AE00] =	vst v63  }
0x1ce: {  	s19 =	sadd.s32 $0x14AA8, s11;
	s21 =	sadd.s32 $0x50, s14  }
0x1cf: {  	[hbm4b:s21+s3] =	stream.linear.scatter [tilespmem:s19], [sflag:$0x8], $0x80, $0x38;
	[tilespmem:$0x1AE00] =	vst v63  }
.Ltmp14:
0x1d0: {  	_ = 	snop;
	(pc) =	sbr.rel @p1 .LBB2_24-.Ltmp14, $4  }
0x1d1: {  	s19 =	sadd.s32 $0x14B30, s11;
	s21 =	sadd.s32 $0x60, s14  }
0x1d2: {  	[hbm4b:s21+s3] =	stream.linear.scatter [tilespmem:s19], [sflag:$0x8], $0x80, $0x38;
	[tilespmem:$0x1AE00] =	vst v63  }
0x1d3: {  	s19 =	sadd.s32 $0x14BB8, s11;
	s21 =	sadd.s32 $0x70, s14  }
0x1d4: {  	[hbm4b:s21+s3] =	stream.linear.scatter [tilespmem:s19], [sflag:$0x8], $0x80, $0x38;
	[tilespmem:$0x1AE00] =	vst v63  }
.Ltmp15:
0x1d5: {  	(pc) =	sbr.rel .LBB2_25-.Ltmp15, $4  }
0x1d6: {  	_ = 	snop  }
0x1d7: {  	_ =	swait.ge [sflag:s31], $0x2000  }
0x1d8: {  	[sflag:s31] =	ssyncset.done $0x0  }
0x1d9: {  	[sflag:s31] =	ssyncadd.s32 $0xFFFFE000  }
.LBB2_24:
0x1da: {  	s11 =	smul.u32 $0xA00, s12;
	_ =	sdelay $0x1  }
0x1db: {  	s11 =	sshra.s32 s11, $0x2  }
.Ltmp16:
0x1dc: {  	s14 =	simm.s32 $0xA400;
	s11 =	sadd.s32 $0x380, s11;
	(pc) =	sbr.rel @p0 .LBB2_26-.Ltmp16, $4  }
0x1dd: {  	[tilespmem:s14], [sflag:$0x3] =	stream.indirect.gather [hbm4b:s5+s13], $0x40, s11, s13, $0xb8;
	[tilespmem:$0x1AE00] =	vst v63  }
0x1de: {  	_ =	swait.ge [sflag:s31], $0x2000  }
0x1df: {  	[sflag:s31] =	ssyncset.done $0x0  }
0x1e0: {  	[sflag:s31] =	ssyncadd.s32 $0xFFFFE000  }
.LBB2_25:
0x1e1: {  	_ =	swait.ge [sflag:s1], $0x2000  }
0x1e2: {  	[sflag:s1] =	ssyncset.done $0x0  }
0x1e3: {  	[sflag:s1] =	ssyncadd.s32 $0xFFFFE000  }
.LBB2_26:
0x1e4: {  	s11 =	simm.s32 $0x3  }
0x1e5: {  	s19 =	simm.s32 $0x0;
	v4 =	vmov s11  }
0x1e6: {  	s14 =	simm.s32 $0xC480;
	v5 =	vand.u32 $0x7F, v4;
	v4 =	vmov s19  }
0x1e7: {  	s21 =	simm.s32 $0x1;
	v7 =	vld [tilespmem:s14+$0x40];
	v8 =	vadd.s32 v0, v5;
	v6 =	vand.u32 $0x7C, v4  }
0x1e8: {  	v9 =	vld [tilespmem:s14+$0xFFFFFF80];
	v4 =	vmov s21;
	v10 =	vadd.s32 v0, v6  }
0x1e9: {  	s15 =	simm.s32 $0x2;
	v11 =	vand.u32 $0x7D, v4  }
0x1ea: {  	v13 =	vmov s15;
	v4 =	vld [tilespmem:s14+$0xFFFFFFC0];
	v12 =	vadd.s32 v0, v11  }
0x1eb: {  	v13 =	vand.u32 $0x7E, v13  }
0x1ec: {  	v14 =	vld [tilespmem:s14+$0x0];
	v15 =	vadd.s32 v0, v13;
	[tilespmem:v8+s0+$0x0] =	vst.idx.msk $0xffff, v7  }
0x1ed: {  	v8 =	vadd.s32 v1, v5;
	v7 =	vld [tilespmem:s14+$0x50];
	[tilespmem:v10+s0+$0x0] =	vst.idx.msk $0xffff, v9  }
0x1ee: {  	v10 =	vadd.s32 v1, v6;
	v9 =	vld [tilespmem:s14+$0xFFFFFF90]  }
0x1ef: {  	[tilespmem:v12+s0+$0x0] =	vst.idx.msk $0xffff, v4  }
0x1f0: {  	v12 =	vadd.s32 v1, v11;
	v4 =	vld [tilespmem:s14+$0xFFFFFFD0]  }
0x1f1: {  	[tilespmem:v15+s0+$0x0] =	vst.idx.msk $0xffff, v14  }
0x1f2: {  	s17 =	simm.s32 $0x7;
	v16 =	vadd.s32 v1, v13;
	v15 =	vld [tilespmem:s14+$0x10];
	[tilespmem:v8+s0+$0x0] =	vst.idx.msk $0xffff, v7  }
0x1f3: {  	v14 =	vadd.s32 v2, v5;
	v8 =	vmov s17;
	v7 =	vld [tilespmem:s14+$0x60];
	[tilespmem:v10+s0+$0x0] =	vst.idx.msk $0xffff, v9  }
0x1f4: {  	s11 =	simm.s32 $0xC580;
	v10 =	vadd.s32 v2, v6;
	v8 =	vand.u32 $0x7F, v8;
	v9 =	vld [tilespmem:s14+$0xFFFFFFA0]  }
0x1f5: {  	s15 =	simm.s32 $0x4;
	v18 =	vld [tilespmem:s11+$0x40];
	[tilespmem:v12+s0+$0x0] =	vst.idx.msk $0xffff, v4;
	v19 =	vadd.s32 v0, v8  }
0x1f6: {  	s19 =	simm.s32 $0x5;
	v17 =	vadd.s32 v2, v11;
	v4 =	vmov s15;
	v12 =	vld [tilespmem:s14+$0xFFFFFFE0]  }
0x1f7: {  	v22 =	vmov s19;
	s21 =	simm.s32 $0x6;
	[tilespmem:v16+s0+$0x0] =	vst.idx.msk $0xffff, v15;
	v4 =	vand.u32 $0x7C, v4  }
0x1f8: {  	v20 =	vld [tilespmem:s11+$0xFFFFFF80];
	v21 =	vadd.s32 v0, v4;
	[tilespmem:v14+s0+$0x0] =	vst.idx.msk $0xffff, v7;
	v7 =	vand.u32 $0x7D, v22;
	v14 =	vmov s21  }
0x1f9: {  	v16 =	vadd.s32 v3, v5;
	[tilespmem:v10+s0+$0x0] =	vst.idx.msk $0xffff, v9;
	v9 =	vld [tilespmem:s11+$0xFFFFFFC0];
	v10 =	vadd.s32 v0, v7;
	v5 =	vand.u32 $0x7E, v14  }
0x1fa: {  	v14 =	vld [tilespmem:s11+$0x0];
	[tilespmem:v19+s0+$0x0] =	vst.idx.msk $0xffff, v18;
	v63 =	vadd.s32 v0, v5  }
0x1fb: {  	v18 =	vadd.s32 v2, v13;
	[tilespmem:v17+s0+$0x0] =	vst.idx.msk $0xffff, v12;
	v12 =	vld [tilespmem:s14+$0x20]  }
0x1fc: {  	v15 =	vld [tilespmem:s14+$0x70]  }
0x1fd: {  	v19 =	vld [tilespmem:s11+$0x50];
	[tilespmem:v21+s0+$0x0] =	vst.idx.msk $0xffff, v20;
	v20 =	vadd.s32 v1, v8  }
0x1fe: {  	v23 =	vadd.s32 v1, v4;
	v21 =	vld [tilespmem:s11+$0xFFFFFF90];
	[tilespmem:v10+s0+$0x0] =	vst.idx.msk $0xffff, v9  }
0x1ff: {  	v25 =	vadd.s32 v3, v11;
	v24 =	vld [tilespmem:s14+$0xFFFFFFF0];
	[tilespmem:v63+s0+$0x0] =	vst.idx.msk $0xffff, v14  }
0x200: {  	v17 =	vld [tilespmem:s11+$0xFFFFFFD0];
	[tilespmem:v18+s0+$0x0] =	vst.idx.msk $0xffff, v12;
	v18 =	vadd.s32 v1, v7  }
0x201: {  	[tilespmem:v16+s0+$0x0] =	vst.idx.msk $0xffff, v15;
	v16 =	vadd.s32 v1, v5;
	v15 =	vld [tilespmem:s11+$0x10]  }
0x202: {  	v14 =	vadd.s32 v3, v13;
	[tilespmem:v20+s0+$0x0] =	vst.idx.msk $0xffff, v19;
	v11 =	vld [tilespmem:s14+$0x30]  }
0x203: {  	v12 =	vadd.s32 v2, v8;
	[tilespmem:v23+s0+$0x0] =	vst.idx.msk $0xffff, v21;
	v9 =	vld [tilespmem:s11+$0x60]  }
0x204: {  	s19 =	simm.s32 $0xB;
	s17 =	simm.s32 $0xC;
	s15 =	simm.s32 $0x8;
	v13 =	vadd.s32 v2, v4;
	[tilespmem:v25+s0+$0x0] =	vst.idx.msk $0xffff, v24;
	v10 =	vld [tilespmem:s11+$0xFFFFFFA0]  }
.LBB2_27:
0x205: {  	p2 =	slt.u32 s17, $0x7C;
	v19 =	vmov s19;
	[tilespmem:v18+s0+$0x0] =	vst.idx.msk $0xffff, v17;
	v17 =	vld [tilespmem:s14+$0xFFFFFFB0];
	v18 =	vadd.s32 v3, v6;
	v6 =	vmov v4;
	s14 =	smov.u32 s11  }
0x206: {  	v4 =	vmov s15;
	v21 =	vadd.s32 v2, v7;
	s11 =	sadd.s32 $0x100, s11;
	v19 =	vand.u32 $0x7F, v19;
	v20 =	vld [tilespmem:s14+$0xFFFFFFE0];
	[tilespmem:v16+s0+$0x0] =	vst.idx.msk $0xffff, v15  }
0x207: {  	s19 =	sadd.s32 $0x1, s15;
	v4 =	vand.u32 $0x7C, v4;
	v15 =	vld [tilespmem:s11+$0x40];
	v16 =	vadd.s32 v0, v19;
	[tilespmem:v14+s0+$0x0] =	vst.idx.msk $0xffff, v11  }
0x208: {  	v22 =	vmov s19;
	s19 =	sadd.s32 $0x2, s15;
	s15 =	smov.u32 s17;
	v14 =	vadd.s32 v0, v4;
	v11 =	vld [tilespmem:s11+$0xFFFFFF80];
	[tilespmem:v12+s0+$0x0] =	vst.idx.msk $0xffff, v9  }
0x209: {  	v9 =	vand.u32 $0x7D, v22;
	v12 =	vmov s19;
	[tilespmem:v13+s0+$0x0] =	vst.idx.msk $0xffff, v10;
	v10 =	vld [tilespmem:s14+$0x70];
	v13 =	vadd.s32 v3, v8;
	v8 =	vmovc v19  }
0x20a: {  	v22 =	vadd.s32 v0, v9;
	v12 =	vand.u32 $0x7E, v12;
	v19 =	vld [tilespmem:s11+$0xFFFFFFC0];
	[tilespmem:v18+s0+$0x0] =	vst.idx.msk $0xffff, v17  }
0x20b: {  	v24 =	vadd.s32 v0, v12;
	v23 =	vld [tilespmem:s11+$0x0];
	[tilespmem:v21+s0+$0x0] =	vst.idx.msk $0xffff, v20  }
0x20c: {  	v21 =	vadd.s32 v2, v5;
	[tilespmem:v16+s0+$0x0] =	vst.idx.msk $0xffff, v15;
	v20 =	vld [tilespmem:s14+$0x20]  }
0x20d: {  	[tilespmem:v14+s0+$0x0] =	vst.idx.msk $0xffff, v11;
	v11 =	vld [tilespmem:s11+$0x50];
	v14 =	vadd.s32 v1, v8  }
0x20e: {  	v26 =	vadd.s32 v1, v4;
	v25 =	vld [tilespmem:s11+$0xFFFFFF90];
	[tilespmem:v13+s0+$0x0] =	vst.idx.msk $0xffff, v10  }
0x20f: {  	[tilespmem:v22+s0+$0x0] =	vst.idx.msk $0xffff, v19;
	v19 =	vld [tilespmem:s14+$0xFFFFFFF0];
	v22 =	vadd.s32 v3, v7;
	v7 =	vmov v9  }
.Ltmp17:
0x210: {  	v17 =	vld [tilespmem:s11+$0xFFFFFFD0];
	v18 =	vadd.s32 v1, v7;
	[tilespmem:v24+s0+$0x0] =	vst.idx.msk $0xffff, v23;
	(pc) =	sbr.rel @p2 .LBB2_27-.Ltmp17, $4  }
0x211: {  	v16 =	vadd.s32 v1, v12;
	v15 =	vld [tilespmem:s11+$0x10];
	[tilespmem:v21+s0+$0x0] =	vst.idx.msk $0xffff, v20  }
0x212: {  	[tilespmem:v14+s0+$0x0] =	vst.idx.msk $0xffff, v11;
	v11 =	vld [tilespmem:s14+$0x30];
	v14 =	vadd.s32 v3, v5;
	v5 =	vmov v12  }
0x213: {  	v12 =	vadd.s32 v2, v8;
	[tilespmem:v26+s0+$0x0] =	vst.idx.msk $0xffff, v25;
	v9 =	vld [tilespmem:s11+$0x60]  }
0x214: {  	s17 =	sadd.s32 $0x4, s17;
	s19 =	sadd.s32 $0x3, s15;
	v13 =	vadd.s32 v2, v4;
	v10 =	vld [tilespmem:s11+$0xFFFFFFA0];
	[tilespmem:v22+s0+$0x0] =	vst.idx.msk $0xffff, v19  }
0x215: {  	_ =	sdelay $0x2  }
0x216: {  	v19 =	vmov s19  }
0x217: {  	s17 =	sadd.s32 $0x1, s15;
	[tilespmem:v18+s0+$0x0] =	vst.idx.msk $0xffff, v17;
	v30 =	vld [tilespmem:s14+$0xFFFFFFB0];
	v6 =	vadd.s32 v3, v6;
	s19 =	sadd.s32 $0x100, s11;
	v21 =	vmov s15;
	v31 =	vand.u32 $0x7F, v19  }
0x218: {  	s21 =	sadd.s32 $0x2, s15;
	v32 =	vmov s17;
	[tilespmem:v16+s0+$0x0] =	vst.idx.msk $0xffff, v15;
	v33 =	vld [tilespmem:s19+$0x40];
	v21 =	vand.u32 $0x7C, v21;
	v34 =	vadd.s32 v0, v31  }
0x219: {  	v20 =	vmov s21;
	v22 =	vld [tilespmem:s19+$0xFFFFFF80];
	v19 =	vand.u32 $0x7D, v32;
	[tilespmem:v14+s0+$0x0] =	vst.idx.msk $0xffff, v11;
	v39 =	vadd.s32 v0, v21  }
0x21a: {  	v35 =	vld [tilespmem:s19+$0xFFFFFFC0];
	v20 =	vand.u32 $0x7E, v20;
	v36 =	vadd.s32 v0, v19;
	[tilespmem:v12+s0+$0x0] =	vst.idx.msk $0xffff, v9  }
0x21b: {  	v37 =	vld [tilespmem:s19+$0x0];
	v38 =	vadd.s32 v0, v20;
	[tilespmem:v13+s0+$0x0] =	vst.idx.msk $0xffff, v10  }
0x21c: {  	v41 =	vadd.s32 v2, v7;
	v40 =	vld [tilespmem:s11+$0xFFFFFFE0];
	[tilespmem:v6+s0+$0x0] =	vst.idx.msk $0xffff, v30  }
0x21d: {  	v49 =	vadd.s32 v2, v5;
	v48 =	vld [tilespmem:s11+$0x20];
	[tilespmem:v34+s0+$0x0] =	vst.idx.msk $0xffff, v33  }
0x21e: {  	v43 =	vadd.s32 v1, v31;
	[tilespmem:v39+s0+$0x0] =	vst.idx.msk $0xffff, v22;
	v15 =	vld [tilespmem:s19+$0x50]  }
0x21f: {  	v47 =	vadd.s32 v1, v21;
	[tilespmem:v36+s0+$0x0] =	vst.idx.msk $0xffff, v35;
	v46 =	vld [tilespmem:s19+$0xFFFFFF90]  }
0x220: {  	v44 =	vadd.s32 v1, v19;
	[tilespmem:v38+s0+$0x0] =	vst.idx.msk $0xffff, v37;
	v11 =	vld [tilespmem:s19+$0xFFFFFFD0]  }
0x221: {  	v45 =	vadd.s32 v1, v20;
	[tilespmem:v41+s0+$0x0] =	vst.idx.msk $0xffff, v40;
	v9 =	vld [tilespmem:s19+$0x10]  }
0x222: {  	v8 =	vadd.s32 v3, v8;
	v42 =	vld [tilespmem:s11+$0x70];
	[tilespmem:v49+s0+$0x0] =	vst.idx.msk $0xffff, v48  }
0x223: {  	v5 =	vadd.s32 v3, v5;
	v13 =	vld [tilespmem:s11+$0x30];
	[tilespmem:v43+s0+$0x0] =	vst.idx.msk $0xffff, v15  }
0x224: {  	v52 =	vadd.s32 v2, v31;
	[tilespmem:v47+s0+$0x0] =	vst.idx.msk $0xffff, v46;
	v15 =	vld [tilespmem:s19+$0x60]  }
0x225: {  	v57 =	vadd.s32 v2, v21;
	[tilespmem:v44+s0+$0x0] =	vst.idx.msk $0xffff, v11;
	v56 =	vld [tilespmem:s19+$0xFFFFFFA0]  }
0x226: {  	v53 =	vadd.s32 v2, v19;
	[tilespmem:v45+s0+$0x0] =	vst.idx.msk $0xffff, v9;
	v11 =	vld [tilespmem:s19+$0xFFFFFFE0]  }
0x227: {  	v55 =	vadd.s32 v2, v20;
	[tilespmem:v8+s0+$0x0] =	vst.idx.msk $0xffff, v42;
	v54 =	vld [tilespmem:s19+$0x20]  }
0x228: {  	v4 =	vadd.s32 v3, v4;
	v58 =	vld [tilespmem:s11+$0xFFFFFFB0];
	[tilespmem:v5+s0+$0x0] =	vst.idx.msk $0xffff, v13  }
0x229: {  	v51 =	vadd.s32 v3, v7;
	v50 =	vld [tilespmem:s11+$0xFFFFFFF0];
	[tilespmem:v52+s0+$0x0] =	vst.idx.msk $0xffff, v15  }
0x22a: {  	v60 =	vadd.s32 v3, v31;
	[tilespmem:v57+s0+$0x0] =	vst.idx.msk $0xffff, v56;
	v59 =	vld [tilespmem:s19+$0x70]  }
0x22b: {  	v63 =	vadd.s32 v3, v21;
	[tilespmem:v53+s0+$0x0] =	vst.idx.msk $0xffff, v11;
	v5 =	vld [tilespmem:s19+$0xFFFFFFB0]  }
0x22c: {  	v61 =	vadd.s32 v3, v19;
	[tilespmem:v55+s0+$0x0] =	vst.idx.msk $0xffff, v54;
	v11 =	vld [tilespmem:s19+$0xFFFFFFF0]  }
0x22d: {  	v62 =	vadd.s32 v3, v20;
	[tilespmem:v4+s0+$0x0] =	vst.idx.msk $0xffff, v58;
	v6 =	vld [tilespmem:s19+$0x30]  }
0x22e: {  	s17 =	sadd.s32 s6, s9;
	[tilespmem:v51+s0+$0x0] =	vst.idx.msk $0xffff, v50  }
0x22f: {  	s19 =	sshll.u32 s17, $0x7;
	[tilespmem:v60+s0+$0x0] =	vst.idx.msk $0xffff, v59  }
0x230: {  	s11 =	sshll.u32 s17, $0xA;
	s14 =	sand.u32 $0xF80, s19;
	[tilespmem:v63+s0+$0x0] =	vst.idx.msk $0xffff, v5  }
0x231: {  	s11 =	sand.u32 $0xFFF8000, s11;
	s14 =	sadd.s32 s2, s14;
	[tilespmem:v61+s0+$0x0] =	vst.idx.msk $0xffff, v11  }
0x232: {  	s21 =	simm.s32 $0x16A00;
	s14 =	sadd.s32 s11, s14;
	[tilespmem:v62+s0+$0x0] =	vst.idx.msk $0xffff, v6  }
0x233: {  	[hbm4b:s14+s3] =	stream.linear.scatter [tilespmem:s21], [sflag:$0x9], $0x80, $0x38;
	[tilespmem:$0x1AE00] =	vst v63  }
0x234: {  	s15 =	simm.s32 $0x16A88;
	s17 =	sadd.s32 $0x10, s14  }
0x235: {  	[hbm4b:s17+s3] =	stream.linear.scatter [tilespmem:s15], [sflag:$0x9], $0x80, $0x38;
	[tilespmem:$0x1AE00] =	vst v63  }
0x236: {  	s19 =	simm.s32 $0x16B10;
	s21 =	sadd.s32 $0x20, s14  }
0x237: {  	[hbm4b:s21+s3] =	stream.linear.scatter [tilespmem:s19], [sflag:$0x9], $0x80, $0x38;
	[tilespmem:$0x1AE00] =	vst v63  }
0x238: {  	s15 =	simm.s32 $0x16B98;
	s17 =	sadd.s32 $0x30, s14  }
0x239: {  	[hbm4b:s17+s3] =	stream.linear.scatter [tilespmem:s15], [sflag:$0x9], $0x80, $0x38;
	[tilespmem:$0x1AE00] =	vst v63  }
0x23a: {  	s19 =	simm.s32 $0x16C20;
	s21 =	sadd.s32 $0x40, s14  }
0x23b: {  	[hbm4b:s21+s3] =	stream.linear.scatter [tilespmem:s19], [sflag:$0x9], $0x80, $0x38;
	[tilespmem:$0x1AE00] =	vst v63  }
0x23c: {  	s11 =	simm.s32 $0x440;
	s15 =	simm.s32 $0x16CA8;
	s17 =	sadd.s32 $0x50, s14  }
0x23d: {  	[hbm4b:s17+s3] =	stream.linear.scatter [tilespmem:s15], [sflag:$0x9], $0x80, $0x38;
	[tilespmem:$0x1AE00] =	vst v63  }
0x23e: {  	s19 =	simm.s32 $0x16D30;
	s21 =	sadd.s32 $0x60, s14;
	s15 =	simm.s32 $0x2200  }
0x23f: {  	[hbm4b:s21+s3] =	stream.linear.scatter [tilespmem:s19], [sflag:$0x9], $0x80, $0x38;
	[tilespmem:$0x1AE00] =	vst v63  }
0x240: {  	s17 =	simm.s32 $0x16DB8;
	s19 =	sadd.s32 $0x70, s14;
	s14 =	sadd.s32 $0x1000, s14  }
.LBB2_29:
0x241: {  	[hbm4b:s19+s3] =	stream.linear.scatter [tilespmem:s17], [sflag:$0x9], $0x80, $0x38;
	[tilespmem:$0x1AE00] =	vst v63  }
0x242: {  	s17 =	smov.u32 s11;
	s11 =	smov.u32 s15  }
0x243: {  	s21 =	sadd.s32 $0x1100, s15;
	s11 =	sshra.s32 s11, $0x2;
	s19 =	sadd.s32 $0x16A00, s17  }
0x244: {  	[hbm4b:s14+s3] =	stream.linear.scatter [tilespmem:s19], [sflag:$0x9], $0x80, $0x38;
	[tilespmem:$0x1AE00] =	vst v63  }
0x245: {  	p2 =	sne.s32 s15, $0x7700;
	s15 =	sadd.s32 $0x16A88, s17;
	s19 =	sadd.s32 $0x10, s14  }
0x246: {  	[hbm4b:s19+s3] =	stream.linear.scatter [tilespmem:s15], [sflag:$0x9], $0x80, $0x38;
	[tilespmem:$0x1AE00] =	vst v63  }
0x247: {  	s15 =	sadd.s32 $0x16B10, s17;
	s19 =	sadd.s32 $0x20, s14  }
0x248: {  	[hbm4b:s19+s3] =	stream.linear.scatter [tilespmem:s15], [sflag:$0x9], $0x80, $0x38;
	[tilespmem:$0x1AE00] =	vst v63  }
0x249: {  	s15 =	sadd.s32 $0x16B98, s17;
	s19 =	sadd.s32 $0x30, s14  }
0x24a: {  	[hbm4b:s19+s3] =	stream.linear.scatter [tilespmem:s15], [sflag:$0x9], $0x80, $0x38;
	[tilespmem:$0x1AE00] =	vst v63  }
0x24b: {  	s15 =	sadd.s32 $0x16C20, s17;
	s19 =	sadd.s32 $0x40, s14  }
0x24c: {  	[hbm4b:s19+s3] =	stream.linear.scatter [tilespmem:s15], [sflag:$0x9], $0x80, $0x38;
	[tilespmem:$0x1AE00] =	vst v63  }
.Ltmp18:
0x24d: {  	s15 =	sadd.s32 $0x16CA8, s17;
	s19 =	sadd.s32 $0x50, s14;
	(pc) =	sbr.rel @p2 .LBB2_29-.Ltmp18, $4  }
0x24e: {  	[hbm4b:s19+s3] =	stream.linear.scatter [tilespmem:s15], [sflag:$0x9], $0x80, $0x38;
	[tilespmem:$0x1AE00] =	vst v63  }
0x24f: {  	s15 =	sadd.s32 $0x16D30, s17;
	s19 =	sadd.s32 $0x60, s14;
	s17 =	sadd.s32 $0x16DB8, s17  }
0x250: {  	[hbm4b:s19+s3] =	stream.linear.scatter [tilespmem:s15], [sflag:$0x9], $0x80, $0x38;
	[tilespmem:$0x1AE00] =	vst v63  }
0x251: {  	s19 =	sadd.s32 $0x70, s14;
	s14 =	sadd.s32 $0x1000, s14;
	s15 =	smov.u32 s21  }
0x252: {  	[hbm4b:s19+s3] =	stream.linear.scatter [tilespmem:s17], [sflag:$0x9], $0x80, $0x38;
	[tilespmem:$0x1AE00] =	vst v63  }
0x253: {  	s15 =	sadd.s32 $0x16A00, s11  }
0x254: {  	[hbm4b:s14+s3] =	stream.linear.scatter [tilespmem:s15], [sflag:$0x9], $0x80, $0x38;
	[tilespmem:$0x1AE00] =	vst v63  }
0x255: {  	s19 =	sadd.s32 $0x16A88, s11;
	s21 =	sadd.s32 $0x10, s14  }
0x256: {  	[hbm4b:s21+s3] =	stream.linear.scatter [tilespmem:s19], [sflag:$0x9], $0x80, $0x38;
	[tilespmem:$0x1AE00] =	vst v63  }
0x257: {  	s19 =	sadd.s32 $0x16B10, s11;
	s21 =	sadd.s32 $0x20, s14  }
0x258: {  	[hbm4b:s21+s3] =	stream.linear.scatter [tilespmem:s19], [sflag:$0x9], $0x80, $0x38;
	[tilespmem:$0x1AE00] =	vst v63  }
0x259: {  	s19 =	sadd.s32 $0x16B98, s11;
	s21 =	sadd.s32 $0x30, s14  }
0x25a: {  	[hbm4b:s21+s3] =	stream.linear.scatter [tilespmem:s19], [sflag:$0x9], $0x80, $0x38;
	[tilespmem:$0x1AE00] =	vst v63  }
0x25b: {  	s19 =	sadd.s32 $0x16C20, s11;
	s21 =	sadd.s32 $0x40, s14  }
0x25c: {  	[hbm4b:s21+s3] =	stream.linear.scatter [tilespmem:s19], [sflag:$0x9], $0x80, $0x38;
	[tilespmem:$0x1AE00] =	vst v63  }
0x25d: {  	s19 =	sadd.s32 $0x16CA8, s11;
	s21 =	sadd.s32 $0x50, s14  }
0x25e: {  	[hbm4b:s21+s3] =	stream.linear.scatter [tilespmem:s19], [sflag:$0x9], $0x80, $0x38;
	[tilespmem:$0x1AE00] =	vst v63  }
.Ltmp19:
0x25f: {  	_ = 	snop;
	(pc) =	sbr.rel @p1 .LBB2_32-.Ltmp19, $4  }
0x260: {  	s19 =	sadd.s32 $0x16D30, s11;
	s21 =	sadd.s32 $0x60, s14  }
0x261: {  	[hbm4b:s21+s3] =	stream.linear.scatter [tilespmem:s19], [sflag:$0x9], $0x80, $0x38;
	[tilespmem:$0x1AE00] =	vst v63  }
0x262: {  	s19 =	sadd.s32 $0x16DB8, s11;
	s21 =	sadd.s32 $0x70, s14  }
0x263: {  	[hbm4b:s21+s3] =	stream.linear.scatter [tilespmem:s19], [sflag:$0x9], $0x80, $0x38;
	[tilespmem:$0x1AE00] =	vst v63  }
.Ltmp20:
0x264: {  	(pc) =	sbr.rel .LBB2_33-.Ltmp20, $4  }
0x265: {  	_ = 	snop  }
0x266: {  	_ =	swait.ge [sflag:s16], $0x2000  }
0x267: {  	[sflag:s16] =	ssyncset.done $0x0  }
0x268: {  	[sflag:s16] =	ssyncadd.s32 $0xFFFFE000  }
.LBB2_32:
0x269: {  	s11 =	smul.u32 $0xA00, s12;
	_ =	sdelay $0x1  }
0x26a: {  	s11 =	sshra.s32 s11, $0x2  }
.Ltmp21:
0x26b: {  	s14 =	simm.s32 $0xC400;
	s11 =	sadd.s32 $0x400, s11;
	(pc) =	sbr.rel @p0 .LBB2_34-.Ltmp21, $4  }
0x26c: {  	[tilespmem:s14], [sflag:$0x4] =	stream.indirect.gather [hbm4b:s5+s13], $0x40, s11, s13, $0xb8;
	[tilespmem:$0x1AE00] =	vst v63  }
0x26d: {  	_ =	swait.ge [sflag:s16], $0x2000  }
0x26e: {  	[sflag:s16] =	ssyncset.done $0x0  }
0x26f: {  	[sflag:s16] =	ssyncadd.s32 $0xFFFFE000  }
.LBB2_33:
0x270: {  	_ =	swait.ge [sflag:s18], $0x2000  }
0x271: {  	[sflag:s18] =	ssyncset.done $0x0  }
0x272: {  	[sflag:s18] =	ssyncadd.s32 $0xFFFFE000  }
.LBB2_34:
0x273: {  	s11 =	simm.s32 $0x3  }
0x274: {  	s19 =	simm.s32 $0x0;
	v4 =	vmov s11  }
0x275: {  	s14 =	simm.s32 $0xE480;
	v5 =	vand.u32 $0x7F, v4;
	v4 =	vmov s19  }
0x276: {  	s21 =	simm.s32 $0x1;
	v7 =	vld [tilespmem:s14+$0x40];
	v8 =	vadd.s32 v0, v5;
	v6 =	vand.u32 $0x7C, v4  }
0x277: {  	v9 =	vld [tilespmem:s14+$0xFFFFFF80];
	v4 =	vmov s21;
	v10 =	vadd.s32 v0, v6  }
0x278: {  	s15 =	simm.s32 $0x2;
	v11 =	vand.u32 $0x7D, v4  }
0x279: {  	v13 =	vmov s15;
	v4 =	vld [tilespmem:s14+$0xFFFFFFC0];
	v12 =	vadd.s32 v0, v11  }
0x27a: {  	v13 =	vand.u32 $0x7E, v13  }
0x27b: {  	v14 =	vld [tilespmem:s14+$0x0];
	v15 =	vadd.s32 v0, v13;
	[tilespmem:v8+s20+$0x0] =	vst.idx.msk $0xffff, v7  }
0x27c: {  	v8 =	vadd.s32 v1, v5;
	v7 =	vld [tilespmem:s14+$0x50];
	[tilespmem:v10+s20+$0x0] =	vst.idx.msk $0xffff, v9  }
0x27d: {  	v10 =	vadd.s32 v1, v6;
	v9 =	vld [tilespmem:s14+$0xFFFFFF90]  }
0x27e: {  	[tilespmem:v12+s20+$0x0] =	vst.idx.msk $0xffff, v4  }
0x27f: {  	v12 =	vadd.s32 v1, v11;
	v4 =	vld [tilespmem:s14+$0xFFFFFFD0]  }
0x280: {  	[tilespmem:v15+s20+$0x0] =	vst.idx.msk $0xffff, v14  }
0x281: {  	s17 =	simm.s32 $0x7;
	v16 =	vadd.s32 v1, v13;
	v15 =	vld [tilespmem:s14+$0x10];
	[tilespmem:v8+s20+$0x0] =	vst.idx.msk $0xffff, v7  }
0x282: {  	v14 =	vadd.s32 v2, v5;
	v8 =	vmov s17;
	v7 =	vld [tilespmem:s14+$0x60];
	[tilespmem:v10+s20+$0x0] =	vst.idx.msk $0xffff, v9  }
0x283: {  	s11 =	simm.s32 $0xE580;
	v10 =	vadd.s32 v2, v6;
	v8 =	vand.u32 $0x7F, v8;
	v9 =	vld [tilespmem:s14+$0xFFFFFFA0]  }
0x284: {  	s15 =	simm.s32 $0x4;
	v18 =	vld [tilespmem:s11+$0x40];
	[tilespmem:v12+s20+$0x0] =	vst.idx.msk $0xffff, v4;
	v19 =	vadd.s32 v0, v8  }
0x285: {  	s19 =	simm.s32 $0x5;
	v17 =	vadd.s32 v2, v11;
	v4 =	vmov s15;
	v12 =	vld [tilespmem:s14+$0xFFFFFFE0]  }
0x286: {  	v22 =	vmov s19;
	s21 =	simm.s32 $0x6;
	[tilespmem:v16+s20+$0x0] =	vst.idx.msk $0xffff, v15;
	v4 =	vand.u32 $0x7C, v4  }
0x287: {  	v20 =	vld [tilespmem:s11+$0xFFFFFF80];
	v21 =	vadd.s32 v0, v4;
	[tilespmem:v14+s20+$0x0] =	vst.idx.msk $0xffff, v7;
	v7 =	vand.u32 $0x7D, v22;
	v14 =	vmov s21  }
0x288: {  	v16 =	vadd.s32 v3, v5;
	[tilespmem:v10+s20+$0x0] =	vst.idx.msk $0xffff, v9;
	v9 =	vld [tilespmem:s11+$0xFFFFFFC0];
	v10 =	vadd.s32 v0, v7;
	v5 =	vand.u32 $0x7E, v14  }
0x289: {  	v14 =	vld [tilespmem:s11+$0x0];
	[tilespmem:v19+s20+$0x0] =	vst.idx.msk $0xffff, v18;
	v63 =	vadd.s32 v0, v5  }
0x28a: {  	v18 =	vadd.s32 v2, v13;
	[tilespmem:v17+s20+$0x0] =	vst.idx.msk $0xffff, v12;
	v12 =	vld [tilespmem:s14+$0x20]  }
0x28b: {  	v15 =	vld [tilespmem:s14+$0x70]  }
0x28c: {  	v19 =	vld [tilespmem:s11+$0x50];
	[tilespmem:v21+s20+$0x0] =	vst.idx.msk $0xffff, v20;
	v20 =	vadd.s32 v1, v8  }
0x28d: {  	v23 =	vadd.s32 v1, v4;
	v21 =	vld [tilespmem:s11+$0xFFFFFF90];
	[tilespmem:v10+s20+$0x0] =	vst.idx.msk $0xffff, v9  }
0x28e: {  	v25 =	vadd.s32 v3, v11;
	v24 =	vld [tilespmem:s14+$0xFFFFFFF0];
	[tilespmem:v63+s20+$0x0] =	vst.idx.msk $0xffff, v14  }
0x28f: {  	v17 =	vld [tilespmem:s11+$0xFFFFFFD0];
	[tilespmem:v18+s20+$0x0] =	vst.idx.msk $0xffff, v12;
	v18 =	vadd.s32 v1, v7  }
0x290: {  	[tilespmem:v16+s20+$0x0] =	vst.idx.msk $0xffff, v15;
	v16 =	vadd.s32 v1, v5;
	v15 =	vld [tilespmem:s11+$0x10]  }
0x291: {  	v14 =	vadd.s32 v3, v13;
	[tilespmem:v20+s20+$0x0] =	vst.idx.msk $0xffff, v19;
	v11 =	vld [tilespmem:s14+$0x30]  }
0x292: {  	v12 =	vadd.s32 v2, v8;
	[tilespmem:v23+s20+$0x0] =	vst.idx.msk $0xffff, v21;
	v9 =	vld [tilespmem:s11+$0x60]  }
0x293: {  	s19 =	simm.s32 $0xB;
	s17 =	simm.s32 $0xC;
	s15 =	simm.s32 $0x8;
	v13 =	vadd.s32 v2, v4;
	[tilespmem:v25+s20+$0x0] =	vst.idx.msk $0xffff, v24;
	v10 =	vld [tilespmem:s11+$0xFFFFFFA0]  }
.LBB2_35:
0x294: {  	p0 =	slt.u32 s17, $0x7C;
	v19 =	vmov s19;
	[tilespmem:v18+s20+$0x0] =	vst.idx.msk $0xffff, v17;
	v17 =	vld [tilespmem:s14+$0xFFFFFFB0];
	v18 =	vadd.s32 v3, v6;
	v6 =	vmov v4;
	s14 =	smov.u32 s11  }
0x295: {  	v4 =	vmov s15;
	v21 =	vadd.s32 v2, v7;
	s11 =	sadd.s32 $0x100, s11;
	v19 =	vand.u32 $0x7F, v19;
	v20 =	vld [tilespmem:s14+$0xFFFFFFE0];
	[tilespmem:v16+s20+$0x0] =	vst.idx.msk $0xffff, v15  }
0x296: {  	s19 =	sadd.s32 $0x1, s15;
	v4 =	vand.u32 $0x7C, v4;
	v15 =	vld [tilespmem:s11+$0x40];
	v16 =	vadd.s32 v0, v19;
	[tilespmem:v14+s20+$0x0] =	vst.idx.msk $0xffff, v11  }
0x297: {  	v22 =	vmov s19;
	s19 =	sadd.s32 $0x2, s15;
	s15 =	smov.u32 s17;
	v14 =	vadd.s32 v0, v4;
	v11 =	vld [tilespmem:s11+$0xFFFFFF80];
	[tilespmem:v12+s20+$0x0] =	vst.idx.msk $0xffff, v9  }
0x298: {  	v9 =	vand.u32 $0x7D, v22;
	v12 =	vmov s19;
	[tilespmem:v13+s20+$0x0] =	vst.idx.msk $0xffff, v10;
	v10 =	vld [tilespmem:s14+$0x70];
	v13 =	vadd.s32 v3, v8;
	v8 =	vmovc v19  }
0x299: {  	v22 =	vadd.s32 v0, v9;
	v12 =	vand.u32 $0x7E, v12;
	v19 =	vld [tilespmem:s11+$0xFFFFFFC0];
	[tilespmem:v18+s20+$0x0] =	vst.idx.msk $0xffff, v17  }
0x29a: {  	v24 =	vadd.s32 v0, v12;
	v23 =	vld [tilespmem:s11+$0x0];
	[tilespmem:v21+s20+$0x0] =	vst.idx.msk $0xffff, v20  }
0x29b: {  	v21 =	vadd.s32 v2, v5;
	[tilespmem:v16+s20+$0x0] =	vst.idx.msk $0xffff, v15;
	v20 =	vld [tilespmem:s14+$0x20]  }
0x29c: {  	[tilespmem:v14+s20+$0x0] =	vst.idx.msk $0xffff, v11;
	v11 =	vld [tilespmem:s11+$0x50];
	v14 =	vadd.s32 v1, v8  }
0x29d: {  	v26 =	vadd.s32 v1, v4;
	v25 =	vld [tilespmem:s11+$0xFFFFFF90];
	[tilespmem:v13+s20+$0x0] =	vst.idx.msk $0xffff, v10  }
0x29e: {  	[tilespmem:v22+s20+$0x0] =	vst.idx.msk $0xffff, v19;
	v19 =	vld [tilespmem:s14+$0xFFFFFFF0];
	v22 =	vadd.s32 v3, v7;
	v7 =	vmov v9  }
.Ltmp22:
0x29f: {  	v17 =	vld [tilespmem:s11+$0xFFFFFFD0];
	v18 =	vadd.s32 v1, v7;
	[tilespmem:v24+s20+$0x0] =	vst.idx.msk $0xffff, v23;
	(pc) =	sbr.rel @p0 .LBB2_35-.Ltmp22, $4  }
0x2a0: {  	v16 =	vadd.s32 v1, v12;
	v15 =	vld [tilespmem:s11+$0x10];
	[tilespmem:v21+s20+$0x0] =	vst.idx.msk $0xffff, v20  }
0x2a1: {  	[tilespmem:v14+s20+$0x0] =	vst.idx.msk $0xffff, v11;
	v11 =	vld [tilespmem:s14+$0x30];
	v14 =	vadd.s32 v3, v5;
	v5 =	vmov v12  }
0x2a2: {  	v12 =	vadd.s32 v2, v8;
	[tilespmem:v26+s20+$0x0] =	vst.idx.msk $0xffff, v25;
	v9 =	vld [tilespmem:s11+$0x60]  }
0x2a3: {  	s17 =	sadd.s32 $0x4, s17;
	s19 =	sadd.s32 $0x3, s15;
	v13 =	vadd.s32 v2, v4;
	v10 =	vld [tilespmem:s11+$0xFFFFFFA0];
	[tilespmem:v22+s20+$0x0] =	vst.idx.msk $0xffff, v19  }
0x2a4: {  	_ =	sdelay $0x2  }
0x2a5: {  	v19 =	vmov s19  }
0x2a6: {  	s17 =	sadd.s32 $0x1, s15;
	[tilespmem:v18+s20+$0x0] =	vst.idx.msk $0xffff, v17;
	v30 =	vld [tilespmem:s14+$0xFFFFFFB0];
	v6 =	vadd.s32 v3, v6;
	s21 =	sadd.s32 $0x100, s11;
	v21 =	vmov s15;
	v31 =	vand.u32 $0x7F, v19  }
0x2a7: {  	s19 =	sadd.s32 $0x2, s15;
	v32 =	vmov s17;
	[tilespmem:v16+s20+$0x0] =	vst.idx.msk $0xffff, v15;
	v33 =	vld [tilespmem:s21+$0x40];
	v21 =	vand.u32 $0x7C, v21;
	v34 =	vadd.s32 v0, v31  }
0x2a8: {  	v20 =	vmov s19;
	v22 =	vld [tilespmem:s21+$0xFFFFFF80];
	v19 =	vand.u32 $0x7D, v32;
	[tilespmem:v14+s20+$0x0] =	vst.idx.msk $0xffff, v11;
	v39 =	vadd.s32 v0, v21  }
0x2a9: {  	v35 =	vld [tilespmem:s21+$0xFFFFFFC0];
	v20 =	vand.u32 $0x7E, v20;
	v36 =	vadd.s32 v0, v19;
	[tilespmem:v12+s20+$0x0] =	vst.idx.msk $0xffff, v9  }
0x2aa: {  	v37 =	vld [tilespmem:s21+$0x0];
	v38 =	vadd.s32 v0, v20;
	[tilespmem:v13+s20+$0x0] =	vst.idx.msk $0xffff, v10  }
0x2ab: {  	v41 =	vadd.s32 v2, v7;
	v40 =	vld [tilespmem:s11+$0xFFFFFFE0];
	[tilespmem:v6+s20+$0x0] =	vst.idx.msk $0xffff, v30  }
0x2ac: {  	v49 =	vadd.s32 v2, v5;
	v48 =	vld [tilespmem:s11+$0x20];
	[tilespmem:v34+s20+$0x0] =	vst.idx.msk $0xffff, v33  }
0x2ad: {  	v43 =	vadd.s32 v1, v31;
	[tilespmem:v39+s20+$0x0] =	vst.idx.msk $0xffff, v22;
	v15 =	vld [tilespmem:s21+$0x50]  }
0x2ae: {  	v47 =	vadd.s32 v1, v21;
	[tilespmem:v36+s20+$0x0] =	vst.idx.msk $0xffff, v35;
	v46 =	vld [tilespmem:s21+$0xFFFFFF90]  }
0x2af: {  	v44 =	vadd.s32 v1, v19;
	[tilespmem:v38+s20+$0x0] =	vst.idx.msk $0xffff, v37;
	v11 =	vld [tilespmem:s21+$0xFFFFFFD0]  }
0x2b0: {  	v45 =	vadd.s32 v1, v20;
	[tilespmem:v41+s20+$0x0] =	vst.idx.msk $0xffff, v40;
	v9 =	vld [tilespmem:s21+$0x10]  }
0x2b1: {  	v8 =	vadd.s32 v3, v8;
	v42 =	vld [tilespmem:s11+$0x70];
	[tilespmem:v49+s20+$0x0] =	vst.idx.msk $0xffff, v48  }
0x2b2: {  	v5 =	vadd.s32 v3, v5;
	v13 =	vld [tilespmem:s11+$0x30];
	[tilespmem:v43+s20+$0x0] =	vst.idx.msk $0xffff, v15  }
0x2b3: {  	v52 =	vadd.s32 v2, v31;
	[tilespmem:v47+s20+$0x0] =	vst.idx.msk $0xffff, v46;
	v15 =	vld [tilespmem:s21+$0x60]  }
0x2b4: {  	v57 =	vadd.s32 v2, v21;
	[tilespmem:v44+s20+$0x0] =	vst.idx.msk $0xffff, v11;
	v56 =	vld [tilespmem:s21+$0xFFFFFFA0]  }
0x2b5: {  	v53 =	vadd.s32 v2, v19;
	[tilespmem:v45+s20+$0x0] =	vst.idx.msk $0xffff, v9;
	v11 =	vld [tilespmem:s21+$0xFFFFFFE0]  }
0x2b6: {  	v55 =	vadd.s32 v2, v20;
	[tilespmem:v8+s20+$0x0] =	vst.idx.msk $0xffff, v42;
	v54 =	vld [tilespmem:s21+$0x20]  }
0x2b7: {  	v4 =	vadd.s32 v3, v4;
	v58 =	vld [tilespmem:s11+$0xFFFFFFB0];
	[tilespmem:v5+s20+$0x0] =	vst.idx.msk $0xffff, v13  }
0x2b8: {  	v51 =	vadd.s32 v3, v7;
	v50 =	vld [tilespmem:s11+$0xFFFFFFF0];
	[tilespmem:v52+s20+$0x0] =	vst.idx.msk $0xffff, v15  }
0x2b9: {  	v60 =	vadd.s32 v3, v31;
	[tilespmem:v57+s20+$0x0] =	vst.idx.msk $0xffff, v56;
	v59 =	vld [tilespmem:s21+$0x70]  }
0x2ba: {  	v63 =	vadd.s32 v3, v21;
	[tilespmem:v53+s20+$0x0] =	vst.idx.msk $0xffff, v11;
	v5 =	vld [tilespmem:s21+$0xFFFFFFB0]  }
0x2bb: {  	v61 =	vadd.s32 v3, v19;
	[tilespmem:v55+s20+$0x0] =	vst.idx.msk $0xffff, v54;
	v11 =	vld [tilespmem:s21+$0xFFFFFFF0]  }
0x2bc: {  	v62 =	vadd.s32 v3, v20;
	[tilespmem:v4+s20+$0x0] =	vst.idx.msk $0xffff, v58;
	v6 =	vld [tilespmem:s21+$0x30]  }
0x2bd: {  	s6 =	sadd.s32 s6, s10;
	[tilespmem:v51+s20+$0x0] =	vst.idx.msk $0xffff, v50  }
0x2be: {  	s21 =	sshll.u32 s6, $0x7;
	[tilespmem:v60+s20+$0x0] =	vst.idx.msk $0xffff, v59  }
0x2bf: {  	s6 =	sshll.u32 s6, $0xA;
	s11 =	sand.u32 $0xF80, s21;
	[tilespmem:v63+s20+$0x0] =	vst.idx.msk $0xffff, v5  }
0x2c0: {  	s6 =	sand.u32 $0xFFF8000, s6;
	s11 =	sadd.s32 s2, s11;
	[tilespmem:v61+s20+$0x0] =	vst.idx.msk $0xffff, v11  }
0x2c1: {  	s14 =	simm.s32 $0x18C00;
	s11 =	sadd.s32 s6, s11;
	[tilespmem:v62+s20+$0x0] =	vst.idx.msk $0xffff, v6  }
0x2c2: {  	[hbm4b:s11+s3] =	stream.linear.scatter [tilespmem:s14], [sflag:$0xA], $0x80, $0x38;
	[tilespmem:$0x1AE00] =	vst v63  }
0x2c3: {  	s15 =	simm.s32 $0x18C88;
	s17 =	sadd.s32 $0x10, s11  }
0x2c4: {  	[hbm4b:s17+s3] =	stream.linear.scatter [tilespmem:s15], [sflag:$0xA], $0x80, $0x38;
	[tilespmem:$0x1AE00] =	vst v63  }
0x2c5: {  	s19 =	simm.s32 $0x18D10;
	s6 =	simm.s32 $0x440;
	s21 =	sadd.s32 $0x20, s11  }
0x2c6: {  	[hbm4b:s21+s3] =	stream.linear.scatter [tilespmem:s19], [sflag:$0xA], $0x80, $0x38;
	[tilespmem:$0x1AE00] =	vst v63  }
0x2c7: {  	s14 =	simm.s32 $0x2200;
	s15 =	simm.s32 $0x18D98;
	s17 =	sadd.s32 $0x30, s11  }
0x2c8: {  	[hbm4b:s17+s3] =	stream.linear.scatter [tilespmem:s15], [sflag:$0xA], $0x80, $0x38;
	[tilespmem:$0x1AE00] =	vst v63  }
0x2c9: {  	s19 =	simm.s32 $0x18E20;
	s21 =	sadd.s32 $0x40, s11;
	s15 =	simm.s32 $0x18EA8  }
0x2ca: {  	[hbm4b:s21+s3] =	stream.linear.scatter [tilespmem:s19], [sflag:$0xA], $0x80, $0x38;
	[tilespmem:$0x1AE00] =	vst v63  }
0x2cb: {  	s17 =	sadd.s32 $0x50, s11;
	s19 =	simm.s32 $0x18F30;
	s21 =	sadd.s32 $0x60, s11  }
0x2cc: {  	[hbm4b:s17+s3] =	stream.linear.scatter [tilespmem:s15], [sflag:$0xA], $0x80, $0x38;
	[tilespmem:$0x1AE00] =	vst v63  }
0x2cd: {  	s15 =	simm.s32 $0x18FB8;
	s17 =	sadd.s32 $0x70, s11;
	s11 =	sadd.s32 $0x1000, s11  }
0x2ce: {  	[hbm4b:s21+s3] =	stream.linear.scatter [tilespmem:s19], [sflag:$0xA], $0x80, $0x38;
	[tilespmem:$0x1AE00] =	vst v63  }
.LBB2_37:
0x2cf: {  	[hbm4b:s17+s3] =	stream.linear.scatter [tilespmem:s15], [sflag:$0xA], $0x80, $0x38;
	[tilespmem:$0x1AE00] =	vst v63  }
0x2d0: {  	s15 =	smov.u32 s6;
	s6 =	smov.u32 s14  }
0x2d1: {  	s19 =	sadd.s32 $0x1100, s14;
	s6 =	sshra.s32 s6, $0x2;
	s17 =	sadd.s32 $0x18C00, s15  }
0x2d2: {  	[hbm4b:s11+s3] =	stream.linear.scatter [tilespmem:s17], [sflag:$0xA], $0x80, $0x38;
	[tilespmem:$0x1AE00] =	vst v63  }
0x2d3: {  	p0 =	sne.s32 s14, $0x7700;
	s14 =	sadd.s32 $0x18C88, s15;
	s17 =	sadd.s32 $0x10, s11  }
0x2d4: {  	[hbm4b:s17+s3] =	stream.linear.scatter [tilespmem:s14], [sflag:$0xA], $0x80, $0x38;
	[tilespmem:$0x1AE00] =	vst v63  }
0x2d5: {  	s14 =	sadd.s32 $0x18D10, s15;
	s17 =	sadd.s32 $0x20, s11  }
0x2d6: {  	[hbm4b:s17+s3] =	stream.linear.scatter [tilespmem:s14], [sflag:$0xA], $0x80, $0x38;
	[tilespmem:$0x1AE00] =	vst v63  }
0x2d7: {  	s14 =	sadd.s32 $0x18D98, s15;
	s17 =	sadd.s32 $0x30, s11  }
0x2d8: {  	[hbm4b:s17+s3] =	stream.linear.scatter [tilespmem:s14], [sflag:$0xA], $0x80, $0x38;
	[tilespmem:$0x1AE00] =	vst v63  }
0x2d9: {  	s14 =	sadd.s32 $0x18E20, s15;
	s17 =	sadd.s32 $0x40, s11  }
0x2da: {  	[hbm4b:s17+s3] =	stream.linear.scatter [tilespmem:s14], [sflag:$0xA], $0x80, $0x38;
	[tilespmem:$0x1AE00] =	vst v63  }
.Ltmp23:
0x2db: {  	s14 =	sadd.s32 $0x18EA8, s15;
	s17 =	sadd.s32 $0x50, s11;
	(pc) =	sbr.rel @p0 .LBB2_37-.Ltmp23, $4  }
0x2dc: {  	[hbm4b:s17+s3] =	stream.linear.scatter [tilespmem:s14], [sflag:$0xA], $0x80, $0x38;
	[tilespmem:$0x1AE00] =	vst v63  }
0x2dd: {  	s14 =	sadd.s32 $0x18F30, s15;
	s17 =	sadd.s32 $0x60, s11;
	s15 =	sadd.s32 $0x18FB8, s15  }
0x2de: {  	[hbm4b:s17+s3] =	stream.linear.scatter [tilespmem:s14], [sflag:$0xA], $0x80, $0x38;
	[tilespmem:$0x1AE00] =	vst v63  }
0x2df: {  	s17 =	sadd.s32 $0x70, s11;
	s11 =	sadd.s32 $0x1000, s11;
	s14 =	smov.u32 s19  }
0x2e0: {  	[hbm4b:s17+s3] =	stream.linear.scatter [tilespmem:s15], [sflag:$0xA], $0x80, $0x38;
	[tilespmem:$0x1AE00] =	vst v63  }
0x2e1: {  	s14 =	sadd.s32 $0x18C00, s6  }
0x2e2: {  	[hbm4b:s11+s3] =	stream.linear.scatter [tilespmem:s14], [sflag:$0xA], $0x80, $0x38;
	[tilespmem:$0x1AE00] =	vst v63  }
0x2e3: {  	s19 =	sadd.s32 $0x18C88, s6;
	s21 =	sadd.s32 $0x10, s11  }
0x2e4: {  	[hbm4b:s21+s3] =	stream.linear.scatter [tilespmem:s19], [sflag:$0xA], $0x80, $0x38;
	[tilespmem:$0x1AE00] =	vst v63  }
0x2e5: {  	s15 =	sadd.s32 $0x18D10, s6;
	s17 =	sadd.s32 $0x20, s11  }
0x2e6: {  	[hbm4b:s17+s3] =	stream.linear.scatter [tilespmem:s15], [sflag:$0xA], $0x80, $0x38;
	[tilespmem:$0x1AE00] =	vst v63  }
0x2e7: {  	s19 =	sadd.s32 $0x18D98, s6;
	s21 =	sadd.s32 $0x30, s11  }
0x2e8: {  	[hbm4b:s21+s3] =	stream.linear.scatter [tilespmem:s19], [sflag:$0xA], $0x80, $0x38;
	[tilespmem:$0x1AE00] =	vst v63  }
0x2e9: {  	s15 =	sadd.s32 $0x18E20, s6;
	s17 =	sadd.s32 $0x40, s11  }
0x2ea: {  	[hbm4b:s17+s3] =	stream.linear.scatter [tilespmem:s15], [sflag:$0xA], $0x80, $0x38;
	[tilespmem:$0x1AE00] =	vst v63  }
0x2eb: {  	p0 =	seq.s32 s12, $0x27;
	s19 =	sadd.s32 $0x18EA8, s6;
	s21 =	sadd.s32 $0x50, s11  }
0x2ec: {  	[hbm4b:s21+s3] =	stream.linear.scatter [tilespmem:s19], [sflag:$0xA], $0x80, $0x38;
	[tilespmem:$0x1AE00] =	vst v63  }
.Ltmp24:
0x2ed: {  	_ = 	snop;
	(pc) =	sbr.rel @p0 .LBB2_40-.Ltmp24, $4  }
0x2ee: {  	s15 =	sadd.s32 $0x18F30, s6;
	s17 =	sadd.s32 $0x60, s11  }
0x2ef: {  	[hbm4b:s17+s3] =	stream.linear.scatter [tilespmem:s15], [sflag:$0xA], $0x80, $0x38;
	[tilespmem:$0x1AE00] =	vst v63  }
0x2f0: {  	s19 =	sadd.s32 $0x18FB8, s6;
	s21 =	sadd.s32 $0x70, s11  }
0x2f1: {  	[hbm4b:s21+s3] =	stream.linear.scatter [tilespmem:s19], [sflag:$0xA], $0x80, $0x38;
	[tilespmem:$0x1AE00] =	vst v63  }
0x2f2: {  	s6 =	smul.u32 $0xA00, s12  }
.Ltmp25:
0x2f3: {  	_ = 	snop;
	(pc) =	sbr.rel .LBB2_2-.Ltmp25, $4  }
0x2f4: {  	_ = 	snop  }
0x2f5: {  	s6 =	sshra.s32 s6, $0x2  }
0x2f6: {  	s11 =	simm.s32 $0xE400;
	s12 =	sadd.s32 $0x1, s12;
	s6 =	sadd.s32 $0x480, s6  }
0x2f7: {  	[tilespmem:s11], [sflag:$0x5] =	stream.indirect.gather [hbm4b:s5+s13], $0x40, s6, s13, $0xb8;
	[tilespmem:$0x1AE00] =	vst v63  }
.LBB2_41:
0x2f8: {  	_ =	sfence.sel $0x180000  }
0x2f9: {  	[bflag:$0x0] =	sbarrier.arrive $0xFFFF  }
0x2fa: {  	_ =	strace $0x90000047  }
0x2fb: {  	s0 =	stileid.u32;
	[bflag:$0x2] =	sbarrier.arrive $0xFFFF  }
0x2fc: {  	p0 =	sne.s32 s0, $0x0;
	s0 =	rddreg [dreg:$0x3]  }
0x2fd: {  	s0 =	sadd.s32 @!p0 $0x100000, s0  }
0x2fe: {  	[sflag:s0] =	ssyncadd.tile.s32 @!p0 $0x1;
	_ =	shalt  }
.Lfunc_end2:
_tile_overlayer_lowered:
.L_overlay_start_2:
0x2ff: {  	(tag) =	ssettag $0x2  }
0x300: {  	s0 =	rddreg [dreg:$0x0];
	s2 =	stileid.u32  }
0x301: {  	s1 =	rddreg [dreg:$0x1];
	p0 =	sne.s32 s2, $0x0  }
0x302: {  	s3 =	rddreg [dreg:$0x2];
	[bflag:$0x3] =	sbarrier.arrive $0xFFFF;
	s2 =	simm.s32 @!p0 $0x1C0B  }
0x303: {  	[timem:s3], [sflag:s2] =	dma.local @!p0 [hbm:s0], s1  }
0x304: {  	s0 =	simm.s32 @!p0 $0xB  }
0x305: {  	_ =	swait.ge @!p0 [sflag:s0], s1  }
0x306: {  	s1 =	ssub.s32 @!p0 $0x0, s1;
	[sflag:s0] =	ssyncset.done @!p0 $0x0  }
0x307: {  	[sflag:s0] =	ssyncadd.s32 @!p0 s1  }
0x308: {  	[bflag:$0x3] =	sbarrier.arrive $0xFFFF  }
0x309: {  	_ =	shalt  }

</sc_bundles>
